<compile_context>
chip_gen: v7x
topology: tpu7x:2x2x1
jax: 0.10.2.dev20260603
libtpu: 0.0.44.dev20260713+nightly
codegen_flags: <defaults>
</compile_context>

<pallas_src>
import functools

import jax
import jax.numpy as jnp
from jax import lax
from jax.experimental import pallas as pl
from jax.experimental.pallas import tpu as pltpu
from jax.experimental.pallas import tpu_sc as plsc

N_NODES = 10000
N_EDGES = 320000
D_IN = 128
D_OUT = 128

NUM_CORES = 2
NUM_SUBCORES = 16
NUM_TILES = NUM_CORES * NUM_SUBCORES

E_PER_TILE = N_EDGES // NUM_TILES
CHUNK = 80
N_CHUNKS = E_PER_TILE // CHUNK
ROWS_PER_TILE = N_NODES // NUM_SUBCORES
CNT_ROWS = 10240
CNT_STRIPE = CNT_ROWS // NUM_SUBCORES
NB_R = 3
NB_I = 4
UNROLL = 12
LOOP_CHUNKS = N_CHUNKS - 5


def _sc_body(x_hbm, ei_hbm, zeros2d_hbm, zeros1d_hbm, ones_hbm,
             parts_hbm, cnts_hbm,
             srcb0, srcb1, srcb2, srcb3, dstb0, dstb1, dstb2, dstb3,
             rows0, rows1, rows2, ones_v, cbuf, acc_sh, cnt_sh,
             isem0, isem1, isem2, isem3, gsem0, gsem1, gsem2,
             fsem0, fsem1, fsem2, csem0, csem1, csem2, csem3):
    c = lax.axis_index("c")
    s = lax.axis_index("s")
    wid = c * NUM_SUBCORES + s
    ebase = wid * E_PER_TILE
    abase = s * ROWS_PER_TILE
    cntbase = s * CNT_STRIPE
    srcb = (srcb0, srcb1, srcb2, srcb3)
    dstb = (dstb0, dstb1, dstb2, dstb3)
    rows = (rows0, rows1, rows2)
    isem = (isem0, isem1, isem2, isem3)
    gsem = (gsem0, gsem1, gsem2)
    fsem = (fsem0, fsem1, fsem2)
    csem = (csem0, csem1, csem2, csem3)

    pltpu.sync_copy(zeros2d_hbm, rows0)
    for k in range(7):
        pltpu.sync_copy(rows0, acc_sh.at[pl.ds(abase + k * CHUNK, CHUNK)])
    pltpu.sync_copy(rows0.at[pl.ds(0, 65)],
                    acc_sh.at[pl.ds(abase + 560, 65)])
    pltpu.sync_copy(zeros1d_hbm, cbuf)
    pltpu.sync_copy(cbuf, cnt_sh.at[pl.ds(cntbase, CNT_STRIPE)])
    pltpu.sync_copy(ones_hbm, ones_v)
    plsc.subcore_barrier()

    def idx_start(q, i):
        off = ebase + i * CHUNK
        pltpu.async_copy(ei_hbm.at[0, pl.ds(off, CHUNK)], srcb[q], isem[q])
        pltpu.async_copy(ei_hbm.at[1, pl.ds(off, CHUNK)], dstb[q], isem[q])

    def idx_wait(q):
        pltpu.make_async_copy(ei_hbm.at[0, pl.ds(0, CHUNK)], srcb[q], isem[q]).wait()
        pltpu.make_async_copy(ei_hbm.at[1, pl.ds(0, CHUNK)], dstb[q], isem[q]).wait()

    def g_start(r, q):
        pltpu.async_copy(x_hbm.at[srcb[q]], rows[r], gsem[r])

    def g_wait(r, q):
        pltpu.make_async_copy(x_hbm.at[srcb[q]], rows[r], gsem[r]).wait()

    def f_start(r, q):
        pltpu.async_copy(rows[r], acc_sh.at[dstb[q]], fsem[r], add=True)

    def f_wait(r, q):
        pltpu.make_async_copy(rows[r], acc_sh.at[dstb[q]], fsem[r]).wait()

    def c_start(q):
        pltpu.async_copy(ones_v, cnt_sh.at[dstb[q]], csem[q], add=True)

    def c_wait(q):
        pltpu.make_async_copy(ones_v, cnt_sh.at[dstb[q]], csem[q]).wait()

    def slot(i, roff, qoff):
        r, q = roff % NB_R, qoff % NB_I
        g_wait(r, q)
        f_start(r, q)
        c_start(q)
        if isinstance(i, int) and i == 0:
            pass
        else:
            f_wait((roff - 1) % NB_R, (qoff - 1) % NB_I)
            c_wait((qoff - 1) % NB_I)
        idx_wait((qoff + 2) % NB_I)
        g_start((roff + 2) % NB_R, (qoff + 2) % NB_I)
        nxt = jnp.minimum(i + 3, N_CHUNKS - 1)
        idx_start((qoff + 3) % NB_I, nxt)

    for q in range(3):
        idx_start(q, q)
    idx_wait(0)
    g_start(0, 0)
    idx_wait(1)
    g_start(1, 1)
    slot(0, 0, 0)
    slot(1, 1, 1)

    def step(j, carry):
        base = 2 + UNROLL * j
        for roff in range(UNROLL):
            slot(base + roff, 2 + roff, 2 + roff)
        return carry

    lax.fori_loop(0, LOOP_CHUNKS // UNROLL, step, 0)

    idx_wait((124) % NB_I)
    g_start((124) % NB_R, (124) % NB_I)
    for i in (122, 123, 124):
        r, q = i % NB_R, i % NB_I
        g_wait(r, q)
        f_start(r, q)
        c_start(q)
        f_wait((i - 1) % NB_R, (i - 1) % NB_I)
        c_wait((i - 1) % NB_I)
    f_wait(124 % NB_R, 124 % NB_I)
    c_wait(124 % NB_I)
    plsc.subcore_barrier()

    for k in range(7):
        r0 = abase + k * CHUNK
        pltpu.sync_copy(acc_sh.at[pl.ds(r0, CHUNK)], rows0)
        pltpu.sync_copy(rows0, parts_hbm.at[c, pl.ds(r0, CHUNK)])
    pltpu.sync_copy(acc_sh.at[pl.ds(abase + 560, 65)], rows0.at[pl.ds(0, 65)])
    pltpu.sync_copy(rows0.at[pl.ds(0, 65)],
                    parts_hbm.at[c, pl.ds(abase + 560, 65)])
    pltpu.sync_copy(cnt_sh.at[pl.ds(cntbase, CNT_STRIPE)], cbuf)
    pltpu.sync_copy(cbuf, cnts_hbm.at[c, pl.ds(cntbase, CNT_STRIPE)])


_sc_aggregate = functools.partial(
    pl.kernel,
    out_type=(
        jax.ShapeDtypeStruct((NUM_CORES, N_NODES, D_IN), jnp.bfloat16),
        jax.ShapeDtypeStruct((NUM_CORES, CNT_ROWS), jnp.float32),
    ),
    mesh=plsc.VectorSubcoreMesh(core_axis_name="c", subcore_axis_name="s"),
    compiler_params=pltpu.CompilerParams(use_tc_tiling_on_sc=False),
    scratch_types=[
        pltpu.VMEM((CHUNK,), jnp.int32),
        pltpu.VMEM((CHUNK,), jnp.int32),
        pltpu.VMEM((CHUNK,), jnp.int32),
        pltpu.VMEM((CHUNK,), jnp.int32),
        pltpu.VMEM((CHUNK,), jnp.int32),
        pltpu.VMEM((CHUNK,), jnp.int32),
        pltpu.VMEM((CHUNK,), jnp.int32),
        pltpu.VMEM((CHUNK,), jnp.int32),
        pltpu.VMEM((CHUNK, D_IN), jnp.bfloat16),
        pltpu.VMEM((CHUNK, D_IN), jnp.bfloat16),
        pltpu.VMEM((CHUNK, D_IN), jnp.bfloat16),
        pltpu.VMEM((CHUNK,), jnp.float32),
        pltpu.VMEM((CNT_STRIPE,), jnp.float32),
        pltpu.VMEM_SHARED((N_NODES, D_IN), jnp.bfloat16),
        pltpu.VMEM_SHARED((CNT_ROWS,), jnp.float32),
    ] + [pltpu.SemaphoreType.DMA] * 14,
)(_sc_body)


BLK = 1000


def _tc_z_body(x_ref, wr_ref, b_ref, z_ref):
    z_ref[...] = (
        jnp.dot(x_ref[...], wr_ref[...], preferred_element_type=jnp.float32)
        + b_ref[...]
    )


def _tc_z(x, W_r, b2):
    return pl.pallas_call(
        _tc_z_body,
        grid=(N_NODES // BLK,),
        in_specs=[
            pl.BlockSpec((BLK, D_IN), lambda i: (i, 0)),
            pl.BlockSpec((D_IN, D_OUT), lambda i: (0, 0)),
            pl.BlockSpec((1, D_OUT), lambda i: (0, 0)),
        ],
        out_specs=pl.BlockSpec((BLK, D_OUT), lambda i: (i, 0)),
        out_shape=jax.ShapeDtypeStruct((N_NODES, D_OUT), jnp.float32),
    )(x, W_r, b2)


def _tc_body(p_ref, cn_ref, z_ref, wl_ref, o_ref):
    summed = p_ref[...]
    cnt = jnp.maximum(cn_ref[...], 1.0)
    mean = summed / cnt
    o_ref[...] = (
        jnp.dot(mean, wl_ref[...], preferred_element_type=jnp.float32)
        + z_ref[...]
    )


def _tc_finish(parts, cnts, z, W_l):
    return pl.pallas_call(
        _tc_body,
        grid=(N_NODES // BLK,),
        in_specs=[
            pl.BlockSpec((BLK, D_IN), lambda i: (i, 0)),
            pl.BlockSpec((BLK, 1), lambda i: (i, 0)),
            pl.BlockSpec((BLK, D_IN), lambda i: (i, 0)),
            pl.BlockSpec((D_IN, D_OUT), lambda i: (0, 0)),
        ],
        out_specs=pl.BlockSpec((BLK, D_OUT), lambda i: (i, 0)),
        out_shape=jax.ShapeDtypeStruct((N_NODES, D_OUT), jnp.float32),
    )(parts, cnts, z, W_l)


def kernel(x, edge_index, W_l, W_r, b_l):
    ei = edge_index.astype(jnp.int32)
    xbf = x.astype(jnp.bfloat16)
    zeros2d = jnp.zeros((CHUNK, D_IN), jnp.bfloat16)
    zeros1d = jnp.zeros((CNT_STRIPE,), jnp.float32)
    ones1 = jnp.ones((CHUNK,), jnp.float32)
    z = _tc_z(x, W_r, jnp.reshape(b_l, (1, D_OUT)))
    parts, cnts = _sc_aggregate(xbf, ei, zeros2d, zeros1d, ones1)
    summed = parts[0].astype(jnp.float32) + parts[1].astype(jnp.float32)
    cnt2 = (cnts[0] + cnts[1]).reshape(CNT_ROWS, 1)
    return _tc_finish(summed, cnt2, z, W_l)

# --- scband reference (transcript-rebuilt; emitter-appended) ---
"""Pipeline reference for scband-gnnencoder-88493506167341 (READ-ONLY COPY).

The authoritative reference and input builder live on the scoring server;
editing this copy changes nothing except your own understanding.
"""

import jax, jax.numpy as jnp
import numpy as np

N_NODES = 10000
N_EDGES = 320000
D_IN = 128
D_OUT = 128


def setup_inputs(seed: int = 0) -> dict:
    key = jax.random.key(seed)
    k1, k2, k3, k4 = jax.random.split(key, 4)
    x = jax.random.normal(k1, (N_NODES, D_IN), dtype=jnp.float32)
    edge_index = jax.random.randint(k2, (2, N_EDGES), 0, N_NODES, dtype=jnp.int64)
    scale = 1.0 / np.sqrt(D_IN)
    # SAGEConv params: lin_l applied to aggregated neighbor features (with bias),
    # lin_r applied to root/self features (no bias), matching PyG SAGEConv.
    W_l = jax.random.normal(k3, (D_IN, D_OUT), dtype=jnp.float32) * scale
    W_r = jax.random.normal(k4, (D_IN, D_OUT), dtype=jnp.float32) * scale
    b_l = jnp.zeros((D_OUT,), dtype=jnp.float32)
    return {"x": x, "edge_index": edge_index, "W_l": W_l, "W_r": W_r, "b_l": b_l}


def reference(x, edge_index, W_l, W_r, b_l):
    # SAGEConv with mean aggregation:
    # out = lin_l(mean_{j in N(i)} x_j) + lin_r(x_i)
    src = edge_index[0]
    dst = edge_index[1]
    msgs = jnp.take(x, src, axis=0)                       # gather  [E, D_IN]
    summed = jax.ops.segment_sum(msgs, dst, num_segments=N_NODES)  # scatter-add [N, D_IN]
    counts = jax.ops.segment_sum(jnp.ones((N_EDGES,), dtype=x.dtype), dst, num_segments=N_NODES)
    mean_agg = summed / jnp.clip(counts, 1.0, None)[:, None]
    out = mean_agg @ W_l + b_l + x @ W_r
    return out

if __name__ == "__main__":
    import jax
    _d = setup_inputs()
    print(jax.jit(kernel)(*tuple(_d.values())))

</pallas_src>

<mosaic_0001>
#map = affine_map<(d0, d1) -> (0, 0)>
#map1 = affine_map<(d0, d1) -> (0)>
#map2 = affine_map<(d0, d1) -> (0, 0, 0)>
module attributes {stable_mosaic.version = 14 : i64} {
  func.func @_sc_body(%arg0: i32, %arg1: i32, %arg2: memref<10000x128xbf16, #tpu.memory_space<hbm>>, %arg3: memref<2x320000xi32, #tpu.memory_space<hbm>>, %arg4: memref<80x128xbf16, #tpu.memory_space<hbm>>, %arg5: memref<640xf32, #tpu.memory_space<hbm>>, %arg6: memref<80xf32, #tpu.memory_space<hbm>>, %arg7: memref<2x10000x128xbf16, #tpu.memory_space<hbm>>, %arg8: memref<2x10240xf32, #tpu.memory_space<hbm>>, %arg9: memref<80xi32, #tpu.memory_space<vmem>>, %arg10: memref<80xi32, #tpu.memory_space<vmem>>, %arg11: memref<80xi32, #tpu.memory_space<vmem>>, %arg12: memref<80xi32, #tpu.memory_space<vmem>>, %arg13: memref<80xi32, #tpu.memory_space<vmem>>, %arg14: memref<80xi32, #tpu.memory_space<vmem>>, %arg15: memref<80xi32, #tpu.memory_space<vmem>>, %arg16: memref<80xi32, #tpu.memory_space<vmem>>, %arg17: memref<80x128xbf16, #tpu.memory_space<vmem>>, %arg18: memref<80x128xbf16, #tpu.memory_space<vmem>>, %arg19: memref<80x128xbf16, #tpu.memory_space<vmem>>, %arg20: memref<80xf32, #tpu.memory_space<vmem>>, %arg21: memref<640xf32, #tpu.memory_space<vmem>>, %arg22: memref<10000x128xbf16, #tpu.memory_space<vmem_shared>>, %arg23: memref<10240xf32, #tpu.memory_space<vmem_shared>>, %arg24: memref<!tpu.dma_semaphore, #tpu.memory_space<semaphore_mem>>, %arg25: memref<!tpu.dma_semaphore, #tpu.memory_space<semaphore_mem>>, %arg26: memref<!tpu.dma_semaphore, #tpu.memory_space<semaphore_mem>>, %arg27: memref<!tpu.dma_semaphore, #tpu.memory_space<semaphore_mem>>, %arg28: memref<!tpu.dma_semaphore, #tpu.memory_space<semaphore_mem>>, %arg29: memref<!tpu.dma_semaphore, #tpu.memory_space<semaphore_mem>>, %arg30: memref<!tpu.dma_semaphore, #tpu.memory_space<semaphore_mem>>, %arg31: memref<!tpu.dma_semaphore, #tpu.memory_space<semaphore_mem>>, %arg32: memref<!tpu.dma_semaphore, #tpu.memory_space<semaphore_mem>>, %arg33: memref<!tpu.dma_semaphore, #tpu.memory_space<semaphore_mem>>, %arg34: memref<!tpu.dma_semaphore, #tpu.memory_space<semaphore_mem>>, %arg35: memref<!tpu.dma_semaphore, #tpu.memory_space<semaphore_mem>>, %arg36: memref<!tpu.dma_semaphore, #tpu.memory_space<semaphore_mem>>, %arg37: memref<!tpu.dma_semaphore, #tpu.memory_space<semaphore_mem>>) attributes {dimension_semantics = [#tpu.dimension_semantics<core_parallel>, #tpu.dimension_semantics<subcore_parallel>], iteration_bounds = array<i64: 2, 16>, scalar_prefetch = 0 : i64, scratch_operands = 29 : i64, tpu.core_type = #tpu.core_type<sc_vector_subcore>, window_params = [{transform_indices = #map}, {transform_indices = #map}, {transform_indices = #map}, {transform_indices = #map1}, {transform_indices = #map1}, {transform_indices = #map2}, {transform_indices = #map}]} {
    %mul3A = arith.constant 16 : i32
    %mul3A_0 = arith.muli %arg0, %mul3A : i32
    %add3A = arith.addi %mul3A_0, %arg1 : i32
    %mul3A_1 = arith.constant 10000 : i32
    %mul3A_2 = arith.muli %add3A, %mul3A_1 : i32
    %mul3A_3 = arith.constant 625 : i32
    %mul3A_4 = arith.muli %arg1, %mul3A_3 : i32
    %mul3A_5 = arith.constant 640 : i32
    %mul3A_6 = arith.muli %arg1, %mul3A_5 : i32
    "tpu.region"() ({
      %run_scoped3A = tpu.sem_alloc : memref<!tpu.dma_semaphore, #tpu.memory_space<semaphore_mem>>
      tpu.enqueue_dma source(%arg4 : memref<80x128xbf16, #tpu.memory_space<hbm>>) target(%arg17 : memref<80x128xbf16, #tpu.memory_space<vmem>>) target_semaphore(%run_scoped3A : memref<!tpu.dma_semaphore, #tpu.memory_space<semaphore_mem>>)
      tpu.wait_dma2 semaphore(%run_scoped3A : memref<!tpu.dma_semaphore, #tpu.memory_space<semaphore_mem>>) src(%arg4 : memref<80x128xbf16, #tpu.memory_space<hbm>>) dst(%arg17 : memref<80x128xbf16, #tpu.memory_space<vmem>>)
      tpu.yield
    }) : () -> ()
    %add3A_7 = arith.constant 0 : i32
    %add3A_8 = arith.addi %mul3A_4, %add3A_7 : i32
    "tpu.region"() ({
      %run_scoped3A = tpu.sem_alloc : memref<!tpu.dma_semaphore, #tpu.memory_space<semaphore_mem>>
      %dma_start3A_262 = arith.constant 0 : i32
      %dma_start3A_263 = tpu.memref_slice %arg22[%add3A_8, %dma_start3A_262] : memref<10000x128xbf16, #tpu.memory_space<vmem_shared>> -> memref<80x128xbf16, #tpu.memory_space<vmem_shared>>
      %dma_start3A_264 = arith.constant 0 : i32
      %dma_start3A_265 = tpu.memref_slice %arg22[%add3A_8, %dma_start3A_264] : memref<10000x128xbf16, #tpu.memory_space<vmem_shared>> -> memref<80x128xbf16, #tpu.memory_space<vmem_shared>>
      tpu.enqueue_dma source(%arg17 : memref<80x128xbf16, #tpu.memory_space<vmem>>) target(%dma_start3A_265 : memref<80x128xbf16, #tpu.memory_space<vmem_shared>>) target_semaphore(%run_scoped3A : memref<!tpu.dma_semaphore, #tpu.memory_space<semaphore_mem>>)
      %dma_wait3A_266 = arith.constant 0 : i32
      %dma_wait3A_267 = tpu.memref_slice %arg22[%add3A_8, %dma_wait3A_266] : memref<10000x128xbf16, #tpu.memory_space<vmem_shared>> -> memref<80x128xbf16, #tpu.memory_space<vmem_shared>>
      %dma_wait3A_268 = arith.constant 0 : i32
      %dma_wait3A_269 = tpu.memref_slice %arg22[%add3A_8, %dma_wait3A_268] : memref<10000x128xbf16, #tpu.memory_space<vmem_shared>> -> memref<80x128xbf16, #tpu.memory_space<vmem_shared>>
      tpu.wait_dma2 semaphore(%run_scoped3A : memref<!tpu.dma_semaphore, #tpu.memory_space<semaphore_mem>>) src(%arg17 : memref<80x128xbf16, #tpu.memory_space<vmem>>) dst(%dma_wait3A_269 : memref<80x128xbf16, #tpu.memory_space<vmem_shared>>)
      tpu.yield
    }) : () -> ()
    %add3A_9 = arith.constant 80 : i32
    %add3A_10 = arith.addi %mul3A_4, %add3A_9 : i32
    "tpu.region"() ({
      %run_scoped3A = tpu.sem_alloc : memref<!tpu.dma_semaphore, #tpu.memory_space<semaphore_mem>>
      %dma_start3A_262 = arith.constant 0 : i32
      %dma_start3A_263 = tpu.memref_slice %arg22[%add3A_10, %dma_start3A_262] : memref<10000x128xbf16, #tpu.memory_space<vmem_shared>> -> memref<80x128xbf16, #tpu.memory_space<vmem_shared>>
      %dma_start3A_264 = arith.constant 0 : i32
      %dma_start3A_265 = tpu.memref_slice %arg22[%add3A_10, %dma_start3A_264] : memref<10000x128xbf16, #tpu.memory_space<vmem_shared>> -> memref<80x128xbf16, #tpu.memory_space<vmem_shared>>
      tpu.enqueue_dma source(%arg17 : memref<80x128xbf16, #tpu.memory_space<vmem>>) target(%dma_start3A_265 : memref<80x128xbf16, #tpu.memory_space<vmem_shared>>) target_semaphore(%run_scoped3A : memref<!tpu.dma_semaphore, #tpu.memory_space<semaphore_mem>>)
      %dma_wait3A_266 = arith.constant 0 : i32
      %dma_wait3A_267 = tpu.memref_slice %arg22[%add3A_10, %dma_wait3A_266] : memref<10000x128xbf16, #tpu.memory_space<vmem_shared>> -> memref<80x128xbf16, #tpu.memory_space<vmem_shared>>
      %dma_wait3A_268 = arith.constant 0 : i32
      %dma_wait3A_269 = tpu.memref_slice %arg22[%add3A_10, %dma_wait3A_268] : memref<10000x128xbf16, #tpu.memory_space<vmem_shared>> -> memref<80x128xbf16, #tpu.memory_space<vmem_shared>>
      tpu.wait_dma2 semaphore(%run_scoped3A : memref<!tpu.dma_semaphore, #tpu.memory_space<semaphore_mem>>) src(%arg17 : memref<80x128xbf16, #tpu.memory_space<vmem>>) dst(%dma_wait3A_269 : memref<80x128xbf16, #tpu.memory_space<vmem_shared>>)
      tpu.yield
    }) : () -> ()
    %add3A_11 = arith.constant 160 : i32
    %add3A_12 = arith.addi %mul3A_4, %add3A_11 : i32
    "tpu.region"() ({
      %run_scoped3A = tpu.sem_alloc : memref<!tpu.dma_semaphore, #tpu.memory_space<semaphore_mem>>
      %dma_start3A_262 = arith.constant 0 : i32
      %dma_start3A_263 = tpu.memref_slice %arg22[%add3A_12, %dma_start3A_262] : memref<10000x128xbf16, #tpu.memory_space<vmem_shared>> -> memref<80x128xbf16, #tpu.memory_space<vmem_shared>>
      %dma_start3A_264 = arith.constant 0 : i32
      %dma_start3A_265 = tpu.memref_slice %arg22[%add3A_12, %dma_start3A_264] : memref<10000x128xbf16, #tpu.memory_space<vmem_shared>> -> memref<80x128xbf16, #tpu.memory_space<vmem_shared>>
      tpu.enqueue_dma source(%arg17 : memref<80x128xbf16, #tpu.memory_space<vmem>>) target(%dma_start3A_265 : memref<80x128xbf16, #tpu.memory_space<vmem_shared>>) target_semaphore(%run_scoped3A : memref<!tpu.dma_semaphore, #tpu.memory_space<semaphore_mem>>)
      %dma_wait3A_266 = arith.constant 0 : i32
      %dma_wait3A_267 = tpu.memref_slice %arg22[%add3A_12, %dma_wait3A_266] : memref<10000x128xbf16, #tpu.memory_space<vmem_shared>> -> memref<80x128xbf16, #tpu.memory_space<vmem_shared>>
      %dma_wait3A_268 = arith.constant 0 : i32
      %dma_wait3A_269 = tpu.memref_slice %arg22[%add3A_12, %dma_wait3A_268] : memref<10000x128xbf16, #tpu.memory_space<vmem_shared>> -> memref<80x128xbf16, #tpu.memory_space<vmem_shared>>
      tpu.wait_dma2 semaphore(%run_scoped3A : memref<!tpu.dma_semaphore, #tpu.memory_space<semaphore_mem>>) src(%arg17 : memref<80x128xbf16, #tpu.memory_space<vmem>>) dst(%dma_wait3A_269 : memref<80x128xbf16, #tpu.memory_space<vmem_shared>>)
      tpu.yield
    }) : () -> ()
    %add3A_13 = arith.constant 240 : i32
    %add3A_14 = arith.addi %mul3A_4, %add3A_13 : i32
    "tpu.region"() ({
      %run_scoped3A = tpu.sem_alloc : memref<!tpu.dma_semaphore, #tpu.memory_space<semaphore_mem>>
      %dma_start3A_262 = arith.constant 0 : i32
      %dma_start3A_263 = tpu.memref_slice %arg22[%add3A_14, %dma_start3A_262] : memref<10000x128xbf16, #tpu.memory_space<vmem_shared>> -> memref<80x128xbf16, #tpu.memory_space<vmem_shared>>
      %dma_start3A_264 = arith.constant 0 : i32
      %dma_start3A_265 = tpu.memref_slice %arg22[%add3A_14, %dma_start3A_264] : memref<10000x128xbf16, #tpu.memory_space<vmem_shared>> -> memref<80x128xbf16, #tpu.memory_space<vmem_shared>>
      tpu.enqueue_dma source(%arg17 : memref<80x128xbf16, #tpu.memory_space<vmem>>) target(%dma_start3A_265 : memref<80x128xbf16, #tpu.memory_space<vmem_shared>>) target_semaphore(%run_scoped3A : memref<!tpu.dma_semaphore, #tpu.memory_space<semaphore_mem>>)
      %dma_wait3A_266 = arith.constant 0 : i32
      %dma_wait3A_267 = tpu.memref_slice %arg22[%add3A_14, %dma_wait3A_266] : memref<10000x128xbf16, #tpu.memory_space<vmem_shared>> -> memref<80x128xbf16, #tpu.memory_space<vmem_shared>>
      %dma_wait3A_268 = arith.constant 0 : i32
      %dma_wait3A_269 = tpu.memref_slice %arg22[%add3A_14, %dma_wait3A_268] : memref<10000x128xbf16, #tpu.memory_space<vmem_shared>> -> memref<80x128xbf16, #tpu.memory_space<vmem_shared>>
      tpu.wait_dma2 semaphore(%run_scoped3A : memref<!tpu.dma_semaphore, #tpu.memory_space<semaphore_mem>>) src(%arg17 : memref<80x128xbf16, #tpu.memory_space<vmem>>) dst(%dma_wait3A_269 : memref<80x128xbf16, #tpu.memory_space<vmem_shared>>)
      tpu.yield
    }) : () -> ()
    %add3A_15 = arith.constant 320 : i32
    %add3A_16 = arith.addi %mul3A_4, %add3A_15 : i32
    "tpu.region"() ({
      %run_scoped3A = tpu.sem_alloc : memref<!tpu.dma_semaphore, #tpu.memory_space<semaphore_mem>>
      %dma_start3A_262 = arith.constant 0 : i32
      %dma_start3A_263 = tpu.memref_slice %arg22[%add3A_16, %dma_start3A_262] : memref<10000x128xbf16, #tpu.memory_space<vmem_shared>> -> memref<80x128xbf16, #tpu.memory_space<vmem_shared>>
      %dma_start3A_264 = arith.constant 0 : i32
      %dma_start3A_265 = tpu.memref_slice %arg22[%add3A_16, %dma_start3A_264] : memref<10000x128xbf16, #tpu.memory_space<vmem_shared>> -> memref<80x128xbf16, #tpu.memory_space<vmem_shared>>
      tpu.enqueue_dma source(%arg17 : memref<80x128xbf16, #tpu.memory_space<vmem>>) target(%dma_start3A_265 : memref<80x128xbf16, #tpu.memory_space<vmem_shared>>) target_semaphore(%run_scoped3A : memref<!tpu.dma_semaphore, #tpu.memory_space<semaphore_mem>>)
      %dma_wait3A_266 = arith.constant 0 : i32
      %dma_wait3A_267 = tpu.memref_slice %arg22[%add3A_16, %dma_wait3A_266] : memref<10000x128xbf16, #tpu.memory_space<vmem_shared>> -> memref<80x128xbf16, #tpu.memory_space<vmem_shared>>
      %dma_wait3A_268 = arith.constant 0 : i32
      %dma_wait3A_269 = tpu.memref_slice %arg22[%add3A_16, %dma_wait3A_268] : memref<10000x128xbf16, #tpu.memory_space<vmem_shared>> -> memref<80x128xbf16, #tpu.memory_space<vmem_shared>>
      tpu.wait_dma2 semaphore(%run_scoped3A : memref<!tpu.dma_semaphore, #tpu.memory_space<semaphore_mem>>) src(%arg17 : memref<80x128xbf16, #tpu.memory_space<vmem>>) dst(%dma_wait3A_269 : memref<80x128xbf16, #tpu.memory_space<vmem_shared>>)
      tpu.yield
    }) : () -> ()
    %add3A_17 = arith.constant 400 : i32
    %add3A_18 = arith.addi %mul3A_4, %add3A_17 : i32
    "tpu.region"() ({
      %run_scoped3A = tpu.sem_alloc : memref<!tpu.dma_semaphore, #tpu.memory_space<semaphore_mem>>
      %dma_start3A_262 = arith.constant 0 : i32
      %dma_start3A_263 = tpu.memref_slice %arg22[%add3A_18, %dma_start3A_262] : memref<10000x128xbf16, #tpu.memory_space<vmem_shared>> -> memref<80x128xbf16, #tpu.memory_space<vmem_shared>>
      %dma_start3A_264 = arith.constant 0 : i32
      %dma_start3A_265 = tpu.memref_slice %arg22[%add3A_18, %dma_start3A_264] : memref<10000x128xbf16, #tpu.memory_space<vmem_shared>> -> memref<80x128xbf16, #tpu.memory_space<vmem_shared>>
      tpu.enqueue_dma source(%arg17 : memref<80x128xbf16, #tpu.memory_space<vmem>>) target(%dma_start3A_265 : memref<80x128xbf16, #tpu.memory_space<vmem_shared>>) target_semaphore(%run_scoped3A : memref<!tpu.dma_semaphore, #tpu.memory_space<semaphore_mem>>)
      %dma_wait3A_266 = arith.constant 0 : i32
      %dma_wait3A_267 = tpu.memref_slice %arg22[%add3A_18, %dma_wait3A_266] : memref<10000x128xbf16, #tpu.memory_space<vmem_shared>> -> memref<80x128xbf16, #tpu.memory_space<vmem_shared>>
      %dma_wait3A_268 = arith.constant 0 : i32
      %dma_wait3A_269 = tpu.memref_slice %arg22[%add3A_18, %dma_wait3A_268] : memref<10000x128xbf16, #tpu.memory_space<vmem_shared>> -> memref<80x128xbf16, #tpu.memory_space<vmem_shared>>
      tpu.wait_dma2 semaphore(%run_scoped3A : memref<!tpu.dma_semaphore, #tpu.memory_space<semaphore_mem>>) src(%arg17 : memref<80x128xbf16, #tpu.memory_space<vmem>>) dst(%dma_wait3A_269 : memref<80x128xbf16, #tpu.memory_space<vmem_shared>>)
      tpu.yield
    }) : () -> ()
    %add3A_19 = arith.constant 480 : i32
    %add3A_20 = arith.addi %mul3A_4, %add3A_19 : i32
    "tpu.region"() ({
      %run_scoped3A = tpu.sem_alloc : memref<!tpu.dma_semaphore, #tpu.memory_space<semaphore_mem>>
      %dma_start3A_262 = arith.constant 0 : i32
      %dma_start3A_263 = tpu.memref_slice %arg22[%add3A_20, %dma_start3A_262] : memref<10000x128xbf16, #tpu.memory_space<vmem_shared>> -> memref<80x128xbf16, #tpu.memory_space<vmem_shared>>
      %dma_start3A_264 = arith.constant 0 : i32
      %dma_start3A_265 = tpu.memref_slice %arg22[%add3A_20, %dma_start3A_264] : memref<10000x128xbf16, #tpu.memory_space<vmem_shared>> -> memref<80x128xbf16, #tpu.memory_space<vmem_shared>>
      tpu.enqueue_dma source(%arg17 : memref<80x128xbf16, #tpu.memory_space<vmem>>) target(%dma_start3A_265 : memref<80x128xbf16, #tpu.memory_space<vmem_shared>>) target_semaphore(%run_scoped3A : memref<!tpu.dma_semaphore, #tpu.memory_space<semaphore_mem>>)
      %dma_wait3A_266 = arith.constant 0 : i32
      %dma_wait3A_267 = tpu.memref_slice %arg22[%add3A_20, %dma_wait3A_266] : memref<10000x128xbf16, #tpu.memory_space<vmem_shared>> -> memref<80x128xbf16, #tpu.memory_space<vmem_shared>>
      %dma_wait3A_268 = arith.constant 0 : i32
      %dma_wait3A_269 = tpu.memref_slice %arg22[%add3A_20, %dma_wait3A_268] : memref<10000x128xbf16, #tpu.memory_space<vmem_shared>> -> memref<80x128xbf16, #tpu.memory_space<vmem_shared>>
      tpu.wait_dma2 semaphore(%run_scoped3A : memref<!tpu.dma_semaphore, #tpu.memory_space<semaphore_mem>>) src(%arg17 : memref<80x128xbf16, #tpu.memory_space<vmem>>) dst(%dma_wait3A_269 : memref<80x128xbf16, #tpu.memory_space<vmem_shared>>)
      tpu.yield
    }) : () -> ()
    %add3A_21 = arith.constant 560 : i32
    %add3A_22 = arith.addi %mul3A_4, %add3A_21 : i32
    "tpu.region"() ({
      %run_scoped3A = tpu.sem_alloc : memref<!tpu.dma_semaphore, #tpu.memory_space<semaphore_mem>>
      %dma_start3A_262 = arith.constant 0 : i32
      %dma_start3A_263 = arith.constant 0 : i32
      %dma_start3A_264 = tpu.memref_slice %arg17[%dma_start3A_262, %dma_start3A_263] : memref<80x128xbf16, #tpu.memory_space<vmem>> -> memref<65x128xbf16, #tpu.memory_space<vmem>>
      %dma_start3A_265 = arith.constant 0 : i32
      %dma_start3A_266 = tpu.memref_slice %arg22[%add3A_22, %dma_start3A_265] : memref<10000x128xbf16, #tpu.memory_space<vmem_shared>> -> memref<65x128xbf16, #tpu.memory_space<vmem_shared>>
      %dma_start3A_267 = arith.constant 0 : i32
      %dma_start3A_268 = tpu.memref_slice %arg22[%add3A_22, %dma_start3A_267] : memref<10000x128xbf16, #tpu.memory_space<vmem_shared>> -> memref<65x128xbf16, #tpu.memory_space<vmem_shared>>
      %dma_start3A_269 = arith.constant 0 : i32
      %dma_start3A_270 = arith.constant 0 : i32
      %dma_start3A_271 = tpu.memref_slice %arg17[%dma_start3A_269, %dma_start3A_270] : memref<80x128xbf16, #tpu.memory_space<vmem>> -> memref<65x128xbf16, #tpu.memory_space<vmem>>
      tpu.enqueue_dma source(%dma_start3A_271 : memref<65x128xbf16, #tpu.memory_space<vmem>>) target(%dma_start3A_268 : memref<65x128xbf16, #tpu.memory_space<vmem_shared>>) target_semaphore(%run_scoped3A : memref<!tpu.dma_semaphore, #tpu.memory_space<semaphore_mem>>)
      %dma_wait3A_272 = arith.constant 0 : i32
      %dma_wait3A_273 = arith.constant 0 : i32
      %dma_wait3A_274 = tpu.memref_slice %arg17[%dma_wait3A_272, %dma_wait3A_273] : memref<80x128xbf16, #tpu.memory_space<vmem>> -> memref<65x128xbf16, #tpu.memory_space<vmem>>
      %dma_wait3A_275 = arith.constant 0 : i32
      %dma_wait3A_276 = tpu.memref_slice %arg22[%add3A_22, %dma_wait3A_275] : memref<10000x128xbf16, #tpu.memory_space<vmem_shared>> -> memref<65x128xbf16, #tpu.memory_space<vmem_shared>>
      %dma_wait3A_277 = arith.constant 0 : i32
      %dma_wait3A_278 = tpu.memref_slice %arg22[%add3A_22, %dma_wait3A_277] : memref<10000x128xbf16, #tpu.memory_space<vmem_shared>> -> memref<65x128xbf16, #tpu.memory_space<vmem_shared>>
      %dma_wait3A_279 = arith.constant 0 : i32
      %dma_wait3A_280 = arith.constant 0 : i32
      %dma_wait3A_281 = tpu.memref_slice %arg17[%dma_wait3A_279, %dma_wait3A_280] : memref<80x128xbf16, #tpu.memory_space<vmem>> -> memref<65x128xbf16, #tpu.memory_space<vmem>>
      tpu.wait_dma2 semaphore(%run_scoped3A : memref<!tpu.dma_semaphore, #tpu.memory_space<semaphore_mem>>) src(%dma_wait3A_281 : memref<65x128xbf16, #tpu.memory_space<vmem>>) dst(%dma_wait3A_278 : memref<65x128xbf16, #tpu.memory_space<vmem_shared>>)
      tpu.yield
    }) : () -> ()
    "tpu.region"() ({
      %run_scoped3A = tpu.sem_alloc : memref<!tpu.dma_semaphore, #tpu.memory_space<semaphore_mem>>
      tpu.enqueue_dma source(%arg5 : memref<640xf32, #tpu.memory_space<hbm>>) target(%arg21 : memref<640xf32, #tpu.memory_space<vmem>>) target_semaphore(%run_scoped3A : memref<!tpu.dma_semaphore, #tpu.memory_space<semaphore_mem>>)
      tpu.wait_dma2 semaphore(%run_scoped3A : memref<!tpu.dma_semaphore, #tpu.memory_space<semaphore_mem>>) src(%arg5 : memref<640xf32, #tpu.memory_space<hbm>>) dst(%arg21 : memref<640xf32, #tpu.memory_space<vmem>>)
      tpu.yield
    }) : () -> ()
    "tpu.region"() ({
      %run_scoped3A = tpu.sem_alloc : memref<!tpu.dma_semaphore, #tpu.memory_space<semaphore_mem>>
      %dma_start3A_262 = tpu.memref_slice %arg23[%mul3A_6] : memref<10240xf32, #tpu.memory_space<vmem_shared>> -> memref<640xf32, #tpu.memory_space<vmem_shared>>
      %dma_start3A_263 = tpu.memref_slice %arg23[%mul3A_6] : memref<10240xf32, #tpu.memory_space<vmem_shared>> -> memref<640xf32, #tpu.memory_space<vmem_shared>>
      tpu.enqueue_dma source(%arg21 : memref<640xf32, #tpu.memory_space<vmem>>) target(%dma_start3A_263 : memref<640xf32, #tpu.memory_space<vmem_shared>>) target_semaphore(%run_scoped3A : memref<!tpu.dma_semaphore, #tpu.memory_space<semaphore_mem>>)
      %dma_wait3A_264 = tpu.memref_slice %arg23[%mul3A_6] : memref<10240xf32, #tpu.memory_space<vmem_shared>> -> memref<640xf32, #tpu.memory_space<vmem_shared>>
      %dma_wait3A_265 = tpu.memref_slice %arg23[%mul3A_6] : memref<10240xf32, #tpu.memory_space<vmem_shared>> -> memref<640xf32, #tpu.memory_space<vmem_shared>>
      tpu.wait_dma2 semaphore(%run_scoped3A : memref<!tpu.dma_semaphore, #tpu.memory_space<semaphore_mem>>) src(%arg21 : memref<640xf32, #tpu.memory_space<vmem>>) dst(%dma_wait3A_265 : memref<640xf32, #tpu.memory_space<vmem_shared>>)
      tpu.yield
    }) : () -> ()
    "tpu.region"() ({
      %run_scoped3A = tpu.sem_alloc : memref<!tpu.dma_semaphore, #tpu.memory_space<semaphore_mem>>
      tpu.enqueue_dma source(%arg6 : memref<80xf32, #tpu.memory_space<hbm>>) target(%arg20 : memref<80xf32, #tpu.memory_space<vmem>>) target_semaphore(%run_scoped3A : memref<!tpu.dma_semaphore, #tpu.memory_space<semaphore_mem>>)
      tpu.wait_dma2 semaphore(%run_scoped3A : memref<!tpu.dma_semaphore, #tpu.memory_space<semaphore_mem>>) src(%arg6 : memref<80xf32, #tpu.memory_space<hbm>>) dst(%arg20 : memref<80xf32, #tpu.memory_space<vmem>>)
      tpu.yield
    }) : () -> ()
    %barrier3A = arith.constant 0 : index
    tpu.barrier barrier_id(%barrier3A)
    %add3A_23 = arith.constant 0 : i32
    %add3A_24 = arith.addi %mul3A_2, %add3A_23 : i32
    %dma_start3A = arith.constant 0 : i32
    %dma_start3A_25 = tpu.memref_slice %arg3[%dma_start3A, %add3A_24] : memref<2x320000xi32, #tpu.memory_space<hbm>> -> memref<1x80xi32, #tpu.memory_space<hbm>>
    %dma_start3A_26 = tpu.memref_squeeze %dma_start3A_25 : memref<1x80xi32, #tpu.memory_space<hbm>> -> memref<80xi32, #tpu.memory_space<hbm>>
    %dma_start3A_27 = tpu.memref_slice %arg3[%dma_start3A, %add3A_24] : memref<2x320000xi32, #tpu.memory_space<hbm>> -> memref<1x80xi32, #tpu.memory_space<hbm>>
    %dma_start3A_28 = tpu.memref_squeeze %dma_start3A_27 : memref<1x80xi32, #tpu.memory_space<hbm>> -> memref<80xi32, #tpu.memory_space<hbm>>
    tpu.enqueue_dma source(%dma_start3A_28 : memref<80xi32, #tpu.memory_space<hbm>>) target(%arg9 : memref<80xi32, #tpu.memory_space<vmem>>) target_semaphore(%arg24 : memref<!tpu.dma_semaphore, #tpu.memory_space<semaphore_mem>>)
    %dma_start3A_29 = arith.constant 1 : i32
    %dma_start3A_30 = tpu.memref_slice %arg3[%dma_start3A_29, %add3A_24] : memref<2x320000xi32, #tpu.memory_space<hbm>> -> memref<1x80xi32, #tpu.memory_space<hbm>>
    %dma_start3A_31 = tpu.memref_squeeze %dma_start3A_30 : memref<1x80xi32, #tpu.memory_space<hbm>> -> memref<80xi32, #tpu.memory_space<hbm>>
    %dma_start3A_32 = tpu.memref_slice %arg3[%dma_start3A_29, %add3A_24] : memref<2x320000xi32, #tpu.memory_space<hbm>> -> memref<1x80xi32, #tpu.memory_space<hbm>>
    %dma_start3A_33 = tpu.memref_squeeze %dma_start3A_32 : memref<1x80xi32, #tpu.memory_space<hbm>> -> memref<80xi32, #tpu.memory_space<hbm>>
    tpu.enqueue_dma source(%dma_start3A_33 : memref<80xi32, #tpu.memory_space<hbm>>) target(%arg13 : memref<80xi32, #tpu.memory_space<vmem>>) target_semaphore(%arg24 : memref<!tpu.dma_semaphore, #tpu.memory_space<semaphore_mem>>)
    %add3A_34 = arith.constant 80 : i32
    %add3A_35 = arith.addi %mul3A_2, %add3A_34 : i32
    %dma_start3A_36 = arith.constant 0 : i32
    %dma_start3A_37 = tpu.memref_slice %arg3[%dma_start3A_36, %add3A_35] : memref<2x320000xi32, #tpu.memory_space<hbm>> -> memref<1x80xi32, #tpu.memory_space<hbm>>
    %dma_start3A_38 = tpu.memref_squeeze %dma_start3A_37 : memref<1x80xi32, #tpu.memory_space<hbm>> -> memref<80xi32, #tpu.memory_space<hbm>>
    %dma_start3A_39 = tpu.memref_slice %arg3[%dma_start3A_36, %add3A_35] : memref<2x320000xi32, #tpu.memory_space<hbm>> -> memref<1x80xi32, #tpu.memory_space<hbm>>
    %dma_start3A_40 = tpu.memref_squeeze %dma_start3A_39 : memref<1x80xi32, #tpu.memory_space<hbm>> -> memref<80xi32, #tpu.memory_space<hbm>>
    tpu.enqueue_dma source(%dma_start3A_40 : memref<80xi32, #tpu.memory_space<hbm>>) target(%arg10 : memref<80xi32, #tpu.memory_space<vmem>>) target_semaphore(%arg25 : memref<!tpu.dma_semaphore, #tpu.memory_space<semaphore_mem>>)
    %dma_start3A_41 = arith.constant 1 : i32
    %dma_start3A_42 = tpu.memref_slice %arg3[%dma_start3A_41, %add3A_35] : memref<2x320000xi32, #tpu.memory_space<hbm>> -> memref<1x80xi32, #tpu.memory_space<hbm>>
    %dma_start3A_43 = tpu.memref_squeeze %dma_start3A_42 : memref<1x80xi32, #tpu.memory_space<hbm>> -> memref<80xi32, #tpu.memory_space<hbm>>
    %dma_start3A_44 = tpu.memref_slice %arg3[%dma_start3A_41, %add3A_35] : memref<2x320000xi32, #tpu.memory_space<hbm>> -> memref<1x80xi32, #tpu.memory_space<hbm>>
    %dma_start3A_45 = tpu.memref_squeeze %dma_start3A_44 : memref<1x80xi32, #tpu.memory_space<hbm>> -> memref<80xi32, #tpu.memory_space<hbm>>
    tpu.enqueue_dma source(%dma_start3A_45 : memref<80xi32, #tpu.memory_space<hbm>>) target(%arg14 : memref<80xi32, #tpu.memory_space<vmem>>) target_semaphore(%arg25 : memref<!tpu.dma_semaphore, #tpu.memory_space<semaphore_mem>>)
    %add3A_46 = arith.constant 160 : i32
    %add3A_47 = arith.addi %mul3A_2, %add3A_46 : i32
    %dma_start3A_48 = arith.constant 0 : i32
    %dma_start3A_49 = tpu.memref_slice %arg3[%dma_start3A_48, %add3A_47] : memref<2x320000xi32, #tpu.memory_space<hbm>> -> memref<1x80xi32, #tpu.memory_space<hbm>>
    %dma_start3A_50 = tpu.memref_squeeze %dma_start3A_49 : memref<1x80xi32, #tpu.memory_space<hbm>> -> memref<80xi32, #tpu.memory_space<hbm>>
    %dma_start3A_51 = tpu.memref_slice %arg3[%dma_start3A_48, %add3A_47] : memref<2x320000xi32, #tpu.memory_space<hbm>> -> memref<1x80xi32, #tpu.memory_space<hbm>>
    %dma_start3A_52 = tpu.memref_squeeze %dma_start3A_51 : memref<1x80xi32, #tpu.memory_space<hbm>> -> memref<80xi32, #tpu.memory_space<hbm>>
    tpu.enqueue_dma source(%dma_start3A_52 : memref<80xi32, #tpu.memory_space<hbm>>) target(%arg11 : memref<80xi32, #tpu.memory_space<vmem>>) target_semaphore(%arg26 : memref<!tpu.dma_semaphore, #tpu.memory_space<semaphore_mem>>)
    %dma_start3A_53 = arith.constant 1 : i32
    %dma_start3A_54 = tpu.memref_slice %arg3[%dma_start3A_53, %add3A_47] : memref<2x320000xi32, #tpu.memory_space<hbm>> -> memref<1x80xi32, #tpu.memory_space<hbm>>
    %dma_start3A_55 = tpu.memref_squeeze %dma_start3A_54 : memref<1x80xi32, #tpu.memory_space<hbm>> -> memref<80xi32, #tpu.memory_space<hbm>>
    %dma_start3A_56 = tpu.memref_slice %arg3[%dma_start3A_53, %add3A_47] : memref<2x320000xi32, #tpu.memory_space<hbm>> -> memref<1x80xi32, #tpu.memory_space<hbm>>
    %dma_start3A_57 = tpu.memref_squeeze %dma_start3A_56 : memref<1x80xi32, #tpu.memory_space<hbm>> -> memref<80xi32, #tpu.memory_space<hbm>>
    tpu.enqueue_dma source(%dma_start3A_57 : memref<80xi32, #tpu.memory_space<hbm>>) target(%arg15 : memref<80xi32, #tpu.memory_space<vmem>>) target_semaphore(%arg26 : memref<!tpu.dma_semaphore, #tpu.memory_space<semaphore_mem>>)
    %dma_wait3A = arith.constant 0 : i32
    %dma_wait3A_58 = arith.constant 0 : i32
    %dma_wait3A_59 = tpu.memref_slice %arg3[%dma_wait3A, %dma_wait3A_58] : memref<2x320000xi32, #tpu.memory_space<hbm>> -> memref<1x80xi32, #tpu.memory_space<hbm>>
    %dma_wait3A_60 = tpu.memref_squeeze %dma_wait3A_59 : memref<1x80xi32, #tpu.memory_space<hbm>> -> memref<80xi32, #tpu.memory_space<hbm>>
    %dma_wait3A_61 = arith.constant 0 : i32
    %dma_wait3A_62 = tpu.memref_slice %arg3[%dma_wait3A, %dma_wait3A_61] : memref<2x320000xi32, #tpu.memory_space<hbm>> -> memref<1x80xi32, #tpu.memory_space<hbm>>
    %dma_wait3A_63 = tpu.memref_squeeze %dma_wait3A_62 : memref<1x80xi32, #tpu.memory_space<hbm>> -> memref<80xi32, #tpu.memory_space<hbm>>
    tpu.wait_dma2 semaphore(%arg24 : memref<!tpu.dma_semaphore, #tpu.memory_space<semaphore_mem>>) src(%dma_wait3A_63 : memref<80xi32, #tpu.memory_space<hbm>>) dst(%arg9 : memref<80xi32, #tpu.memory_space<vmem>>)
    %dma_wait3A_64 = arith.constant 1 : i32
    %dma_wait3A_65 = arith.constant 0 : i32
    %dma_wait3A_66 = tpu.memref_slice %arg3[%dma_wait3A_64, %dma_wait3A_65] : memref<2x320000xi32, #tpu.memory_space<hbm>> -> memref<1x80xi32, #tpu.memory_space<hbm>>
    %dma_wait3A_67 = tpu.memref_squeeze %dma_wait3A_66 : memref<1x80xi32, #tpu.memory_space<hbm>> -> memref<80xi32, #tpu.memory_space<hbm>>
    %dma_wait3A_68 = arith.constant 0 : i32
    %dma_wait3A_69 = tpu.memref_slice %arg3[%dma_wait3A_64, %dma_wait3A_68] : memref<2x320000xi32, #tpu.memory_space<hbm>> -> memref<1x80xi32, #tpu.memory_space<hbm>>
    %dma_wait3A_70 = tpu.memref_squeeze %dma_wait3A_69 : memref<1x80xi32, #tpu.memory_space<hbm>> -> memref<80xi32, #tpu.memory_space<hbm>>
    tpu.wait_dma2 semaphore(%arg24 : memref<!tpu.dma_semaphore, #tpu.memory_space<semaphore_mem>>) src(%dma_wait3A_70 : memref<80xi32, #tpu.memory_space<hbm>>) dst(%arg13 : memref<80xi32, #tpu.memory_space<vmem>>)
    %dma_start3A_71 = arith.constant 0 : i32
    %dma_start3A_72 = arith.constant 0 : i32
    %dma_start3A_73 = tpu.memref_slice %arg2[%dma_start3A_71, %dma_start3A_72] : memref<10000x128xbf16, #tpu.memory_space<hbm>> -> memref<10000x128xbf16, #tpu.memory_space<hbm>>
    tpu.enqueue_indirect_dma source(%dma_start3A_73 : memref<10000x128xbf16, #tpu.memory_space<hbm>>) target(%arg17 : memref<80x128xbf16, #tpu.memory_space<vmem>>) offsets(%arg9 : memref<80xi32, #tpu.memory_space<vmem>>) semaphore(%arg28 : memref<!tpu.dma_semaphore, #tpu.memory_space<semaphore_mem>>)
    %dma_wait3A_74 = arith.constant 0 : i32
    %dma_wait3A_75 = arith.constant 0 : i32
    %dma_wait3A_76 = tpu.memref_slice %arg3[%dma_wait3A_74, %dma_wait3A_75] : memref<2x320000xi32, #tpu.memory_space<hbm>> -> memref<1x80xi32, #tpu.memory_space<hbm>>
    %dma_wait3A_77 = tpu.memref_squeeze %dma_wait3A_76 : memref<1x80xi32, #tpu.memory_space<hbm>> -> memref<80xi32, #tpu.memory_space<hbm>>
    %dma_wait3A_78 = arith.constant 0 : i32
    %dma_wait3A_79 = tpu.memref_slice %arg3[%dma_wait3A_74, %dma_wait3A_78] : memref<2x320000xi32, #tpu.memory_space<hbm>> -> memref<1x80xi32, #tpu.memory_space<hbm>>
    %dma_wait3A_80 = tpu.memref_squeeze %dma_wait3A_79 : memref<1x80xi32, #tpu.memory_space<hbm>> -> memref<80xi32, #tpu.memory_space<hbm>>
    tpu.wait_dma2 semaphore(%arg25 : memref<!tpu.dma_semaphore, #tpu.memory_space<semaphore_mem>>) src(%dma_wait3A_80 : memref<80xi32, #tpu.memory_space<hbm>>) dst(%arg10 : memref<80xi32, #tpu.memory_space<vmem>>)
    %dma_wait3A_81 = arith.constant 1 : i32
    %dma_wait3A_82 = arith.constant 0 : i32
    %dma_wait3A_83 = tpu.memref_slice %arg3[%dma_wait3A_81, %dma_wait3A_82] : memref<2x320000xi32, #tpu.memory_space<hbm>> -> memref<1x80xi32, #tpu.memory_space<hbm>>
    %dma_wait3A_84 = tpu.memref_squeeze %dma_wait3A_83 : memref<1x80xi32, #tpu.memory_space<hbm>> -> memref<80xi32, #tpu.memory_space<hbm>>
    %dma_wait3A_85 = arith.constant 0 : i32
    %dma_wait3A_86 = tpu.memref_slice %arg3[%dma_wait3A_81, %dma_wait3A_85] : memref<2x320000xi32, #tpu.memory_space<hbm>> -> memref<1x80xi32, #tpu.memory_space<hbm>>
    %dma_wait3A_87 = tpu.memref_squeeze %dma_wait3A_86 : memref<1x80xi32, #tpu.memory_space<hbm>> -> memref<80xi32, #tpu.memory_space<hbm>>
    tpu.wait_dma2 semaphore(%arg25 : memref<!tpu.dma_semaphore, #tpu.memory_space<semaphore_mem>>) src(%dma_wait3A_87 : memref<80xi32, #tpu.memory_space<hbm>>) dst(%arg14 : memref<80xi32, #tpu.memory_space<vmem>>)
    %dma_start3A_88 = arith.constant 0 : i32
    %dma_start3A_89 = arith.constant 0 : i32
    %dma_start3A_90 = tpu.memref_slice %arg2[%dma_start3A_88, %dma_start3A_89] : memref<10000x128xbf16, #tpu.memory_space<hbm>> -> memref<10000x128xbf16, #tpu.memory_space<hbm>>
    tpu.enqueue_indirect_dma source(%dma_start3A_90 : memref<10000x128xbf16, #tpu.memory_space<hbm>>) target(%arg18 : memref<80x128xbf16, #tpu.memory_space<vmem>>) offsets(%arg10 : memref<80xi32, #tpu.memory_space<vmem>>) semaphore(%arg29 : memref<!tpu.dma_semaphore, #tpu.memory_space<semaphore_mem>>)
    %dma_wait3A_91 = arith.constant 0 : i32
    %dma_wait3A_92 = arith.constant 0 : i32
    %dma_wait3A_93 = tpu.memref_slice %arg2[%dma_wait3A_91, %dma_wait3A_92] : memref<10000x128xbf16, #tpu.memory_space<hbm>> -> memref<10000x128xbf16, #tpu.memory_space<hbm>>
    tpu.wait_indirect_dma semaphore(%arg28 : memref<!tpu.dma_semaphore, #tpu.memory_space<semaphore_mem>>) src(%dma_wait3A_93 : memref<10000x128xbf16, #tpu.memory_space<hbm>>) dst(%arg17 : memref<80x128xbf16, #tpu.memory_space<vmem>>)
    %dma_start3A_94 = arith.constant 0 : i32
    %dma_start3A_95 = arith.constant 0 : i32
    %dma_start3A_96 = tpu.memref_slice %arg22[%dma_start3A_94, %dma_start3A_95] : memref<10000x128xbf16, #tpu.memory_space<vmem_shared>> -> memref<10000x128xbf16, #tpu.memory_space<vmem_shared>>
    tpu.enqueue_indirect_dma source(%arg17 : memref<80x128xbf16, #tpu.memory_space<vmem>>) target(%dma_start3A_96 : memref<10000x128xbf16, #tpu.memory_space<vmem_shared>>) offsets(%arg13 : memref<80xi32, #tpu.memory_space<vmem>>) semaphore(%arg31 : memref<!tpu.dma_semaphore, #tpu.memory_space<semaphore_mem>>) {add = true}
    %dma_start3A_97 = arith.constant 0 : i32
    %dma_start3A_98 = tpu.memref_slice %arg23[%dma_start3A_97] : memref<10240xf32, #tpu.memory_space<vmem_shared>> -> memref<10240xf32, #tpu.memory_space<vmem_shared>>
    tpu.enqueue_indirect_dma source(%arg20 : memref<80xf32, #tpu.memory_space<vmem>>) target(%dma_start3A_98 : memref<10240xf32, #tpu.memory_space<vmem_shared>>) offsets(%arg13 : memref<80xi32, #tpu.memory_space<vmem>>) semaphore(%arg34 : memref<!tpu.dma_semaphore, #tpu.memory_space<semaphore_mem>>) {add = true}
    %dma_wait3A_99 = arith.constant 0 : i32
    %dma_wait3A_100 = arith.constant 0 : i32
    %dma_wait3A_101 = tpu.memref_slice %arg3[%dma_wait3A_99, %dma_wait3A_100] : memref<2x320000xi32, #tpu.memory_space<hbm>> -> memref<1x80xi32, #tpu.memory_space<hbm>>
    %dma_wait3A_102 = tpu.memref_squeeze %dma_wait3A_101 : memref<1x80xi32, #tpu.memory_space<hbm>> -> memref<80xi32, #tpu.memory_space<hbm>>
    %dma_wait3A_103 = arith.constant 0 : i32
    %dma_wait3A_104 = tpu.memref_slice %arg3[%dma_wait3A_99, %dma_wait3A_103] : memref<2x320000xi32, #tpu.memory_space<hbm>> -> memref<1x80xi32, #tpu.memory_space<hbm>>
    %dma_wait3A_105 = tpu.memref_squeeze %dma_wait3A_104 : memref<1x80xi32, #tpu.memory_space<hbm>> -> memref<80xi32, #tpu.memory_space<hbm>>
    tpu.wait_dma2 semaphore(%arg26 : memref<!tpu.dma_semaphore, #tpu.memory_space<semaphore_mem>>) src(%dma_wait3A_105 : memref<80xi32, #tpu.memory_space<hbm>>) dst(%arg11 : memref<80xi32, #tpu.memory_space<vmem>>)
    %dma_wait3A_106 = arith.constant 1 : i32
    %dma_wait3A_107 = arith.constant 0 : i32
    %dma_wait3A_108 = tpu.memref_slice %arg3[%dma_wait3A_106, %dma_wait3A_107] : memref<2x320000xi32, #tpu.memory_space<hbm>> -> memref<1x80xi32, #tpu.memory_space<hbm>>
    %dma_wait3A_109 = tpu.memref_squeeze %dma_wait3A_108 : memref<1x80xi32, #tpu.memory_space<hbm>> -> memref<80xi32, #tpu.memory_space<hbm>>
    %dma_wait3A_110 = arith.constant 0 : i32
    %dma_wait3A_111 = tpu.memref_slice %arg3[%dma_wait3A_106, %dma_wait3A_110] : memref<2x320000xi32, #tpu.memory_space<hbm>> -> memref<1x80xi32, #tpu.memory_space<hbm>>
    %dma_wait3A_112 = tpu.memref_squeeze %dma_wait3A_111 : memref<1x80xi32, #tpu.memory_space<hbm>> -> memref<80xi32, #tpu.memory_space<hbm>>
    tpu.wait_dma2 semaphore(%arg26 : memref<!tpu.dma_semaphore, #tpu.memory_space<semaphore_mem>>) src(%dma_wait3A_112 : memref<80xi32, #tpu.memory_space<hbm>>) dst(%arg15 : memref<80xi32, #tpu.memory_space<vmem>>)
    %dma_start3A_113 = arith.constant 0 : i32
    %dma_start3A_114 = arith.constant 0 : i32
    %dma_start3A_115 = tpu.memref_slice %arg2[%dma_start3A_113, %dma_start3A_114] : memref<10000x128xbf16, #tpu.memory_space<hbm>> -> memref<10000x128xbf16, #tpu.memory_space<hbm>>
    tpu.enqueue_indirect_dma source(%dma_start3A_115 : memref<10000x128xbf16, #tpu.memory_space<hbm>>) target(%arg19 : memref<80x128xbf16, #tpu.memory_space<vmem>>) offsets(%arg11 : memref<80xi32, #tpu.memory_space<vmem>>) semaphore(%arg30 : memref<!tpu.dma_semaphore, #tpu.memory_space<semaphore_mem>>)
    %min3A = arith.constant 3 : i32
    %min3A_116 = arith.constant 124 : i32
    %min3A_117 = arith.minsi %min3A, %min3A_116 : i32
    %mul3A_118 = arith.constant 80 : i32
    %mul3A_119 = arith.muli %min3A_117, %mul3A_118 : i32
    %add3A_120 = arith.addi %mul3A_2, %mul3A_119 : i32
    %dma_start3A_121 = arith.constant 0 : i32
    %dma_start3A_122 = tpu.memref_slice %arg3[%dma_start3A_121, %add3A_120] : memref<2x320000xi32, #tpu.memory_space<hbm>> -> memref<1x80xi32, #tpu.memory_space<hbm>>
    %dma_start3A_123 = tpu.memref_squeeze %dma_start3A_122 : memref<1x80xi32, #tpu.memory_space<hbm>> -> memref<80xi32, #tpu.memory_space<hbm>>
    %dma_start3A_124 = tpu.memref_slice %arg3[%dma_start3A_121, %add3A_120] : memref<2x320000xi32, #tpu.memory_space<hbm>> -> memref<1x80xi32, #tpu.memory_space<hbm>>
    %dma_start3A_125 = tpu.memref_squeeze %dma_start3A_124 : memref<1x80xi32, #tpu.memory_space<hbm>> -> memref<80xi32, #tpu.memory_space<hbm>>
    tpu.enqueue_dma source(%dma_start3A_125 : memref<80xi32, #tpu.memory_space<hbm>>) target(%arg12 : memref<80xi32, #tpu.memory_space<vmem>>) target_semaphore(%arg27 : memref<!tpu.dma_semaphore, #tpu.memory_space<semaphore_mem>>)
    %dma_start3A_126 = arith.constant 1 : i32
    %dma_start3A_127 = tpu.memref_slice %arg3[%dma_start3A_126, %add3A_120] : memref<2x320000xi32, #tpu.memory_space<hbm>> -> memref<1x80xi32, #tpu.memory_space<hbm>>
    %dma_start3A_128 = tpu.memref_squeeze %dma_start3A_127 : memref<1x80xi32, #tpu.memory_space<hbm>> -> memref<80xi32, #tpu.memory_space<hbm>>
    %dma_start3A_129 = tpu.memref_slice %arg3[%dma_start3A_126, %add3A_120] : memref<2x320000xi32, #tpu.memory_space<hbm>> -> memref<1x80xi32, #tpu.memory_space<hbm>>
    %dma_start3A_130 = tpu.memref_squeeze %dma_start3A_129 : memref<1x80xi32, #tpu.memory_space<hbm>> -> memref<80xi32, #tpu.memory_space<hbm>>
    tpu.enqueue_dma source(%dma_start3A_130 : memref<80xi32, #tpu.memory_space<hbm>>) target(%arg16 : memref<80xi32, #tpu.memory_space<vmem>>) target_semaphore(%arg27 : memref<!tpu.dma_semaphore, #tpu.memory_space<semaphore_mem>>)
    %dma_wait3A_131 = arith.constant 0 : i32
    %dma_wait3A_132 = arith.constant 0 : i32
    %dma_wait3A_133 = tpu.memref_slice %arg2[%dma_wait3A_131, %dma_wait3A_132] : memref<10000x128xbf16, #tpu.memory_space<hbm>> -> memref<10000x128xbf16, #tpu.memory_space<hbm>>
    tpu.wait_indirect_dma semaphore(%arg29 : memref<!tpu.dma_semaphore, #tpu.memory_space<semaphore_mem>>) src(%dma_wait3A_133 : memref<10000x128xbf16, #tpu.memory_space<hbm>>) dst(%arg18 : memref<80x128xbf16, #tpu.memory_space<vmem>>)
    %dma_start3A_134 = arith.constant 0 : i32
    %dma_start3A_135 = arith.constant 0 : i32
    %dma_start3A_136 = tpu.memref_slice %arg22[%dma_start3A_134, %dma_start3A_135] : memref<10000x128xbf16, #tpu.memory_space<vmem_shared>> -> memref<10000x128xbf16, #tpu.memory_space<vmem_shared>>
    tpu.enqueue_indirect_dma source(%arg18 : memref<80x128xbf16, #tpu.memory_space<vmem>>) target(%dma_start3A_136 : memref<10000x128xbf16, #tpu.memory_space<vmem_shared>>) offsets(%arg14 : memref<80xi32, #tpu.memory_space<vmem>>) semaphore(%arg32 : memref<!tpu.dma_semaphore, #tpu.memory_space<semaphore_mem>>) {add = true}
    %dma_start3A_137 = arith.constant 0 : i32
    %dma_start3A_138 = tpu.memref_slice %arg23[%dma_start3A_137] : memref<10240xf32, #tpu.memory_space<vmem_shared>> -> memref<10240xf32, #tpu.memory_space<vmem_shared>>
    tpu.enqueue_indirect_dma source(%arg20 : memref<80xf32, #tpu.memory_space<vmem>>) target(%dma_start3A_138 : memref<10240xf32, #tpu.memory_space<vmem_shared>>) offsets(%arg14 : memref<80xi32, #tpu.memory_space<vmem>>) semaphore(%arg35 : memref<!tpu.dma_semaphore, #tpu.memory_space<semaphore_mem>>) {add = true}
    %dma_wait3A_139 = arith.constant 0 : i32
    %dma_wait3A_140 = arith.constant 0 : i32
    %dma_wait3A_141 = tpu.memref_slice %arg22[%dma_wait3A_139, %dma_wait3A_140] : memref<10000x128xbf16, #tpu.memory_space<vmem_shared>> -> memref<10000x128xbf16, #tpu.memory_space<vmem_shared>>
    tpu.wait_indirect_dma semaphore(%arg31 : memref<!tpu.dma_semaphore, #tpu.memory_space<semaphore_mem>>) src(%arg17 : memref<80x128xbf16, #tpu.memory_space<vmem>>) dst(%dma_wait3A_141 : memref<10000x128xbf16, #tpu.memory_space<vmem_shared>>)
    %dma_wait3A_142 = arith.constant 0 : i32
    %dma_wait3A_143 = tpu.memref_slice %arg23[%dma_wait3A_142] : memref<10240xf32, #tpu.memory_space<vmem_shared>> -> memref<10240xf32, #tpu.memory_space<vmem_shared>>
    tpu.wait_indirect_dma semaphore(%arg34 : memref<!tpu.dma_semaphore, #tpu.memory_space<semaphore_mem>>) src(%arg20 : memref<80xf32, #tpu.memory_space<vmem>>) dst(%dma_wait3A_143 : memref<10240xf32, #tpu.memory_space<vmem_shared>>)
    %dma_wait3A_144 = arith.constant 0 : i32
    %dma_wait3A_145 = arith.constant 0 : i32
    %dma_wait3A_146 = tpu.memref_slice %arg3[%dma_wait3A_144, %dma_wait3A_145] : memref<2x320000xi32, #tpu.memory_space<hbm>> -> memref<1x80xi32, #tpu.memory_space<hbm>>
    %dma_wait3A_147 = tpu.memref_squeeze %dma_wait3A_146 : memref<1x80xi32, #tpu.memory_space<hbm>> -> memref<80xi32, #tpu.memory_space<hbm>>
    %dma_wait3A_148 = arith.constant 0 : i32
    %dma_wait3A_149 = tpu.memref_slice %arg3[%dma_wait3A_144, %dma_wait3A_148] : memref<2x320000xi32, #tpu.memory_space<hbm>> -> memref<1x80xi32, #tpu.memory_space<hbm>>
    %dma_wait3A_150 = tpu.memref_squeeze %dma_wait3A_149 : memref<1x80xi32, #tpu.memory_space<hbm>> -> memref<80xi32, #tpu.memory_space<hbm>>
    tpu.wait_dma2 semaphore(%arg27 : memref<!tpu.dma_semaphore, #tpu.memory_space<semaphore_mem>>) src(%dma_wait3A_150 : memref<80xi32, #tpu.memory_space<hbm>>) dst(%arg12 : memref<80xi32, #tpu.memory_space<vmem>>)
    %dma_wait3A_151 = arith.constant 1 : i32
    %dma_wait3A_152 = arith.constant 0 : i32
    %dma_wait3A_153 = tpu.memref_slice %arg3[%dma_wait3A_151, %dma_wait3A_152] : memref<2x320000xi32, #tpu.memory_space<hbm>> -> memref<1x80xi32, #tpu.memory_space<hbm>>
    %dma_wait3A_154 = tpu.memref_squeeze %dma_wait3A_153 : memref<1x80xi32, #tpu.memory_space<hbm>> -> memref<80xi32, #tpu.memory_space<hbm>>
    %dma_wait3A_155 = arith.constant 0 : i32
    %dma_wait3A_156 = tpu.memref_slice %arg3[%dma_wait3A_151, %dma_wait3A_155] : memref<2x320000xi32, #tpu.memory_space<hbm>> -> memref<1x80xi32, #tpu.memory_space<hbm>>
    %dma_wait3A_157 = tpu.memref_squeeze %dma_wait3A_156 : memref<1x80xi32, #tpu.memory_space<hbm>> -> memref<80xi32, #tpu.memory_space<hbm>>
    tpu.wait_dma2 semaphore(%arg27 : memref<!tpu.dma_semaphore, #tpu.memory_space<semaphore_mem>>) src(%dma_wait3A_157 : memref<80xi32, #tpu.memory_space<hbm>>) dst(%arg16 : memref<80xi32, #tpu.memory_space<vmem>>)
    %dma_start3A_158 = arith.constant 0 : i32
    %dma_start3A_159 = arith.constant 0 : i32
    %dma_start3A_160 = tpu.memref_slice %arg2[%dma_start3A_158, %dma_start3A_159] : memref<10000x128xbf16, #tpu.memory_space<hbm>> -> memref<10000x128xbf16, #tpu.memory_space<hbm>>
    tpu.enqueue_indirect_dma source(%dma_start3A_160 : memref<10000x128xbf16, #tpu.memory_space<hbm>>) target(%arg17 : memref<80x128xbf16, #tpu.memory_space<vmem>>) offsets(%arg12 : memref<80xi32, #tpu.memory_space<vmem>>) semaphore(%arg28 : memref<!tpu.dma_semaphore, #tpu.memory_space<semaphore_mem>>)
    %min3A_161 = arith.constant 4 : i32
    %min3A_162 = arith.constant 124 : i32
    %min3A_163 = arith.minsi %min3A_161, %min3A_162 : i32
    %mul3A_164 = arith.constant 80 : i32
    %mul3A_165 = arith.muli %min3A_163, %mul3A_164 : i32
    %add3A_166 = arith.addi %mul3A_2, %mul3A_165 : i32
    %dma_start3A_167 = arith.constant 0 : i32
    %dma_start3A_168 = tpu.memref_slice %arg3[%dma_start3A_167, %add3A_166] : memref<2x320000xi32, #tpu.memory_space<hbm>> -> memref<1x80xi32, #tpu.memory_space<hbm>>
    %dma_start3A_169 = tpu.memref_squeeze %dma_start3A_168 : memref<1x80xi32, #tpu.memory_space<hbm>> -> memref<80xi32, #tpu.memory_space<hbm>>
    %dma_start3A_170 = tpu.memref_slice %arg3[%dma_start3A_167, %add3A_166] : memref<2x320000xi32, #tpu.memory_space<hbm>> -> memref<1x80xi32, #tpu.memory_space<hbm>>
    %dma_start3A_171 = tpu.memref_squeeze %dma_start3A_170 : memref<1x80xi32, #tpu.memory_space<hbm>> -> memref<80xi32, #tpu.memory_space<hbm>>
    tpu.enqueue_dma source(%dma_start3A_171 : memref<80xi32, #tpu.memory_space<hbm>>) target(%arg9 : memref<80xi32, #tpu.memory_space<vmem>>) target_semaphore(%arg24 : memref<!tpu.dma_semaphore, #tpu.memory_space<semaphore_mem>>)
    %dma_start3A_172 = arith.constant 1 : i32
    %dma_start3A_173 = tpu.memref_slice %arg3[%dma_start3A_172, %add3A_166] : memref<2x320000xi32, #tpu.memory_space<hbm>> -> memref<1x80xi32, #tpu.memory_space<hbm>>
    %dma_start3A_174 = tpu.memref_squeeze %dma_start3A_173 : memref<1x80xi32, #tpu.memory_space<hbm>> -> memref<80xi32, #tpu.memory_space<hbm>>
    %dma_start3A_175 = tpu.memref_slice %arg3[%dma_start3A_172, %add3A_166] : memref<2x320000xi32, #tpu.memory_space<hbm>> -> memref<1x80xi32, #tpu.memory_space<hbm>>
    %dma_start3A_176 = tpu.memref_squeeze %dma_start3A_175 : memref<1x80xi32, #tpu.memory_space<hbm>> -> memref<80xi32, #tpu.memory_space<hbm>>
    tpu.enqueue_dma source(%dma_start3A_176 : memref<80xi32, #tpu.memory_space<hbm>>) target(%arg13 : memref<80xi32, #tpu.memory_space<vmem>>) target_semaphore(%arg24 : memref<!tpu.dma_semaphore, #tpu.memory_space<semaphore_mem>>)
    %scan3A = arith.constant 0 : i32
    %scan3A_177 = arith.constant 0 : i32
    %scan3A_178 = arith.constant 10 : i32
    %scan3A_179 = arith.addi %scan3A_177, %scan3A_178 : i32
    %scan3A_180 = arith.constant 1 : i32
    scf.for %scan3A_262 = %scan3A_177 to %scan3A_179 step %scan3A_180  : i32 {
      %mul3A_263 = arith.constant 12 : i32
      %mul3A_264 = arith.muli %mul3A_263, %scan3A_262 : i32
      %add3A_265 = arith.constant 2 : i32
      %add3A_266 = arith.addi %add3A_265, %mul3A_264 : i32
      %add3A_267 = arith.constant 0 : i32
      %add3A_268 = arith.addi %add3A_266, %add3A_267 : i32
      %dma_wait3A_269 = arith.constant 0 : i32
      %dma_wait3A_270 = arith.constant 0 : i32
      %dma_wait3A_271 = tpu.memref_slice %arg2[%dma_wait3A_269, %dma_wait3A_270] : memref<10000x128xbf16, #tpu.memory_space<hbm>> -> memref<10000x128xbf16, #tpu.memory_space<hbm>>
      tpu.wait_indirect_dma semaphore(%arg30 : memref<!tpu.dma_semaphore, #tpu.memory_space<semaphore_mem>>) src(%dma_wait3A_271 : memref<10000x128xbf16, #tpu.memory_space<hbm>>) dst(%arg19 : memref<80x128xbf16, #tpu.memory_space<vmem>>)
      %dma_start3A_272 = arith.constant 0 : i32
      %dma_start3A_273 = arith.constant 0 : i32
      %dma_start3A_274 = tpu.memref_slice %arg22[%dma_start3A_272, %dma_start3A_273] : memref<10000x128xbf16, #tpu.memory_space<vmem_shared>> -> memref<10000x128xbf16, #tpu.memory_space<vmem_shared>>
      tpu.enqueue_indirect_dma source(%arg19 : memref<80x128xbf16, #tpu.memory_space<vmem>>) target(%dma_start3A_274 : memref<10000x128xbf16, #tpu.memory_space<vmem_shared>>) offsets(%arg15 : memref<80xi32, #tpu.memory_space<vmem>>) semaphore(%arg33 : memref<!tpu.dma_semaphore, #tpu.memory_space<semaphore_mem>>) {add = true}
      %dma_start3A_275 = arith.constant 0 : i32
      %dma_start3A_276 = tpu.memref_slice %arg23[%dma_start3A_275] : memref<10240xf32, #tpu.memory_space<vmem_shared>> -> memref<10240xf32, #tpu.memory_space<vmem_shared>>
      tpu.enqueue_indirect_dma source(%arg20 : memref<80xf32, #tpu.memory_space<vmem>>) target(%dma_start3A_276 : memref<10240xf32, #tpu.memory_space<vmem_shared>>) offsets(%arg15 : memref<80xi32, #tpu.memory_space<vmem>>) semaphore(%arg36 : memref<!tpu.dma_semaphore, #tpu.memory_space<semaphore_mem>>) {add = true}
      %dma_wait3A_277 = arith.constant 0 : i32
      %dma_wait3A_278 = arith.constant 0 : i32
      %dma_wait3A_279 = tpu.memref_slice %arg22[%dma_wait3A_277, %dma_wait3A_278] : memref<10000x128xbf16, #tpu.memory_space<vmem_shared>> -> memref<10000x128xbf16, #tpu.memory_space<vmem_shared>>
      tpu.wait_indirect_dma semaphore(%arg32 : memref<!tpu.dma_semaphore, #tpu.memory_space<semaphore_mem>>) src(%arg18 : memref<80x128xbf16, #tpu.memory_space<vmem>>) dst(%dma_wait3A_279 : memref<10000x128xbf16, #tpu.memory_space<vmem_shared>>)
      %dma_wait3A_280 = arith.constant 0 : i32
      %dma_wait3A_281 = tpu.memref_slice %arg23[%dma_wait3A_280] : memref<10240xf32, #tpu.memory_space<vmem_shared>> -> memref<10240xf32, #tpu.memory_space<vmem_shared>>
      tpu.wait_indirect_dma semaphore(%arg35 : memref<!tpu.dma_semaphore, #tpu.memory_space<semaphore_mem>>) src(%arg20 : memref<80xf32, #tpu.memory_space<vmem>>) dst(%dma_wait3A_281 : memref<10240xf32, #tpu.memory_space<vmem_shared>>)
      %dma_wait3A_282 = arith.constant 0 : i32
      %dma_wait3A_283 = arith.constant 0 : i32
      %dma_wait3A_284 = tpu.memref_slice %arg3[%dma_wait3A_282, %dma_wait3A_283] : memref<2x320000xi32, #tpu.memory_space<hbm>> -> memref<1x80xi32, #tpu.memory_space<hbm>>
      %dma_wait3A_285 = tpu.memref_squeeze %dma_wait3A_284 : memref<1x80xi32, #tpu.memory_space<hbm>> -> memref<80xi32, #tpu.memory_space<hbm>>
      %dma_wait3A_286 = arith.constant 0 : i32
      %dma_wait3A_287 = tpu.memref_slice %arg3[%dma_wait3A_282, %dma_wait3A_286] : memref<2x320000xi32, #tpu.memory_space<hbm>> -> memref<1x80xi32, #tpu.memory_space<hbm>>
      %dma_wait3A_288 = tpu.memref_squeeze %dma_wait3A_287 : memref<1x80xi32, #tpu.memory_space<hbm>> -> memref<80xi32, #tpu.memory_space<hbm>>
      tpu.wait_dma2 semaphore(%arg24 : memref<!tpu.dma_semaphore, #tpu.memory_space<semaphore_mem>>) src(%dma_wait3A_288 : memref<80xi32, #tpu.memory_space<hbm>>) dst(%arg9 : memref<80xi32, #tpu.memory_space<vmem>>)
      %dma_wait3A_289 = arith.constant 1 : i32
      %dma_wait3A_290 = arith.constant 0 : i32
      %dma_wait3A_291 = tpu.memref_slice %arg3[%dma_wait3A_289, %dma_wait3A_290] : memref<2x320000xi32, #tpu.memory_space<hbm>> -> memref<1x80xi32, #tpu.memory_space<hbm>>
      %dma_wait3A_292 = tpu.memref_squeeze %dma_wait3A_291 : memref<1x80xi32, #tpu.memory_space<hbm>> -> memref<80xi32, #tpu.memory_space<hbm>>
      %dma_wait3A_293 = arith.constant 0 : i32
      %dma_wait3A_294 = tpu.memref_slice %arg3[%dma_wait3A_289, %dma_wait3A_293] : memref<2x320000xi32, #tpu.memory_space<hbm>> -> memref<1x80xi32, #tpu.memory_space<hbm>>
      %dma_wait3A_295 = tpu.memref_squeeze %dma_wait3A_294 : memref<1x80xi32, #tpu.memory_space<hbm>> -> memref<80xi32, #tpu.memory_space<hbm>>
      tpu.wait_dma2 semaphore(%arg24 : memref<!tpu.dma_semaphore, #tpu.memory_space<semaphore_mem>>) src(%dma_wait3A_295 : memref<80xi32, #tpu.memory_space<hbm>>) dst(%arg13 : memref<80xi32, #tpu.memory_space<vmem>>)
      %dma_start3A_296 = arith.constant 0 : i32
      %dma_start3A_297 = arith.constant 0 : i32
      %dma_start3A_298 = tpu.memref_slice %arg2[%dma_start3A_296, %dma_start3A_297] : memref<10000x128xbf16, #tpu.memory_space<hbm>> -> memref<10000x128xbf16, #tpu.memory_space<hbm>>
      tpu.enqueue_indirect_dma source(%dma_start3A_298 : memref<10000x128xbf16, #tpu.memory_space<hbm>>) target(%arg18 : memref<80x128xbf16, #tpu.memory_space<vmem>>) offsets(%arg9 : memref<80xi32, #tpu.memory_space<vmem>>) semaphore(%arg29 : memref<!tpu.dma_semaphore, #tpu.memory_space<semaphore_mem>>)
      %add3A_299 = arith.constant 3 : i32
      %add3A_300 = arith.addi %add3A_268, %add3A_299 : i32
      %min3A_301 = arith.constant 124 : i32
      %min3A_302 = arith.minsi %add3A_300, %min3A_301 : i32
      %mul3A_303 = arith.constant 80 : i32
      %mul3A_304 = arith.muli %min3A_302, %mul3A_303 : i32
      %add3A_305 = arith.addi %mul3A_2, %mul3A_304 : i32
      %dma_start3A_306 = arith.constant 0 : i32
      %dma_start3A_307 = tpu.memref_slice %arg3[%dma_start3A_306, %add3A_305] : memref<2x320000xi32, #tpu.memory_space<hbm>> -> memref<1x80xi32, #tpu.memory_space<hbm>>
      %dma_start3A_308 = tpu.memref_squeeze %dma_start3A_307 : memref<1x80xi32, #tpu.memory_space<hbm>> -> memref<80xi32, #tpu.memory_space<hbm>>
      %dma_start3A_309 = tpu.memref_slice %arg3[%dma_start3A_306, %add3A_305] : memref<2x320000xi32, #tpu.memory_space<hbm>> -> memref<1x80xi32, #tpu.memory_space<hbm>>
      %dma_start3A_310 = tpu.memref_squeeze %dma_start3A_309 : memref<1x80xi32, #tpu.memory_space<hbm>> -> memref<80xi32, #tpu.memory_space<hbm>>
      tpu.enqueue_dma source(%dma_start3A_310 : memref<80xi32, #tpu.memory_space<hbm>>) target(%arg10 : memref<80xi32, #tpu.memory_space<vmem>>) target_semaphore(%arg25 : memref<!tpu.dma_semaphore, #tpu.memory_space<semaphore_mem>>)
      %dma_start3A_311 = arith.constant 1 : i32
      %dma_start3A_312 = tpu.memref_slice %arg3[%dma_start3A_311, %add3A_305] : memref<2x320000xi32, #tpu.memory_space<hbm>> -> memref<1x80xi32, #tpu.memory_space<hbm>>
      %dma_start3A_313 = tpu.memref_squeeze %dma_start3A_312 : memref<1x80xi32, #tpu.memory_space<hbm>> -> memref<80xi32, #tpu.memory_space<hbm>>
      %dma_start3A_314 = tpu.memref_slice %arg3[%dma_start3A_311, %add3A_305] : memref<2x320000xi32, #tpu.memory_space<hbm>> -> memref<1x80xi32, #tpu.memory_space<hbm>>
      %dma_start3A_315 = tpu.memref_squeeze %dma_start3A_314 : memref<1x80xi32, #tpu.memory_space<hbm>> -> memref<80xi32, #tpu.memory_space<hbm>>
      tpu.enqueue_dma source(%dma_start3A_315 : memref<80xi32, #tpu.memory_space<hbm>>) target(%arg14 : memref<80xi32, #tpu.memory_space<vmem>>) target_semaphore(%arg25 : memref<!tpu.dma_semaphore, #tpu.memory_space<semaphore_mem>>)
      %add3A_316 = arith.constant 1 : i32
      %add3A_317 = arith.addi %add3A_266, %add3A_316 : i32
      %dma_wait3A_318 = arith.constant 0 : i32
      %dma_wait3A_319 = arith.constant 0 : i32
      %dma_wait3A_320 = tpu.memref_slice %arg2[%dma_wait3A_318, %dma_wait3A_319] : memref<10000x128xbf16, #tpu.memory_space<hbm>> -> memref<10000x128xbf16, #tpu.memory_space<hbm>>
      tpu.wait_indirect_dma semaphore(%arg28 : memref<!tpu.dma_semaphore, #tpu.memory_space<semaphore_mem>>) src(%dma_wait3A_320 : memref<10000x128xbf16, #tpu.memory_space<hbm>>) dst(%arg17 : memref<80x128xbf16, #tpu.memory_space<vmem>>)
      %dma_start3A_321 = arith.constant 0 : i32
      %dma_start3A_322 = arith.constant 0 : i32
      %dma_start3A_323 = tpu.memref_slice %arg22[%dma_start3A_321, %dma_start3A_322] : memref<10000x128xbf16, #tpu.memory_space<vmem_shared>> -> memref<10000x128xbf16, #tpu.memory_space<vmem_shared>>
      tpu.enqueue_indirect_dma source(%arg17 : memref<80x128xbf16, #tpu.memory_space<vmem>>) target(%dma_start3A_323 : memref<10000x128xbf16, #tpu.memory_space<vmem_shared>>) offsets(%arg16 : memref<80xi32, #tpu.memory_space<vmem>>) semaphore(%arg31 : memref<!tpu.dma_semaphore, #tpu.memory_space<semaphore_mem>>) {add = true}
      %dma_start3A_324 = arith.constant 0 : i32
      %dma_start3A_325 = tpu.memref_slice %arg23[%dma_start3A_324] : memref<10240xf32, #tpu.memory_space<vmem_shared>> -> memref<10240xf32, #tpu.memory_space<vmem_shared>>
      tpu.enqueue_indirect_dma source(%arg20 : memref<80xf32, #tpu.memory_space<vmem>>) target(%dma_start3A_325 : memref<10240xf32, #tpu.memory_space<vmem_shared>>) offsets(%arg16 : memref<80xi32, #tpu.memory_space<vmem>>) semaphore(%arg37 : memref<!tpu.dma_semaphore, #tpu.memory_space<semaphore_mem>>) {add = true}
      %dma_wait3A_326 = arith.constant 0 : i32
      %dma_wait3A_327 = arith.constant 0 : i32
      %dma_wait3A_328 = tpu.memref_slice %arg22[%dma_wait3A_326, %dma_wait3A_327] : memref<10000x128xbf16, #tpu.memory_space<vmem_shared>> -> memref<10000x128xbf16, #tpu.memory_space<vmem_shared>>
      tpu.wait_indirect_dma semaphore(%arg33 : memref<!tpu.dma_semaphore, #tpu.memory_space<semaphore_mem>>) src(%arg19 : memref<80x128xbf16, #tpu.memory_space<vmem>>) dst(%dma_wait3A_328 : memref<10000x128xbf16, #tpu.memory_space<vmem_shared>>)
      %dma_wait3A_329 = arith.constant 0 : i32
      %dma_wait3A_330 = tpu.memref_slice %arg23[%dma_wait3A_329] : memref<10240xf32, #tpu.memory_space<vmem_shared>> -> memref<10240xf32, #tpu.memory_space<vmem_shared>>
      tpu.wait_indirect_dma semaphore(%arg36 : memref<!tpu.dma_semaphore, #tpu.memory_space<semaphore_mem>>) src(%arg20 : memref<80xf32, #tpu.memory_space<vmem>>) dst(%dma_wait3A_330 : memref<10240xf32, #tpu.memory_space<vmem_shared>>)
      %dma_wait3A_331 = arith.constant 0 : i32
      %dma_wait3A_332 = arith.constant 0 : i32
      %dma_wait3A_333 = tpu.memref_slice %arg3[%dma_wait3A_331, %dma_wait3A_332] : memref<2x320000xi32, #tpu.memory_space<hbm>> -> memref<1x80xi32, #tpu.memory_space<hbm>>
      %dma_wait3A_334 = tpu.memref_squeeze %dma_wait3A_333 : memref<1x80xi32, #tpu.memory_space<hbm>> -> memref<80xi32, #tpu.memory_space<hbm>>
      %dma_wait3A_335 = arith.constant 0 : i32
      %dma_wait3A_336 = tpu.memref_slice %arg3[%dma_wait3A_331, %dma_wait3A_335] : memref<2x320000xi32, #tpu.memory_space<hbm>> -> memref<1x80xi32, #tpu.memory_space<hbm>>
      %dma_wait3A_337 = tpu.memref_squeeze %dma_wait3A_336 : memref<1x80xi32, #tpu.memory_space<hbm>> -> memref<80xi32, #tpu.memory_space<hbm>>
      tpu.wait_dma2 semaphore(%arg25 : memref<!tpu.dma_semaphore, #tpu.memory_space<semaphore_mem>>) src(%dma_wait3A_337 : memref<80xi32, #tpu.memory_space<hbm>>) dst(%arg10 : memref<80xi32, #tpu.memory_space<vmem>>)
      %dma_wait3A_338 = arith.constant 1 : i32
      %dma_wait3A_339 = arith.constant 0 : i32
      %dma_wait3A_340 = tpu.memref_slice %arg3[%dma_wait3A_338, %dma_wait3A_339] : memref<2x320000xi32, #tpu.memory_space<hbm>> -> memref<1x80xi32, #tpu.memory_space<hbm>>
      %dma_wait3A_341 = tpu.memref_squeeze %dma_wait3A_340 : memref<1x80xi32, #tpu.memory_space<hbm>> -> memref<80xi32, #tpu.memory_space<hbm>>
      %dma_wait3A_342 = arith.constant 0 : i32
      %dma_wait3A_343 = tpu.memref_slice %arg3[%dma_wait3A_338, %dma_wait3A_342] : memref<2x320000xi32, #tpu.memory_space<hbm>> -> memref<1x80xi32, #tpu.memory_space<hbm>>
      %dma_wait3A_344 = tpu.memref_squeeze %dma_wait3A_343 : memref<1x80xi32, #tpu.memory_space<hbm>> -> memref<80xi32, #tpu.memory_space<hbm>>
      tpu.wait_dma2 semaphore(%arg25 : memref<!tpu.dma_semaphore, #tpu.memory_space<semaphore_mem>>) src(%dma_wait3A_344 : memref<80xi32, #tpu.memory_space<hbm>>) dst(%arg14 : memref<80xi32, #tpu.memory_space<vmem>>)
      %dma_start3A_345 = arith.constant 0 : i32
      %dma_start3A_346 = arith.constant 0 : i32
      %dma_start3A_347 = tpu.memref_slice %arg2[%dma_start3A_345, %dma_start3A_346] : memref<10000x128xbf16, #tpu.memory_space<hbm>> -> memref<10000x128xbf16, #tpu.memory_space<hbm>>
      tpu.enqueue_indirect_dma source(%dma_start3A_347 : memref<10000x128xbf16, #tpu.memory_space<hbm>>) target(%arg19 : memref<80x128xbf16, #tpu.memory_space<vmem>>) offsets(%arg10 : memref<80xi32, #tpu.memory_space<vmem>>) semaphore(%arg30 : memref<!tpu.dma_semaphore, #tpu.memory_space<semaphore_mem>>)
      %add3A_348 = arith.constant 3 : i32
      %add3A_349 = arith.addi %add3A_317, %add3A_348 : i32
      %min3A_350 = arith.constant 124 : i32
      %min3A_351 = arith.minsi %add3A_349, %min3A_350 : i32
      %mul3A_352 = arith.constant 80 : i32
      %mul3A_353 = arith.muli %min3A_351, %mul3A_352 : i32
      %add3A_354 = arith.addi %mul3A_2, %mul3A_353 : i32
      %dma_start3A_355 = arith.constant 0 : i32
      %dma_start3A_356 = tpu.memref_slice %arg3[%dma_start3A_355, %add3A_354] : memref<2x320000xi32, #tpu.memory_space<hbm>> -> memref<1x80xi32, #tpu.memory_space<hbm>>
      %dma_start3A_357 = tpu.memref_squeeze %dma_start3A_356 : memref<1x80xi32, #tpu.memory_space<hbm>> -> memref<80xi32, #tpu.memory_space<hbm>>
      %dma_start3A_358 = tpu.memref_slice %arg3[%dma_start3A_355, %add3A_354] : memref<2x320000xi32, #tpu.memory_space<hbm>> -> memref<1x80xi32, #tpu.memory_space<hbm>>
      %dma_start3A_359 = tpu.memref_squeeze %dma_start3A_358 : memref<1x80xi32, #tpu.memory_space<hbm>> -> memref<80xi32, #tpu.memory_space<hbm>>
      tpu.enqueue_dma source(%dma_start3A_359 : memref<80xi32, #tpu.memory_space<hbm>>) target(%arg11 : memref<80xi32, #tpu.memory_space<vmem>>) target_semaphore(%arg26 : memref<!tpu.dma_semaphore, #tpu.memory_space<semaphore_mem>>)
      %dma_start3A_360 = arith.constant 1 : i32
      %dma_start3A_361 = tpu.memref_slice %arg3[%dma_start3A_360, %add3A_354] : memref<2x320000xi32, #tpu.memory_space<hbm>> -> memref<1x80xi32, #tpu.memory_space<hbm>>
      %dma_start3A_362 = tpu.memref_squeeze %dma_start3A_361 : memref<1x80xi32, #tpu.memory_space<hbm>> -> memref<80xi32, #tpu.memory_space<hbm>>
      %dma_start3A_363 = tpu.memref_slice %arg3[%dma_start3A_360, %add3A_354] : memref<2x320000xi32, #tpu.memory_space<hbm>> -> memref<1x80xi32, #tpu.memory_space<hbm>>
      %dma_start3A_364 = tpu.memref_squeeze %dma_start3A_363 : memref<1x80xi32, #tpu.memory_space<hbm>> -> memref<80xi32, #tpu.memory_space<hbm>>
      tpu.enqueue_dma source(%dma_start3A_364 : memref<80xi32, #tpu.memory_space<hbm>>) target(%arg15 : memref<80xi32, #tpu.memory_space<vmem>>) target_semaphore(%arg26 : memref<!tpu.dma_semaphore, #tpu.memory_space<semaphore_mem>>)
      %add3A_365 = arith.constant 2 : i32
      %add3A_366 = arith.addi %add3A_266, %add3A_365 : i32
      %dma_wait3A_367 = arith.constant 0 : i32
      %dma_wait3A_368 = arith.constant 0 : i32
      %dma_wait3A_369 = tpu.memref_slice %arg2[%dma_wait3A_367, %dma_wait3A_368] : memref<10000x128xbf16, #tpu.memory_space<hbm>> -> memref<10000x128xbf16, #tpu.memory_space<hbm>>
      tpu.wait_indirect_dma semaphore(%arg29 : memref<!tpu.dma_semaphore, #tpu.memory_space<semaphore_mem>>) src(%dma_wait3A_369 : memref<10000x128xbf16, #tpu.memory_space<hbm>>) dst(%arg18 : memref<80x128xbf16, #tpu.memory_space<vmem>>)
      %dma_start3A_370 = arith.constant 0 : i32
      %dma_start3A_371 = arith.constant 0 : i32
      %dma_start3A_372 = tpu.memref_slice %arg22[%dma_start3A_370, %dma_start3A_371] : memref<10000x128xbf16, #tpu.memory_space<vmem_shared>> -> memref<10000x128xbf16, #tpu.memory_space<vmem_shared>>
      tpu.enqueue_indirect_dma source(%arg18 : memref<80x128xbf16, #tpu.memory_space<vmem>>) target(%dma_start3A_372 : memref<10000x128xbf16, #tpu.memory_space<vmem_shared>>) offsets(%arg13 : memref<80xi32, #tpu.memory_space<vmem>>) semaphore(%arg32 : memref<!tpu.dma_semaphore, #tpu.memory_space<semaphore_mem>>) {add = true}
      %dma_start3A_373 = arith.constant 0 : i32
      %dma_start3A_374 = tpu.memref_slice %arg23[%dma_start3A_373] : memref<10240xf32, #tpu.memory_space<vmem_shared>> -> memref<10240xf32, #tpu.memory_space<vmem_shared>>
      tpu.enqueue_indirect_dma source(%arg20 : memref<80xf32, #tpu.memory_space<vmem>>) target(%dma_start3A_374 : memref<10240xf32, #tpu.memory_space<vmem_shared>>) offsets(%arg13 : memref<80xi32, #tpu.memory_space<vmem>>) semaphore(%arg34 : memref<!tpu.dma_semaphore, #tpu.memory_space<semaphore_mem>>) {add = true}
      %dma_wait3A_375 = arith.constant 0 : i32
      %dma_wait3A_376 = arith.constant 0 : i32
      %dma_wait3A_377 = tpu.memref_slice %arg22[%dma_wait3A_375, %dma_wait3A_376] : memref<10000x128xbf16, #tpu.memory_space<vmem_shared>> -> memref<10000x128xbf16, #tpu.memory_space<vmem_shared>>
      tpu.wait_indirect_dma semaphore(%arg31 : memref<!tpu.dma_semaphore, #tpu.memory_space<semaphore_mem>>) src(%arg17 : memref<80x128xbf16, #tpu.memory_space<vmem>>) dst(%dma_wait3A_377 : memref<10000x128xbf16, #tpu.memory_space<vmem_shared>>)
      %dma_wait3A_378 = arith.constant 0 : i32
      %dma_wait3A_379 = tpu.memref_slice %arg23[%dma_wait3A_378] : memref<10240xf32, #tpu.memory_space<vmem_shared>> -> memref<10240xf32, #tpu.memory_space<vmem_shared>>
      tpu.wait_indirect_dma semaphore(%arg37 : memref<!tpu.dma_semaphore, #tpu.memory_space<semaphore_mem>>) src(%arg20 : memref<80xf32, #tpu.memory_space<vmem>>) dst(%dma_wait3A_379 : memref<10240xf32, #tpu.memory_space<vmem_shared>>)
      %dma_wait3A_380 = arith.constant 0 : i32
      %dma_wait3A_381 = arith.constant 0 : i32
      %dma_wait3A_382 = tpu.memref_slice %arg3[%dma_wait3A_380, %dma_wait3A_381] : memref<2x320000xi32, #tpu.memory_space<hbm>> -> memref<1x80xi32, #tpu.memory_space<hbm>>
      %dma_wait3A_383 = tpu.memref_squeeze %dma_wait3A_382 : memref<1x80xi32, #tpu.memory_space<hbm>> -> memref<80xi32, #tpu.memory_space<hbm>>
      %dma_wait3A_384 = arith.constant 0 : i32
      %dma_wait3A_385 = tpu.memref_slice %arg3[%dma_wait3A_380, %dma_wait3A_384] : memref<2x320000xi32, #tpu.memory_space<hbm>> -> memref<1x80xi32, #tpu.memory_space<hbm>>
      %dma_wait3A_386 = tpu.memref_squeeze %dma_wait3A_385 : memref<1x80xi32, #tpu.memory_space<hbm>> -> memref<80xi32, #tpu.memory_space<hbm>>
      tpu.wait_dma2 semaphore(%arg26 : memref<!tpu.dma_semaphore, #tpu.memory_space<semaphore_mem>>) src(%dma_wait3A_386 : memref<80xi32, #tpu.memory_space<hbm>>) dst(%arg11 : memref<80xi32, #tpu.memory_space<vmem>>)
      %dma_wait3A_387 = arith.constant 1 : i32
      %dma_wait3A_388 = arith.constant 0 : i32
      %dma_wait3A_389 = tpu.memref_slice %arg3[%dma_wait3A_387, %dma_wait3A_388] : memref<2x320000xi32, #tpu.memory_space<hbm>> -> memref<1x80xi32, #tpu.memory_space<hbm>>
      %dma_wait3A_390 = tpu.memref_squeeze %dma_wait3A_389 : memref<1x80xi32, #tpu.memory_space<hbm>> -> memref<80xi32, #tpu.memory_space<hbm>>
      %dma_wait3A_391 = arith.constant 0 : i32
      %dma_wait3A_392 = tpu.memref_slice %arg3[%dma_wait3A_387, %dma_wait3A_391] : memref<2x320000xi32, #tpu.memory_space<hbm>> -> memref<1x80xi32, #tpu.memory_space<hbm>>
      %dma_wait3A_393 = tpu.memref_squeeze %dma_wait3A_392 : memref<1x80xi32, #tpu.memory_space<hbm>> -> memref<80xi32, #tpu.memory_space<hbm>>
      tpu.wait_dma2 semaphore(%arg26 : memref<!tpu.dma_semaphore, #tpu.memory_space<semaphore_mem>>) src(%dma_wait3A_393 : memref<80xi32, #tpu.memory_space<hbm>>) dst(%arg15 : memref<80xi32, #tpu.memory_space<vmem>>)
      %dma_start3A_394 = arith.constant 0 : i32
      %dma_start3A_395 = arith.constant 0 : i32
      %dma_start3A_396 = tpu.memref_slice %arg2[%dma_start3A_394, %dma_start3A_395] : memref<10000x128xbf16, #tpu.memory_space<hbm>> -> memref<10000x128xbf16, #tpu.memory_space<hbm>>
      tpu.enqueue_indirect_dma source(%dma_start3A_396 : memref<10000x128xbf16, #tpu.memory_space<hbm>>) target(%arg17 : memref<80x128xbf16, #tpu.memory_space<vmem>>) offsets(%arg11 : memref<80xi32, #tpu.memory_space<vmem>>) semaphore(%arg28 : memref<!tpu.dma_semaphore, #tpu.memory_space<semaphore_mem>>)
      %add3A_397 = arith.constant 3 : i32
      %add3A_398 = arith.addi %add3A_366, %add3A_397 : i32
      %min3A_399 = arith.constant 124 : i32
      %min3A_400 = arith.minsi %add3A_398, %min3A_399 : i32
      %mul3A_401 = arith.constant 80 : i32
      %mul3A_402 = arith.muli %min3A_400, %mul3A_401 : i32
      %add3A_403 = arith.addi %mul3A_2, %mul3A_402 : i32
      %dma_start3A_404 = arith.constant 0 : i32
      %dma_start3A_405 = tpu.memref_slice %arg3[%dma_start3A_404, %add3A_403] : memref<2x320000xi32, #tpu.memory_space<hbm>> -> memref<1x80xi32, #tpu.memory_space<hbm>>
      %dma_start3A_406 = tpu.memref_squeeze %dma_start3A_405 : memref<1x80xi32, #tpu.memory_space<hbm>> -> memref<80xi32, #tpu.memory_space<hbm>>
      %dma_start3A_407 = tpu.memref_slice %arg3[%dma_start3A_404, %add3A_403] : memref<2x320000xi32, #tpu.memory_space<hbm>> -> memref<1x80xi32, #tpu.memory_space<hbm>>
      %dma_start3A_408 = tpu.memref_squeeze %dma_start3A_407 : memref<1x80xi32, #tpu.memory_space<hbm>> -> memref<80xi32, #tpu.memory_space<hbm>>
      tpu.enqueue_dma source(%dma_start3A_408 : memref<80xi32, #tpu.memory_space<hbm>>) target(%arg12 : memref<80xi32, #tpu.memory_space<vmem>>) target_semaphore(%arg27 : memref<!tpu.dma_semaphore, #tpu.memory_space<semaphore_mem>>)
      %dma_start3A_409 = arith.constant 1 : i32
      %dma_start3A_410 = tpu.memref_slice %arg3[%dma_start3A_409, %add3A_403] : memref<2x320000xi32, #tpu.memory_space<hbm>> -> memref<1x80xi32, #tpu.memory_space<hbm>>
      %dma_start3A_411 = tpu.memref_squeeze %dma_start3A_410 : memref<1x80xi32, #tpu.memory_space<hbm>> -> memref<80xi32, #tpu.memory_space<hbm>>
      %dma_start3A_412 = tpu.memref_slice %arg3[%dma_start3A_409, %add3A_403] : memref<2x320000xi32, #tpu.memory_space<hbm>> -> memref<1x80xi32, #tpu.memory_space<hbm>>
      %dma_start3A_413 = tpu.memref_squeeze %dma_start3A_412 : memref<1x80xi32, #tpu.memory_space<hbm>> -> memref<80xi32, #tpu.memory_space<hbm>>
      tpu.enqueue_dma source(%dma_start3A_413 : memref<80xi32, #tpu.memory_space<hbm>>) target(%arg16 : memref<80xi32, #tpu.memory_space<vmem>>) target_semaphore(%arg27 : memref<!tpu.dma_semaphore, #tpu.memory_space<semaphore_mem>>)
      %add3A_414 = arith.constant 3 : i32
      %add3A_415 = arith.addi %add3A_266, %add3A_414 : i32
      %dma_wait3A_416 = arith.constant 0 : i32
      %dma_wait3A_417 = arith.constant 0 : i32
      %dma_wait3A_418 = tpu.memref_slice %arg2[%dma_wait3A_416, %dma_wait3A_417] : memref<10000x128xbf16, #tpu.memory_space<hbm>> -> memref<10000x128xbf16, #tpu.memory_space<hbm>>
      tpu.wait_indirect_dma semaphore(%arg30 : memref<!tpu.dma_semaphore, #tpu.memory_space<semaphore_mem>>) src(%dma_wait3A_418 : memref<10000x128xbf16, #tpu.memory_space<hbm>>) dst(%arg19 : memref<80x128xbf16, #tpu.memory_space<vmem>>)
      %dma_start3A_419 = arith.constant 0 : i32
      %dma_start3A_420 = arith.constant 0 : i32
      %dma_start3A_421 = tpu.memref_slice %arg22[%dma_start3A_419, %dma_start3A_420] : memref<10000x128xbf16, #tpu.memory_space<vmem_shared>> -> memref<10000x128xbf16, #tpu.memory_space<vmem_shared>>
      tpu.enqueue_indirect_dma source(%arg19 : memref<80x128xbf16, #tpu.memory_space<vmem>>) target(%dma_start3A_421 : memref<10000x128xbf16, #tpu.memory_space<vmem_shared>>) offsets(%arg14 : memref<80xi32, #tpu.memory_space<vmem>>) semaphore(%arg33 : memref<!tpu.dma_semaphore, #tpu.memory_space<semaphore_mem>>) {add = true}
      %dma_start3A_422 = arith.constant 0 : i32
      %dma_start3A_423 = tpu.memref_slice %arg23[%dma_start3A_422] : memref<10240xf32, #tpu.memory_space<vmem_shared>> -> memref<10240xf32, #tpu.memory_space<vmem_shared>>
      tpu.enqueue_indirect_dma source(%arg20 : memref<80xf32, #tpu.memory_space<vmem>>) target(%dma_start3A_423 : memref<10240xf32, #tpu.memory_space<vmem_shared>>) offsets(%arg14 : memref<80xi32, #tpu.memory_space<vmem>>) semaphore(%arg35 : memref<!tpu.dma_semaphore, #tpu.memory_space<semaphore_mem>>) {add = true}
      %dma_wait3A_424 = arith.constant 0 : i32
      %dma_wait3A_425 = arith.constant 0 : i32
      %dma_wait3A_426 = tpu.memref_slice %arg22[%dma_wait3A_424, %dma_wait3A_425] : memref<10000x128xbf16, #tpu.memory_space<vmem_shared>> -> memref<10000x128xbf16, #tpu.memory_space<vmem_shared>>
      tpu.wait_indirect_dma semaphore(%arg32 : memref<!tpu.dma_semaphore, #tpu.memory_space<semaphore_mem>>) src(%arg18 : memref<80x128xbf16, #tpu.memory_space<vmem>>) dst(%dma_wait3A_426 : memref<10000x128xbf16, #tpu.memory_space<vmem_shared>>)
      %dma_wait3A_427 = arith.constant 0 : i32
      %dma_wait3A_428 = tpu.memref_slice %arg23[%dma_wait3A_427] : memref<10240xf32, #tpu.memory_space<vmem_shared>> -> memref<10240xf32, #tpu.memory_space<vmem_shared>>
      tpu.wait_indirect_dma semaphore(%arg34 : memref<!tpu.dma_semaphore, #tpu.memory_space<semaphore_mem>>) src(%arg20 : memref<80xf32, #tpu.memory_space<vmem>>) dst(%dma_wait3A_428 : memref<10240xf32, #tpu.memory_space<vmem_shared>>)
      %dma_wait3A_429 = arith.constant 0 : i32
      %dma_wait3A_430 = arith.constant 0 : i32
      %dma_wait3A_431 = tpu.memref_slice %arg3[%dma_wait3A_429, %dma_wait3A_430] : memref<2x320000xi32, #tpu.memory_space<hbm>> -> memref<1x80xi32, #tpu.memory_space<hbm>>
      %dma_wait3A_432 = tpu.memref_squeeze %dma_wait3A_431 : memref<1x80xi32, #tpu.memory_space<hbm>> -> memref<80xi32, #tpu.memory_space<hbm>>
      %dma_wait3A_433 = arith.constant 0 : i32
      %dma_wait3A_434 = tpu.memref_slice %arg3[%dma_wait3A_429, %dma_wait3A_433] : memref<2x320000xi32, #tpu.memory_space<hbm>> -> memref<1x80xi32, #tpu.memory_space<hbm>>
      %dma_wait3A_435 = tpu.memref_squeeze %dma_wait3A_434 : memref<1x80xi32, #tpu.memory_space<hbm>> -> memref<80xi32, #tpu.memory_space<hbm>>
      tpu.wait_dma2 semaphore(%arg27 : memref<!tpu.dma_semaphore, #tpu.memory_space<semaphore_mem>>) src(%dma_wait3A_435 : memref<80xi32, #tpu.memory_space<hbm>>) dst(%arg12 : memref<80xi32, #tpu.memory_space<vmem>>)
      %dma_wait3A_436 = arith.constant 1 : i32
      %dma_wait3A_437 = arith.constant 0 : i32
      %dma_wait3A_438 = tpu.memref_slice %arg3[%dma_wait3A_436, %dma_wait3A_437] : memref<2x320000xi32, #tpu.memory_space<hbm>> -> memref<1x80xi32, #tpu.memory_space<hbm>>
      %dma_wait3A_439 = tpu.memref_squeeze %dma_wait3A_438 : memref<1x80xi32, #tpu.memory_space<hbm>> -> memref<80xi32, #tpu.memory_space<hbm>>
      %dma_wait3A_440 = arith.constant 0 : i32
      %dma_wait3A_441 = tpu.memref_slice %arg3[%dma_wait3A_436, %dma_wait3A_440] : memref<2x320000xi32, #tpu.memory_space<hbm>> -> memref<1x80xi32, #tpu.memory_space<hbm>>
      %dma_wait3A_442 = tpu.memref_squeeze %dma_wait3A_441 : memref<1x80xi32, #tpu.memory_space<hbm>> -> memref<80xi32, #tpu.memory_space<hbm>>
      tpu.wait_dma2 semaphore(%arg27 : memref<!tpu.dma_semaphore, #tpu.memory_space<semaphore_mem>>) src(%dma_wait3A_442 : memref<80xi32, #tpu.memory_space<hbm>>) dst(%arg16 : memref<80xi32, #tpu.memory_space<vmem>>)
      %dma_start3A_443 = arith.constant 0 : i32
      %dma_start3A_444 = arith.constant 0 : i32
      %dma_start3A_445 = tpu.memref_slice %arg2[%dma_start3A_443, %dma_start3A_444] : memref<10000x128xbf16, #tpu.memory_space<hbm>> -> memref<10000x128xbf16, #tpu.memory_space<hbm>>
      tpu.enqueue_indirect_dma source(%dma_start3A_445 : memref<10000x128xbf16, #tpu.memory_space<hbm>>) target(%arg18 : memref<80x128xbf16, #tpu.memory_space<vmem>>) offsets(%arg12 : memref<80xi32, #tpu.memory_space<vmem>>) semaphore(%arg29 : memref<!tpu.dma_semaphore, #tpu.memory_space<semaphore_mem>>)
      %add3A_446 = arith.constant 3 : i32
      %add3A_447 = arith.addi %add3A_415, %add3A_446 : i32
      %min3A_448 = arith.constant 124 : i32
      %min3A_449 = arith.minsi %add3A_447, %min3A_448 : i32
      %mul3A_450 = arith.constant 80 : i32
      %mul3A_451 = arith.muli %min3A_449, %mul3A_450 : i32
      %add3A_452 = arith.addi %mul3A_2, %mul3A_451 : i32
      %dma_start3A_453 = arith.constant 0 : i32
      %dma_start3A_454 = tpu.memref_slice %arg3[%dma_start3A_453, %add3A_452] : memref<2x320000xi32, #tpu.memory_space<hbm>> -> memref<1x80xi32, #tpu.memory_space<hbm>>
      %dma_start3A_455 = tpu.memref_squeeze %dma_start3A_454 : memref<1x80xi32, #tpu.memory_space<hbm>> -> memref<80xi32, #tpu.memory_space<hbm>>
      %dma_start3A_456 = tpu.memref_slice %arg3[%dma_start3A_453, %add3A_452] : memref<2x320000xi32, #tpu.memory_space<hbm>> -> memref<1x80xi32, #tpu.memory_space<hbm>>
      %dma_start3A_457 = tpu.memref_squeeze %dma_start3A_456 : memref<1x80xi32, #tpu.memory_space<hbm>> -> memref<80xi32, #tpu.memory_space<hbm>>
      tpu.enqueue_dma source(%dma_start3A_457 : memref<80xi32, #tpu.memory_space<hbm>>) target(%arg9 : memref<80xi32, #tpu.memory_space<vmem>>) target_semaphore(%arg24 : memref<!tpu.dma_semaphore, #tpu.memory_space<semaphore_mem>>)
      %dma_start3A_458 = arith.constant 1 : i32
      %dma_start3A_459 = tpu.memref_slice %arg3[%dma_start3A_458, %add3A_452] : memref<2x320000xi32, #tpu.memory_space<hbm>> -> memref<1x80xi32, #tpu.memory_space<hbm>>
      %dma_start3A_460 = tpu.memref_squeeze %dma_start3A_459 : memref<1x80xi32, #tpu.memory_space<hbm>> -> memref<80xi32, #tpu.memory_space<hbm>>
      %dma_start3A_461 = tpu.memref_slice %arg3[%dma_start3A_458, %add3A_452] : memref<2x320000xi32, #tpu.memory_space<hbm>> -> memref<1x80xi32, #tpu.memory_space<hbm>>
      %dma_start3A_462 = tpu.memref_squeeze %dma_start3A_461 : memref<1x80xi32, #tpu.memory_space<hbm>> -> memref<80xi32, #tpu.memory_space<hbm>>
      tpu.enqueue_dma source(%dma_start3A_462 : memref<80xi32, #tpu.memory_space<hbm>>) target(%arg13 : memref<80xi32, #tpu.memory_space<vmem>>) target_semaphore(%arg24 : memref<!tpu.dma_semaphore, #tpu.memory_space<semaphore_mem>>)
      %add3A_463 = arith.constant 4 : i32
      %add3A_464 = arith.addi %add3A_266, %add3A_463 : i32
      %dma_wait3A_465 = arith.constant 0 : i32
      %dma_wait3A_466 = arith.constant 0 : i32
      %dma_wait3A_467 = tpu.memref_slice %arg2[%dma_wait3A_465, %dma_wait3A_466] : memref<10000x128xbf16, #tpu.memory_space<hbm>> -> memref<10000x128xbf16, #tpu.memory_space<hbm>>
      tpu.wait_indirect_dma semaphore(%arg28 : memref<!tpu.dma_semaphore, #tpu.memory_space<semaphore_mem>>) src(%dma_wait3A_467 : memref<10000x128xbf16, #tpu.memory_space<hbm>>) dst(%arg17 : memref<80x128xbf16, #tpu.memory_space<vmem>>)
      %dma_start3A_468 = arith.constant 0 : i32
      %dma_start3A_469 = arith.constant 0 : i32
      %dma_start3A_470 = tpu.memref_slice %arg22[%dma_start3A_468, %dma_start3A_469] : memref<10000x128xbf16, #tpu.memory_space<vmem_shared>> -> memref<10000x128xbf16, #tpu.memory_space<vmem_shared>>
      tpu.enqueue_indirect_dma source(%arg17 : memref<80x128xbf16, #tpu.memory_space<vmem>>) target(%dma_start3A_470 : memref<10000x128xbf16, #tpu.memory_space<vmem_shared>>) offsets(%arg15 : memref<80xi32, #tpu.memory_space<vmem>>) semaphore(%arg31 : memref<!tpu.dma_semaphore, #tpu.memory_space<semaphore_mem>>) {add = true}
      %dma_start3A_471 = arith.constant 0 : i32
      %dma_start3A_472 = tpu.memref_slice %arg23[%dma_start3A_471] : memref<10240xf32, #tpu.memory_space<vmem_shared>> -> memref<10240xf32, #tpu.memory_space<vmem_shared>>
      tpu.enqueue_indirect_dma source(%arg20 : memref<80xf32, #tpu.memory_space<vmem>>) target(%dma_start3A_472 : memref<10240xf32, #tpu.memory_space<vmem_shared>>) offsets(%arg15 : memref<80xi32, #tpu.memory_space<vmem>>) semaphore(%arg36 : memref<!tpu.dma_semaphore, #tpu.memory_space<semaphore_mem>>) {add = true}
      %dma_wait3A_473 = arith.constant 0 : i32
      %dma_wait3A_474 = arith.constant 0 : i32
      %dma_wait3A_475 = tpu.memref_slice %arg22[%dma_wait3A_473, %dma_wait3A_474] : memref<10000x128xbf16, #tpu.memory_space<vmem_shared>> -> memref<10000x128xbf16, #tpu.memory_space<vmem_shared>>
      tpu.wait_indirect_dma semaphore(%arg33 : memref<!tpu.dma_semaphore, #tpu.memory_space<semaphore_mem>>) src(%arg19 : memref<80x128xbf16, #tpu.memory_space<vmem>>) dst(%dma_wait3A_475 : memref<10000x128xbf16, #tpu.memory_space<vmem_shared>>)
      %dma_wait3A_476 = arith.constant 0 : i32
      %dma_wait3A_477 = tpu.memref_slice %arg23[%dma_wait3A_476] : memref<10240xf32, #tpu.memory_space<vmem_shared>> -> memref<10240xf32, #tpu.memory_space<vmem_shared>>
      tpu.wait_indirect_dma semaphore(%arg35 : memref<!tpu.dma_semaphore, #tpu.memory_space<semaphore_mem>>) src(%arg20 : memref<80xf32, #tpu.memory_space<vmem>>) dst(%dma_wait3A_477 : memref<10240xf32, #tpu.memory_space<vmem_shared>>)
      %dma_wait3A_478 = arith.constant 0 : i32
      %dma_wait3A_479 = arith.constant 0 : i32
      %dma_wait3A_480 = tpu.memref_slice %arg3[%dma_wait3A_478, %dma_wait3A_479] : memref<2x320000xi32, #tpu.memory_space<hbm>> -> memref<1x80xi32, #tpu.memory_space<hbm>>
      %dma_wait3A_481 = tpu.memref_squeeze %dma_wait3A_480 : memref<1x80xi32, #tpu.memory_space<hbm>> -> memref<80xi32, #tpu.memory_space<hbm>>
      %dma_wait3A_482 = arith.constant 0 : i32
      %dma_wait3A_483 = tpu.memref_slice %arg3[%dma_wait3A_478, %dma_wait3A_482] : memref<2x320000xi32, #tpu.memory_space<hbm>> -> memref<1x80xi32, #tpu.memory_space<hbm>>
      %dma_wait3A_484 = tpu.memref_squeeze %dma_wait3A_483 : memref<1x80xi32, #tpu.memory_space<hbm>> -> memref<80xi32, #tpu.memory_space<hbm>>
      tpu.wait_dma2 semaphore(%arg24 : memref<!tpu.dma_semaphore, #tpu.memory_space<semaphore_mem>>) src(%dma_wait3A_484 : memref<80xi32, #tpu.memory_space<hbm>>) dst(%arg9 : memref<80xi32, #tpu.memory_space<vmem>>)
      %dma_wait3A_485 = arith.constant 1 : i32
      %dma_wait3A_486 = arith.constant 0 : i32
      %dma_wait3A_487 = tpu.memref_slice %arg3[%dma_wait3A_485, %dma_wait3A_486] : memref<2x320000xi32, #tpu.memory_space<hbm>> -> memref<1x80xi32, #tpu.memory_space<hbm>>
      %dma_wait3A_488 = tpu.memref_squeeze %dma_wait3A_487 : memref<1x80xi32, #tpu.memory_space<hbm>> -> memref<80xi32, #tpu.memory_space<hbm>>
      %dma_wait3A_489 = arith.constant 0 : i32
      %dma_wait3A_490 = tpu.memref_slice %arg3[%dma_wait3A_485, %dma_wait3A_489] : memref<2x320000xi32, #tpu.memory_space<hbm>> -> memref<1x80xi32, #tpu.memory_space<hbm>>
      %dma_wait3A_491 = tpu.memref_squeeze %dma_wait3A_490 : memref<1x80xi32, #tpu.memory_space<hbm>> -> memref<80xi32, #tpu.memory_space<hbm>>
      tpu.wait_dma2 semaphore(%arg24 : memref<!tpu.dma_semaphore, #tpu.memory_space<semaphore_mem>>) src(%dma_wait3A_491 : memref<80xi32, #tpu.memory_space<hbm>>) dst(%arg13 : memref<80xi32, #tpu.memory_space<vmem>>)
      %dma_start3A_492 = arith.constant 0 : i32
      %dma_start3A_493 = arith.constant 0 : i32
      %dma_start3A_494 = tpu.memref_slice %arg2[%dma_start3A_492, %dma_start3A_493] : memref<10000x128xbf16, #tpu.memory_space<hbm>> -> memref<10000x128xbf16, #tpu.memory_space<hbm>>
      tpu.enqueue_indirect_dma source(%dma_start3A_494 : memref<10000x128xbf16, #tpu.memory_space<hbm>>) target(%arg19 : memref<80x128xbf16, #tpu.memory_space<vmem>>) offsets(%arg9 : memref<80xi32, #tpu.memory_space<vmem>>) semaphore(%arg30 : memref<!tpu.dma_semaphore, #tpu.memory_space<semaphore_mem>>)
      %add3A_495 = arith.constant 3 : i32
      %add3A_496 = arith.addi %add3A_464, %add3A_495 : i32
      %min3A_497 = arith.constant 124 : i32
      %min3A_498 = arith.minsi %add3A_496, %min3A_497 : i32
      %mul3A_499 = arith.constant 80 : i32
      %mul3A_500 = arith.muli %min3A_498, %mul3A_499 : i32
      %add3A_501 = arith.addi %mul3A_2, %mul3A_500 : i32
      %dma_start3A_502 = arith.constant 0 : i32
      %dma_start3A_503 = tpu.memref_slice %arg3[%dma_start3A_502, %add3A_501] : memref<2x320000xi32, #tpu.memory_space<hbm>> -> memref<1x80xi32, #tpu.memory_space<hbm>>
      %dma_start3A_504 = tpu.memref_squeeze %dma_start3A_503 : memref<1x80xi32, #tpu.memory_space<hbm>> -> memref<80xi32, #tpu.memory_space<hbm>>
      %dma_start3A_505 = tpu.memref_slice %arg3[%dma_start3A_502, %add3A_501] : memref<2x320000xi32, #tpu.memory_space<hbm>> -> memref<1x80xi32, #tpu.memory_space<hbm>>
      %dma_start3A_506 = tpu.memref_squeeze %dma_start3A_505 : memref<1x80xi32, #tpu.memory_space<hbm>> -> memref<80xi32, #tpu.memory_space<hbm>>
      tpu.enqueue_dma source(%dma_start3A_506 : memref<80xi32, #tpu.memory_space<hbm>>) target(%arg10 : memref<80xi32, #tpu.memory_space<vmem>>) target_semaphore(%arg25 : memref<!tpu.dma_semaphore, #tpu.memory_space<semaphore_mem>>)
      %dma_start3A_507 = arith.constant 1 : i32
      %dma_start3A_508 = tpu.memref_slice %arg3[%dma_start3A_507, %add3A_501] : memref<2x320000xi32, #tpu.memory_space<hbm>> -> memref<1x80xi32, #tpu.memory_space<hbm>>
      %dma_start3A_509 = tpu.memref_squeeze %dma_start3A_508 : memref<1x80xi32, #tpu.memory_space<hbm>> -> memref<80xi32, #tpu.memory_space<hbm>>
      %dma_start3A_510 = tpu.memref_slice %arg3[%dma_start3A_507, %add3A_501] : memref<2x320000xi32, #tpu.memory_space<hbm>> -> memref<1x80xi32, #tpu.memory_space<hbm>>
      %dma_start3A_511 = tpu.memref_squeeze %dma_start3A_510 : memref<1x80xi32, #tpu.memory_space<hbm>> -> memref<80xi32, #tpu.memory_space<hbm>>
      tpu.enqueue_dma source(%dma_start3A_511 : memref<80xi32, #tpu.memory_space<hbm>>) target(%arg14 : memref<80xi32, #tpu.memory_space<vmem>>) target_semaphore(%arg25 : memref<!tpu.dma_semaphore, #tpu.memory_space<semaphore_mem>>)
      %add3A_512 = arith.constant 5 : i32
      %add3A_513 = arith.addi %add3A_266, %add3A_512 : i32
      %dma_wait3A_514 = arith.constant 0 : i32
      %dma_wait3A_515 = arith.constant 0 : i32
      %dma_wait3A_516 = tpu.memref_slice %arg2[%dma_wait3A_514, %dma_wait3A_515] : memref<10000x128xbf16, #tpu.memory_space<hbm>> -> memref<10000x128xbf16, #tpu.memory_space<hbm>>
      tpu.wait_indirect_dma semaphore(%arg29 : memref<!tpu.dma_semaphore, #tpu.memory_space<semaphore_mem>>) src(%dma_wait3A_516 : memref<10000x128xbf16, #tpu.memory_space<hbm>>) dst(%arg18 : memref<80x128xbf16, #tpu.memory_space<vmem>>)
      %dma_start3A_517 = arith.constant 0 : i32
      %dma_start3A_518 = arith.constant 0 : i32
      %dma_start3A_519 = tpu.memref_slice %arg22[%dma_start3A_517, %dma_start3A_518] : memref<10000x128xbf16, #tpu.memory_space<vmem_shared>> -> memref<10000x128xbf16, #tpu.memory_space<vmem_shared>>
      tpu.enqueue_indirect_dma source(%arg18 : memref<80x128xbf16, #tpu.memory_space<vmem>>) target(%dma_start3A_519 : memref<10000x128xbf16, #tpu.memory_space<vmem_shared>>) offsets(%arg16 : memref<80xi32, #tpu.memory_space<vmem>>) semaphore(%arg32 : memref<!tpu.dma_semaphore, #tpu.memory_space<semaphore_mem>>) {add = true}
      %dma_start3A_520 = arith.constant 0 : i32
      %dma_start3A_521 = tpu.memref_slice %arg23[%dma_start3A_520] : memref<10240xf32, #tpu.memory_space<vmem_shared>> -> memref<10240xf32, #tpu.memory_space<vmem_shared>>
      tpu.enqueue_indirect_dma source(%arg20 : memref<80xf32, #tpu.memory_space<vmem>>) target(%dma_start3A_521 : memref<10240xf32, #tpu.memory_space<vmem_shared>>) offsets(%arg16 : memref<80xi32, #tpu.memory_space<vmem>>) semaphore(%arg37 : memref<!tpu.dma_semaphore, #tpu.memory_space<semaphore_mem>>) {add = true}
      %dma_wait3A_522 = arith.constant 0 : i32
      %dma_wait3A_523 = arith.constant 0 : i32
      %dma_wait3A_524 = tpu.memref_slice %arg22[%dma_wait3A_522, %dma_wait3A_523] : memref<10000x128xbf16, #tpu.memory_space<vmem_shared>> -> memref<10000x128xbf16, #tpu.memory_space<vmem_shared>>
      tpu.wait_indirect_dma semaphore(%arg31 : memref<!tpu.dma_semaphore, #tpu.memory_space<semaphore_mem>>) src(%arg17 : memref<80x128xbf16, #tpu.memory_space<vmem>>) dst(%dma_wait3A_524 : memref<10000x128xbf16, #tpu.memory_space<vmem_shared>>)
      %dma_wait3A_525 = arith.constant 0 : i32
      %dma_wait3A_526 = tpu.memref_slice %arg23[%dma_wait3A_525] : memref<10240xf32, #tpu.memory_space<vmem_shared>> -> memref<10240xf32, #tpu.memory_space<vmem_shared>>
      tpu.wait_indirect_dma semaphore(%arg36 : memref<!tpu.dma_semaphore, #tpu.memory_space<semaphore_mem>>) src(%arg20 : memref<80xf32, #tpu.memory_space<vmem>>) dst(%dma_wait3A_526 : memref<10240xf32, #tpu.memory_space<vmem_shared>>)
      %dma_wait3A_527 = arith.constant 0 : i32
      %dma_wait3A_528 = arith.constant 0 : i32
      %dma_wait3A_529 = tpu.memref_slice %arg3[%dma_wait3A_527, %dma_wait3A_528] : memref<2x320000xi32, #tpu.memory_space<hbm>> -> memref<1x80xi32, #tpu.memory_space<hbm>>
      %dma_wait3A_530 = tpu.memref_squeeze %dma_wait3A_529 : memref<1x80xi32, #tpu.memory_space<hbm>> -> memref<80xi32, #tpu.memory_space<hbm>>
      %dma_wait3A_531 = arith.constant 0 : i32
      %dma_wait3A_532 = tpu.memref_slice %arg3[%dma_wait3A_527, %dma_wait3A_531] : memref<2x320000xi32, #tpu.memory_space<hbm>> -> memref<1x80xi32, #tpu.memory_space<hbm>>
      %dma_wait3A_533 = tpu.memref_squeeze %dma_wait3A_532 : memref<1x80xi32, #tpu.memory_space<hbm>> -> memref<80xi32, #tpu.memory_space<hbm>>
      tpu.wait_dma2 semaphore(%arg25 : memref<!tpu.dma_semaphore, #tpu.memory_space<semaphore_mem>>) src(%dma_wait3A_533 : memref<80xi32, #tpu.memory_space<hbm>>) dst(%arg10 : memref<80xi32, #tpu.memory_space<vmem>>)
      %dma_wait3A_534 = arith.constant 1 : i32
      %dma_wait3A_535 = arith.constant 0 : i32
      %dma_wait3A_536 = tpu.memref_slice %arg3[%dma_wait3A_534, %dma_wait3A_535] : memref<2x320000xi32, #tpu.memory_space<hbm>> -> memref<1x80xi32, #tpu.memory_space<hbm>>
      %dma_wait3A_537 = tpu.memref_squeeze %dma_wait3A_536 : memref<1x80xi32, #tpu.memory_space<hbm>> -> memref<80xi32, #tpu.memory_space<hbm>>
      %dma_wait3A_538 = arith.constant 0 : i32
      %dma_wait3A_539 = tpu.memref_slice %arg3[%dma_wait3A_534, %dma_wait3A_538] : memref<2x320000xi32, #tpu.memory_space<hbm>> -> memref<1x80xi32, #tpu.memory_space<hbm>>
      %dma_wait3A_540 = tpu.memref_squeeze %dma_wait3A_539 : memref<1x80xi32, #tpu.memory_space<hbm>> -> memref<80xi32, #tpu.memory_space<hbm>>
      tpu.wait_dma2 semaphore(%arg25 : memref<!tpu.dma_semaphore, #tpu.memory_space<semaphore_mem>>) src(%dma_wait3A_540 : memref<80xi32, #tpu.memory_space<hbm>>) dst(%arg14 : memref<80xi32, #tpu.memory_space<vmem>>)
      %dma_start3A_541 = arith.constant 0 : i32
      %dma_start3A_542 = arith.constant 0 : i32
      %dma_start3A_543 = tpu.memref_slice %arg2[%dma_start3A_541, %dma_start3A_542] : memref<10000x128xbf16, #tpu.memory_space<hbm>> -> memref<10000x128xbf16, #tpu.memory_space<hbm>>
      tpu.enqueue_indirect_dma source(%dma_start3A_543 : memref<10000x128xbf16, #tpu.memory_space<hbm>>) target(%arg17 : memref<80x128xbf16, #tpu.memory_space<vmem>>) offsets(%arg10 : memref<80xi32, #tpu.memory_space<vmem>>) semaphore(%arg28 : memref<!tpu.dma_semaphore, #tpu.memory_space<semaphore_mem>>)
      %add3A_544 = arith.constant 3 : i32
      %add3A_545 = arith.addi %add3A_513, %add3A_544 : i32
      %min3A_546 = arith.constant 124 : i32
      %min3A_547 = arith.minsi %add3A_545, %min3A_546 : i32
      %mul3A_548 = arith.constant 80 : i32
      %mul3A_549 = arith.muli %min3A_547, %mul3A_548 : i32
      %add3A_550 = arith.addi %mul3A_2, %mul3A_549 : i32
      %dma_start3A_551 = arith.constant 0 : i32
      %dma_start3A_552 = tpu.memref_slice %arg3[%dma_start3A_551, %add3A_550] : memref<2x320000xi32, #tpu.memory_space<hbm>> -> memref<1x80xi32, #tpu.memory_space<hbm>>
      %dma_start3A_553 = tpu.memref_squeeze %dma_start3A_552 : memref<1x80xi32, #tpu.memory_space<hbm>> -> memref<80xi32, #tpu.memory_space<hbm>>
      %dma_start3A_554 = tpu.memref_slice %arg3[%dma_start3A_551, %add3A_550] : memref<2x320000xi32, #tpu.memory_space<hbm>> -> memref<1x80xi32, #tpu.memory_space<hbm>>
      %dma_start3A_555 = tpu.memref_squeeze %dma_start3A_554 : memref<1x80xi32, #tpu.memory_space<hbm>> -> memref<80xi32, #tpu.memory_space<hbm>>
      tpu.enqueue_dma source(%dma_start3A_555 : memref<80xi32, #tpu.memory_space<hbm>>) target(%arg11 : memref<80xi32, #tpu.memory_space<vmem>>) target_semaphore(%arg26 : memref<!tpu.dma_semaphore, #tpu.memory_space<semaphore_mem>>)
      %dma_start3A_556 = arith.constant 1 : i32
      %dma_start3A_557 = tpu.memref_slice %arg3[%dma_start3A_556, %add3A_550] : memref<2x320000xi32, #tpu.memory_space<hbm>> -> memref<1x80xi32, #tpu.memory_space<hbm>>
      %dma_start3A_558 = tpu.memref_squeeze %dma_start3A_557 : memref<1x80xi32, #tpu.memory_space<hbm>> -> memref<80xi32, #tpu.memory_space<hbm>>
      %dma_start3A_559 = tpu.memref_slice %arg3[%dma_start3A_556, %add3A_550] : memref<2x320000xi32, #tpu.memory_space<hbm>> -> memref<1x80xi32, #tpu.memory_space<hbm>>
      %dma_start3A_560 = tpu.memref_squeeze %dma_start3A_559 : memref<1x80xi32, #tpu.memory_space<hbm>> -> memref<80xi32, #tpu.memory_space<hbm>>
      tpu.enqueue_dma source(%dma_start3A_560 : memref<80xi32, #tpu.memory_space<hbm>>) target(%arg15 : memref<80xi32, #tpu.memory_space<vmem>>) target_semaphore(%arg26 : memref<!tpu.dma_semaphore, #tpu.memory_space<semaphore_mem>>)
      %add3A_561 = arith.constant 6 : i32
      %add3A_562 = arith.addi %add3A_266, %add3A_561 : i32
      %dma_wait3A_563 = arith.constant 0 : i32
      %dma_wait3A_564 = arith.constant 0 : i32
      %dma_wait3A_565 = tpu.memref_slice %arg2[%dma_wait3A_563, %dma_wait3A_564] : memref<10000x128xbf16, #tpu.memory_space<hbm>> -> memref<10000x128xbf16, #tpu.memory_space<hbm>>
      tpu.wait_indirect_dma semaphore(%arg30 : memref<!tpu.dma_semaphore, #tpu.memory_space<semaphore_mem>>) src(%dma_wait3A_565 : memref<10000x128xbf16, #tpu.memory_space<hbm>>) dst(%arg19 : memref<80x128xbf16, #tpu.memory_space<vmem>>)
      %dma_start3A_566 = arith.constant 0 : i32
      %dma_start3A_567 = arith.constant 0 : i32
      %dma_start3A_568 = tpu.memref_slice %arg22[%dma_start3A_566, %dma_start3A_567] : memref<10000x128xbf16, #tpu.memory_space<vmem_shared>> -> memref<10000x128xbf16, #tpu.memory_space<vmem_shared>>
      tpu.enqueue_indirect_dma source(%arg19 : memref<80x128xbf16, #tpu.memory_space<vmem>>) target(%dma_start3A_568 : memref<10000x128xbf16, #tpu.memory_space<vmem_shared>>) offsets(%arg13 : memref<80xi32, #tpu.memory_space<vmem>>) semaphore(%arg33 : memref<!tpu.dma_semaphore, #tpu.memory_space<semaphore_mem>>) {add = true}
      %dma_start3A_569 = arith.constant 0 : i32
      %dma_start3A_570 = tpu.memref_slice %arg23[%dma_start3A_569] : memref<10240xf32, #tpu.memory_space<vmem_shared>> -> memref<10240xf32, #tpu.memory_space<vmem_shared>>
      tpu.enqueue_indirect_dma source(%arg20 : memref<80xf32, #tpu.memory_space<vmem>>) target(%dma_start3A_570 : memref<10240xf32, #tpu.memory_space<vmem_shared>>) offsets(%arg13 : memref<80xi32, #tpu.memory_space<vmem>>) semaphore(%arg34 : memref<!tpu.dma_semaphore, #tpu.memory_space<semaphore_mem>>) {add = true}
      %dma_wait3A_571 = arith.constant 0 : i32
      %dma_wait3A_572 = arith.constant 0 : i32
      %dma_wait3A_573 = tpu.memref_slice %arg22[%dma_wait3A_571, %dma_wait3A_572] : memref<10000x128xbf16, #tpu.memory_space<vmem_shared>> -> memref<10000x128xbf16, #tpu.memory_space<vmem_shared>>
      tpu.wait_indirect_dma semaphore(%arg32 : memref<!tpu.dma_semaphore, #tpu.memory_space<semaphore_mem>>) src(%arg18 : memref<80x128xbf16, #tpu.memory_space<vmem>>) dst(%dma_wait3A_573 : memref<10000x128xbf16, #tpu.memory_space<vmem_shared>>)
      %dma_wait3A_574 = arith.constant 0 : i32
      %dma_wait3A_575 = tpu.memref_slice %arg23[%dma_wait3A_574] : memref<10240xf32, #tpu.memory_space<vmem_shared>> -> memref<10240xf32, #tpu.memory_space<vmem_shared>>
      tpu.wait_indirect_dma semaphore(%arg37 : memref<!tpu.dma_semaphore, #tpu.memory_space<semaphore_mem>>) src(%arg20 : memref<80xf32, #tpu.memory_space<vmem>>) dst(%dma_wait3A_575 : memref<10240xf32, #tpu.memory_space<vmem_shared>>)
      %dma_wait3A_576 = arith.constant 0 : i32
      %dma_wait3A_577 = arith.constant 0 : i32
      %dma_wait3A_578 = tpu.memref_slice %arg3[%dma_wait3A_576, %dma_wait3A_577] : memref<2x320000xi32, #tpu.memory_space<hbm>> -> memref<1x80xi32, #tpu.memory_space<hbm>>
      %dma_wait3A_579 = tpu.memref_squeeze %dma_wait3A_578 : memref<1x80xi32, #tpu.memory_space<hbm>> -> memref<80xi32, #tpu.memory_space<hbm>>
      %dma_wait3A_580 = arith.constant 0 : i32
      %dma_wait3A_581 = tpu.memref_slice %arg3[%dma_wait3A_576, %dma_wait3A_580] : memref<2x320000xi32, #tpu.memory_space<hbm>> -> memref<1x80xi32, #tpu.memory_space<hbm>>
      %dma_wait3A_582 = tpu.memref_squeeze %dma_wait3A_581 : memref<1x80xi32, #tpu.memory_space<hbm>> -> memref<80xi32, #tpu.memory_space<hbm>>
      tpu.wait_dma2 semaphore(%arg26 : memref<!tpu.dma_semaphore, #tpu.memory_space<semaphore_mem>>) src(%dma_wait3A_582 : memref<80xi32, #tpu.memory_space<hbm>>) dst(%arg11 : memref<80xi32, #tpu.memory_space<vmem>>)
      %dma_wait3A_583 = arith.constant 1 : i32
      %dma_wait3A_584 = arith.constant 0 : i32
      %dma_wait3A_585 = tpu.memref_slice %arg3[%dma_wait3A_583, %dma_wait3A_584] : memref<2x320000xi32, #tpu.memory_space<hbm>> -> memref<1x80xi32, #tpu.memory_space<hbm>>
      %dma_wait3A_586 = tpu.memref_squeeze %dma_wait3A_585 : memref<1x80xi32, #tpu.memory_space<hbm>> -> memref<80xi32, #tpu.memory_space<hbm>>
      %dma_wait3A_587 = arith.constant 0 : i32
      %dma_wait3A_588 = tpu.memref_slice %arg3[%dma_wait3A_583, %dma_wait3A_587] : memref<2x320000xi32, #tpu.memory_space<hbm>> -> memref<1x80xi32, #tpu.memory_space<hbm>>
      %dma_wait3A_589 = tpu.memref_squeeze %dma_wait3A_588 : memref<1x80xi32, #tpu.memory_space<hbm>> -> memref<80xi32, #tpu.memory_space<hbm>>
      tpu.wait_dma2 semaphore(%arg26 : memref<!tpu.dma_semaphore, #tpu.memory_space<semaphore_mem>>) src(%dma_wait3A_589 : memref<80xi32, #tpu.memory_space<hbm>>) dst(%arg15 : memref<80xi32, #tpu.memory_space<vmem>>)
      %dma_start3A_590 = arith.constant 0 : i32
      %dma_start3A_591 = arith.constant 0 : i32
      %dma_start3A_592 = tpu.memref_slice %arg2[%dma_start3A_590, %dma_start3A_591] : memref<10000x128xbf16, #tpu.memory_space<hbm>> -> memref<10000x128xbf16, #tpu.memory_space<hbm>>
      tpu.enqueue_indirect_dma source(%dma_start3A_592 : memref<10000x128xbf16, #tpu.memory_space<hbm>>) target(%arg18 : memref<80x128xbf16, #tpu.memory_space<vmem>>) offsets(%arg11 : memref<80xi32, #tpu.memory_space<vmem>>) semaphore(%arg29 : memref<!tpu.dma_semaphore, #tpu.memory_space<semaphore_mem>>)
      %add3A_593 = arith.constant 3 : i32
      %add3A_594 = arith.addi %add3A_562, %add3A_593 : i32
      %min3A_595 = arith.constant 124 : i32
      %min3A_596 = arith.minsi %add3A_594, %min3A_595 : i32
      %mul3A_597 = arith.constant 80 : i32
      %mul3A_598 = arith.muli %min3A_596, %mul3A_597 : i32
      %add3A_599 = arith.addi %mul3A_2, %mul3A_598 : i32
      %dma_start3A_600 = arith.constant 0 : i32
      %dma_start3A_601 = tpu.memref_slice %arg3[%dma_start3A_600, %add3A_599] : memref<2x320000xi32, #tpu.memory_space<hbm>> -> memref<1x80xi32, #tpu.memory_space<hbm>>
      %dma_start3A_602 = tpu.memref_squeeze %dma_start3A_601 : memref<1x80xi32, #tpu.memory_space<hbm>> -> memref<80xi32, #tpu.memory_space<hbm>>
      %dma_start3A_603 = tpu.memref_slice %arg3[%dma_start3A_600, %add3A_599] : memref<2x320000xi32, #tpu.memory_space<hbm>> -> memref<1x80xi32, #tpu.memory_space<hbm>>
      %dma_start3A_604 = tpu.memref_squeeze %dma_start3A_603 : memref<1x80xi32, #tpu.memory_space<hbm>> -> memref<80xi32, #tpu.memory_space<hbm>>
      tpu.enqueue_dma source(%dma_start3A_604 : memref<80xi32, #tpu.memory_space<hbm>>) target(%arg12 : memref<80xi32, #tpu.memory_space<vmem>>) target_semaphore(%arg27 : memref<!tpu.dma_semaphore, #tpu.memory_space<semaphore_mem>>)
      %dma_start3A_605 = arith.constant 1 : i32
      %dma_start3A_606 = tpu.memref_slice %arg3[%dma_start3A_605, %add3A_599] : memref<2x320000xi32, #tpu.memory_space<hbm>> -> memref<1x80xi32, #tpu.memory_space<hbm>>
      %dma_start3A_607 = tpu.memref_squeeze %dma_start3A_606 : memref<1x80xi32, #tpu.memory_space<hbm>> -> memref<80xi32, #tpu.memory_space<hbm>>
      %dma_start3A_608 = tpu.memref_slice %arg3[%dma_start3A_605, %add3A_599] : memref<2x320000xi32, #tpu.memory_space<hbm>> -> memref<1x80xi32, #tpu.memory_space<hbm>>
      %dma_start3A_609 = tpu.memref_squeeze %dma_start3A_608 : memref<1x80xi32, #tpu.memory_space<hbm>> -> memref<80xi32, #tpu.memory_space<hbm>>
      tpu.enqueue_dma source(%dma_start3A_609 : memref<80xi32, #tpu.memory_space<hbm>>) target(%arg16 : memref<80xi32, #tpu.memory_space<vmem>>) target_semaphore(%arg27 : memref<!tpu.dma_semaphore, #tpu.memory_space<semaphore_mem>>)
      %add3A_610 = arith.constant 7 : i32
      %add3A_611 = arith.addi %add3A_266, %add3A_610 : i32
      %dma_wait3A_612 = arith.constant 0 : i32
      %dma_wait3A_613 = arith.constant 0 : i32
      %dma_wait3A_614 = tpu.memref_slice %arg2[%dma_wait3A_612, %dma_wait3A_613] : memref<10000x128xbf16, #tpu.memory_space<hbm>> -> memref<10000x128xbf16, #tpu.memory_space<hbm>>
      tpu.wait_indirect_dma semaphore(%arg28 : memref<!tpu.dma_semaphore, #tpu.memory_space<semaphore_mem>>) src(%dma_wait3A_614 : memref<10000x128xbf16, #tpu.memory_space<hbm>>) dst(%arg17 : memref<80x128xbf16, #tpu.memory_space<vmem>>)
      %dma_start3A_615 = arith.constant 0 : i32
      %dma_start3A_616 = arith.constant 0 : i32
      %dma_start3A_617 = tpu.memref_slice %arg22[%dma_start3A_615, %dma_start3A_616] : memref<10000x128xbf16, #tpu.memory_space<vmem_shared>> -> memref<10000x128xbf16, #tpu.memory_space<vmem_shared>>
      tpu.enqueue_indirect_dma source(%arg17 : memref<80x128xbf16, #tpu.memory_space<vmem>>) target(%dma_start3A_617 : memref<10000x128xbf16, #tpu.memory_space<vmem_shared>>) offsets(%arg14 : memref<80xi32, #tpu.memory_space<vmem>>) semaphore(%arg31 : memref<!tpu.dma_semaphore, #tpu.memory_space<semaphore_mem>>) {add = true}
      %dma_start3A_618 = arith.constant 0 : i32
      %dma_start3A_619 = tpu.memref_slice %arg23[%dma_start3A_618] : memref<10240xf32, #tpu.memory_space<vmem_shared>> -> memref<10240xf32, #tpu.memory_space<vmem_shared>>
      tpu.enqueue_indirect_dma source(%arg20 : memref<80xf32, #tpu.memory_space<vmem>>) target(%dma_start3A_619 : memref<10240xf32, #tpu.memory_space<vmem_shared>>) offsets(%arg14 : memref<80xi32, #tpu.memory_space<vmem>>) semaphore(%arg35 : memref<!tpu.dma_semaphore, #tpu.memory_space<semaphore_mem>>) {add = true}
      %dma_wait3A_620 = arith.constant 0 : i32
      %dma_wait3A_621 = arith.constant 0 : i32
      %dma_wait3A_622 = tpu.memref_slice %arg22[%dma_wait3A_620, %dma_wait3A_621] : memref<10000x128xbf16, #tpu.memory_space<vmem_shared>> -> memref<10000x128xbf16, #tpu.memory_space<vmem_shared>>
      tpu.wait_indirect_dma semaphore(%arg33 : memref<!tpu.dma_semaphore, #tpu.memory_space<semaphore_mem>>) src(%arg19 : memref<80x128xbf16, #tpu.memory_space<vmem>>) dst(%dma_wait3A_622 : memref<10000x128xbf16, #tpu.memory_space<vmem_shared>>)
      %dma_wait3A_623 = arith.constant 0 : i32
      %dma_wait3A_624 = tpu.memref_slice %arg23[%dma_wait3A_623] : memref<10240xf32, #tpu.memory_space<vmem_shared>> -> memref<10240xf32, #tpu.memory_space<vmem_shared>>
      tpu.wait_indirect_dma semaphore(%arg34 : memref<!tpu.dma_semaphore, #tpu.memory_space<semaphore_mem>>) src(%arg20 : memref<80xf32, #tpu.memory_space<vmem>>) dst(%dma_wait3A_624 : memref<10240xf32, #tpu.memory_space<vmem_shared>>)
      %dma_wait3A_625 = arith.constant 0 : i32
      %dma_wait3A_626 = arith.constant 0 : i32
      %dma_wait3A_627 = tpu.memref_slice %arg3[%dma_wait3A_625, %dma_wait3A_626] : memref<2x320000xi32, #tpu.memory_space<hbm>> -> memref<1x80xi32, #tpu.memory_space<hbm>>
      %dma_wait3A_628 = tpu.memref_squeeze %dma_wait3A_627 : memref<1x80xi32, #tpu.memory_space<hbm>> -> memref<80xi32, #tpu.memory_space<hbm>>
      %dma_wait3A_629 = arith.constant 0 : i32
      %dma_wait3A_630 = tpu.memref_slice %arg3[%dma_wait3A_625, %dma_wait3A_629] : memref<2x320000xi32, #tpu.memory_space<hbm>> -> memref<1x80xi32, #tpu.memory_space<hbm>>
      %dma_wait3A_631 = tpu.memref_squeeze %dma_wait3A_630 : memref<1x80xi32, #tpu.memory_space<hbm>> -> memref<80xi32, #tpu.memory_space<hbm>>
      tpu.wait_dma2 semaphore(%arg27 : memref<!tpu.dma_semaphore, #tpu.memory_space<semaphore_mem>>) src(%dma_wait3A_631 : memref<80xi32, #tpu.memory_space<hbm>>) dst(%arg12 : memref<80xi32, #tpu.memory_space<vmem>>)
      %dma_wait3A_632 = arith.constant 1 : i32
      %dma_wait3A_633 = arith.constant 0 : i32
      %dma_wait3A_634 = tpu.memref_slice %arg3[%dma_wait3A_632, %dma_wait3A_633] : memref<2x320000xi32, #tpu.memory_space<hbm>> -> memref<1x80xi32, #tpu.memory_space<hbm>>
      %dma_wait3A_635 = tpu.memref_squeeze %dma_wait3A_634 : memref<1x80xi32, #tpu.memory_space<hbm>> -> memref<80xi32, #tpu.memory_space<hbm>>
      %dma_wait3A_636 = arith.constant 0 : i32
      %dma_wait3A_637 = tpu.memref_slice %arg3[%dma_wait3A_632, %dma_wait3A_636] : memref<2x320000xi32, #tpu.memory_space<hbm>> -> memref<1x80xi32, #tpu.memory_space<hbm>>
      %dma_wait3A_638 = tpu.memref_squeeze %dma_wait3A_637 : memref<1x80xi32, #tpu.memory_space<hbm>> -> memref<80xi32, #tpu.memory_space<hbm>>
      tpu.wait_dma2 semaphore(%arg27 : memref<!tpu.dma_semaphore, #tpu.memory_space<semaphore_mem>>) src(%dma_wait3A_638 : memref<80xi32, #tpu.memory_space<hbm>>) dst(%arg16 : memref<80xi32, #tpu.memory_space<vmem>>)
      %dma_start3A_639 = arith.constant 0 : i32
      %dma_start3A_640 = arith.constant 0 : i32
      %dma_start3A_641 = tpu.memref_slice %arg2[%dma_start3A_639, %dma_start3A_640] : memref<10000x128xbf16, #tpu.memory_space<hbm>> -> memref<10000x128xbf16, #tpu.memory_space<hbm>>
      tpu.enqueue_indirect_dma source(%dma_start3A_641 : memref<10000x128xbf16, #tpu.memory_space<hbm>>) target(%arg19 : memref<80x128xbf16, #tpu.memory_space<vmem>>) offsets(%arg12 : memref<80xi32, #tpu.memory_space<vmem>>) semaphore(%arg30 : memref<!tpu.dma_semaphore, #tpu.memory_space<semaphore_mem>>)
      %add3A_642 = arith.constant 3 : i32
      %add3A_643 = arith.addi %add3A_611, %add3A_642 : i32
      %min3A_644 = arith.constant 124 : i32
      %min3A_645 = arith.minsi %add3A_643, %min3A_644 : i32
      %mul3A_646 = arith.constant 80 : i32
      %mul3A_647 = arith.muli %min3A_645, %mul3A_646 : i32
      %add3A_648 = arith.addi %mul3A_2, %mul3A_647 : i32
      %dma_start3A_649 = arith.constant 0 : i32
      %dma_start3A_650 = tpu.memref_slice %arg3[%dma_start3A_649, %add3A_648] : memref<2x320000xi32, #tpu.memory_space<hbm>> -> memref<1x80xi32, #tpu.memory_space<hbm>>
      %dma_start3A_651 = tpu.memref_squeeze %dma_start3A_650 : memref<1x80xi32, #tpu.memory_space<hbm>> -> memref<80xi32, #tpu.memory_space<hbm>>
      %dma_start3A_652 = tpu.memref_slice %arg3[%dma_start3A_649, %add3A_648] : memref<2x320000xi32, #tpu.memory_space<hbm>> -> memref<1x80xi32, #tpu.memory_space<hbm>>
      %dma_start3A_653 = tpu.memref_squeeze %dma_start3A_652 : memref<1x80xi32, #tpu.memory_space<hbm>> -> memref<80xi32, #tpu.memory_space<hbm>>
      tpu.enqueue_dma source(%dma_start3A_653 : memref<80xi32, #tpu.memory_space<hbm>>) target(%arg9 : memref<80xi32, #tpu.memory_space<vmem>>) target_semaphore(%arg24 : memref<!tpu.dma_semaphore, #tpu.memory_space<semaphore_mem>>)
      %dma_start3A_654 = arith.constant 1 : i32
      %dma_start3A_655 = tpu.memref_slice %arg3[%dma_start3A_654, %add3A_648] : memref<2x320000xi32, #tpu.memory_space<hbm>> -> memref<1x80xi32, #tpu.memory_space<hbm>>
      %dma_start3A_656 = tpu.memref_squeeze %dma_start3A_655 : memref<1x80xi32, #tpu.memory_space<hbm>> -> memref<80xi32, #tpu.memory_space<hbm>>
      %dma_start3A_657 = tpu.memref_slice %arg3[%dma_start3A_654, %add3A_648] : memref<2x320000xi32, #tpu.memory_space<hbm>> -> memref<1x80xi32, #tpu.memory_space<hbm>>
      %dma_start3A_658 = tpu.memref_squeeze %dma_start3A_657 : memref<1x80xi32, #tpu.memory_space<hbm>> -> memref<80xi32, #tpu.memory_space<hbm>>
      tpu.enqueue_dma source(%dma_start3A_658 : memref<80xi32, #tpu.memory_space<hbm>>) target(%arg13 : memref<80xi32, #tpu.memory_space<vmem>>) target_semaphore(%arg24 : memref<!tpu.dma_semaphore, #tpu.memory_space<semaphore_mem>>)
      %add3A_659 = arith.constant 8 : i32
      %add3A_660 = arith.addi %add3A_266, %add3A_659 : i32
      %dma_wait3A_661 = arith.constant 0 : i32
      %dma_wait3A_662 = arith.constant 0 : i32
      %dma_wait3A_663 = tpu.memref_slice %arg2[%dma_wait3A_661, %dma_wait3A_662] : memref<10000x128xbf16, #tpu.memory_space<hbm>> -> memref<10000x128xbf16, #tpu.memory_space<hbm>>
      tpu.wait_indirect_dma semaphore(%arg29 : memref<!tpu.dma_semaphore, #tpu.memory_space<semaphore_mem>>) src(%dma_wait3A_663 : memref<10000x128xbf16, #tpu.memory_space<hbm>>) dst(%arg18 : memref<80x128xbf16, #tpu.memory_space<vmem>>)
      %dma_start3A_664 = arith.constant 0 : i32
      %dma_start3A_665 = arith.constant 0 : i32
      %dma_start3A_666 = tpu.memref_slice %arg22[%dma_start3A_664, %dma_start3A_665] : memref<10000x128xbf16, #tpu.memory_space<vmem_shared>> -> memref<10000x128xbf16, #tpu.memory_space<vmem_shared>>
      tpu.enqueue_indirect_dma source(%arg18 : memref<80x128xbf16, #tpu.memory_space<vmem>>) target(%dma_start3A_666 : memref<10000x128xbf16, #tpu.memory_space<vmem_shared>>) offsets(%arg15 : memref<80xi32, #tpu.memory_space<vmem>>) semaphore(%arg32 : memref<!tpu.dma_semaphore, #tpu.memory_space<semaphore_mem>>) {add = true}
      %dma_start3A_667 = arith.constant 0 : i32
      %dma_start3A_668 = tpu.memref_slice %arg23[%dma_start3A_667] : memref<10240xf32, #tpu.memory_space<vmem_shared>> -> memref<10240xf32, #tpu.memory_space<vmem_shared>>
      tpu.enqueue_indirect_dma source(%arg20 : memref<80xf32, #tpu.memory_space<vmem>>) target(%dma_start3A_668 : memref<10240xf32, #tpu.memory_space<vmem_shared>>) offsets(%arg15 : memref<80xi32, #tpu.memory_space<vmem>>) semaphore(%arg36 : memref<!tpu.dma_semaphore, #tpu.memory_space<semaphore_mem>>) {add = true}
      %dma_wait3A_669 = arith.constant 0 : i32
      %dma_wait3A_670 = arith.constant 0 : i32
      %dma_wait3A_671 = tpu.memref_slice %arg22[%dma_wait3A_669, %dma_wait3A_670] : memref<10000x128xbf16, #tpu.memory_space<vmem_shared>> -> memref<10000x128xbf16, #tpu.memory_space<vmem_shared>>
      tpu.wait_indirect_dma semaphore(%arg31 : memref<!tpu.dma_semaphore, #tpu.memory_space<semaphore_mem>>) src(%arg17 : memref<80x128xbf16, #tpu.memory_space<vmem>>) dst(%dma_wait3A_671 : memref<10000x128xbf16, #tpu.memory_space<vmem_shared>>)
      %dma_wait3A_672 = arith.constant 0 : i32
      %dma_wait3A_673 = tpu.memref_slice %arg23[%dma_wait3A_672] : memref<10240xf32, #tpu.memory_space<vmem_shared>> -> memref<10240xf32, #tpu.memory_space<vmem_shared>>
      tpu.wait_indirect_dma semaphore(%arg35 : memref<!tpu.dma_semaphore, #tpu.memory_space<semaphore_mem>>) src(%arg20 : memref<80xf32, #tpu.memory_space<vmem>>) dst(%dma_wait3A_673 : memref<10240xf32, #tpu.memory_space<vmem_shared>>)
      %dma_wait3A_674 = arith.constant 0 : i32
      %dma_wait3A_675 = arith.constant 0 : i32
      %dma_wait3A_676 = tpu.memref_slice %arg3[%dma_wait3A_674, %dma_wait3A_675] : memref<2x320000xi32, #tpu.memory_space<hbm>> -> memref<1x80xi32, #tpu.memory_space<hbm>>
      %dma_wait3A_677 = tpu.memref_squeeze %dma_wait3A_676 : memref<1x80xi32, #tpu.memory_space<hbm>> -> memref<80xi32, #tpu.memory_space<hbm>>
      %dma_wait3A_678 = arith.constant 0 : i32
      %dma_wait3A_679 = tpu.memref_slice %arg3[%dma_wait3A_674, %dma_wait3A_678] : memref<2x320000xi32, #tpu.memory_space<hbm>> -> memref<1x80xi32, #tpu.memory_space<hbm>>
      %dma_wait3A_680 = tpu.memref_squeeze %dma_wait3A_679 : memref<1x80xi32, #tpu.memory_space<hbm>> -> memref<80xi32, #tpu.memory_space<hbm>>
      tpu.wait_dma2 semaphore(%arg24 : memref<!tpu.dma_semaphore, #tpu.memory_space<semaphore_mem>>) src(%dma_wait3A_680 : memref<80xi32, #tpu.memory_space<hbm>>) dst(%arg9 : memref<80xi32, #tpu.memory_space<vmem>>)
      %dma_wait3A_681 = arith.constant 1 : i32
      %dma_wait3A_682 = arith.constant 0 : i32
      %dma_wait3A_683 = tpu.memref_slice %arg3[%dma_wait3A_681, %dma_wait3A_682] : memref<2x320000xi32, #tpu.memory_space<hbm>> -> memref<1x80xi32, #tpu.memory_space<hbm>>
      %dma_wait3A_684 = tpu.memref_squeeze %dma_wait3A_683 : memref<1x80xi32, #tpu.memory_space<hbm>> -> memref<80xi32, #tpu.memory_space<hbm>>
      %dma_wait3A_685 = arith.constant 0 : i32
      %dma_wait3A_686 = tpu.memref_slice %arg3[%dma_wait3A_681, %dma_wait3A_685] : memref<2x320000xi32, #tpu.memory_space<hbm>> -> memref<1x80xi32, #tpu.memory_space<hbm>>
      %dma_wait3A_687 = tpu.memref_squeeze %dma_wait3A_686 : memref<1x80xi32, #tpu.memory_space<hbm>> -> memref<80xi32, #tpu.memory_space<hbm>>
      tpu.wait_dma2 semaphore(%arg24 : memref<!tpu.dma_semaphore, #tpu.memory_space<semaphore_mem>>) src(%dma_wait3A_687 : memref<80xi32, #tpu.memory_space<hbm>>) dst(%arg13 : memref<80xi32, #tpu.memory_space<vmem>>)
      %dma_start3A_688 = arith.constant 0 : i32
      %dma_start3A_689 = arith.constant 0 : i32
      %dma_start3A_690 = tpu.memref_slice %arg2[%dma_start3A_688, %dma_start3A_689] : memref<10000x128xbf16, #tpu.memory_space<hbm>> -> memref<10000x128xbf16, #tpu.memory_space<hbm>>
      tpu.enqueue_indirect_dma source(%dma_start3A_690 : memref<10000x128xbf16, #tpu.memory_space<hbm>>) target(%arg17 : memref<80x128xbf16, #tpu.memory_space<vmem>>) offsets(%arg9 : memref<80xi32, #tpu.memory_space<vmem>>) semaphore(%arg28 : memref<!tpu.dma_semaphore, #tpu.memory_space<semaphore_mem>>)
      %add3A_691 = arith.constant 3 : i32
      %add3A_692 = arith.addi %add3A_660, %add3A_691 : i32
      %min3A_693 = arith.constant 124 : i32
      %min3A_694 = arith.minsi %add3A_692, %min3A_693 : i32
      %mul3A_695 = arith.constant 80 : i32
      %mul3A_696 = arith.muli %min3A_694, %mul3A_695 : i32
      %add3A_697 = arith.addi %mul3A_2, %mul3A_696 : i32
      %dma_start3A_698 = arith.constant 0 : i32
      %dma_start3A_699 = tpu.memref_slice %arg3[%dma_start3A_698, %add3A_697] : memref<2x320000xi32, #tpu.memory_space<hbm>> -> memref<1x80xi32, #tpu.memory_space<hbm>>
      %dma_start3A_700 = tpu.memref_squeeze %dma_start3A_699 : memref<1x80xi32, #tpu.memory_space<hbm>> -> memref<80xi32, #tpu.memory_space<hbm>>
      %dma_start3A_701 = tpu.memref_slice %arg3[%dma_start3A_698, %add3A_697] : memref<2x320000xi32, #tpu.memory_space<hbm>> -> memref<1x80xi32, #tpu.memory_space<hbm>>
      %dma_start3A_702 = tpu.memref_squeeze %dma_start3A_701 : memref<1x80xi32, #tpu.memory_space<hbm>> -> memref<80xi32, #tpu.memory_space<hbm>>
      tpu.enqueue_dma source(%dma_start3A_702 : memref<80xi32, #tpu.memory_space<hbm>>) target(%arg10 : memref<80xi32, #tpu.memory_space<vmem>>) target_semaphore(%arg25 : memref<!tpu.dma_semaphore, #tpu.memory_space<semaphore_mem>>)
      %dma_start3A_703 = arith.constant 1 : i32
      %dma_start3A_704 = tpu.memref_slice %arg3[%dma_start3A_703, %add3A_697] : memref<2x320000xi32, #tpu.memory_space<hbm>> -> memref<1x80xi32, #tpu.memory_space<hbm>>
      %dma_start3A_705 = tpu.memref_squeeze %dma_start3A_704 : memref<1x80xi32, #tpu.memory_space<hbm>> -> memref<80xi32, #tpu.memory_space<hbm>>
      %dma_start3A_706 = tpu.memref_slice %arg3[%dma_start3A_703, %add3A_697] : memref<2x320000xi32, #tpu.memory_space<hbm>> -> memref<1x80xi32, #tpu.memory_space<hbm>>
      %dma_start3A_707 = tpu.memref_squeeze %dma_start3A_706 : memref<1x80xi32, #tpu.memory_space<hbm>> -> memref<80xi32, #tpu.memory_space<hbm>>
      tpu.enqueue_dma source(%dma_start3A_707 : memref<80xi32, #tpu.memory_space<hbm>>) target(%arg14 : memref<80xi32, #tpu.memory_space<vmem>>) target_semaphore(%arg25 : memref<!tpu.dma_semaphore, #tpu.memory_space<semaphore_mem>>)
      %add3A_708 = arith.constant 9 : i32
      %add3A_709 = arith.addi %add3A_266, %add3A_708 : i32
      %dma_wait3A_710 = arith.constant 0 : i32
      %dma_wait3A_711 = arith.constant 0 : i32
      %dma_wait3A_712 = tpu.memref_slice %arg2[%dma_wait3A_710, %dma_wait3A_711] : memref<10000x128xbf16, #tpu.memory_space<hbm>> -> memref<10000x128xbf16, #tpu.memory_space<hbm>>
      tpu.wait_indirect_dma semaphore(%arg30 : memref<!tpu.dma_semaphore, #tpu.memory_space<semaphore_mem>>) src(%dma_wait3A_712 : memref<10000x128xbf16, #tpu.memory_space<hbm>>) dst(%arg19 : memref<80x128xbf16, #tpu.memory_space<vmem>>)
      %dma_start3A_713 = arith.constant 0 : i32
      %dma_start3A_714 = arith.constant 0 : i32
      %dma_start3A_715 = tpu.memref_slice %arg22[%dma_start3A_713, %dma_start3A_714] : memref<10000x128xbf16, #tpu.memory_space<vmem_shared>> -> memref<10000x128xbf16, #tpu.memory_space<vmem_shared>>
      tpu.enqueue_indirect_dma source(%arg19 : memref<80x128xbf16, #tpu.memory_space<vmem>>) target(%dma_start3A_715 : memref<10000x128xbf16, #tpu.memory_space<vmem_shared>>) offsets(%arg16 : memref<80xi32, #tpu.memory_space<vmem>>) semaphore(%arg33 : memref<!tpu.dma_semaphore, #tpu.memory_space<semaphore_mem>>) {add = true}
      %dma_start3A_716 = arith.constant 0 : i32
      %dma_start3A_717 = tpu.memref_slice %arg23[%dma_start3A_716] : memref<10240xf32, #tpu.memory_space<vmem_shared>> -> memref<10240xf32, #tpu.memory_space<vmem_shared>>
      tpu.enqueue_indirect_dma source(%arg20 : memref<80xf32, #tpu.memory_space<vmem>>) target(%dma_start3A_717 : memref<10240xf32, #tpu.memory_space<vmem_shared>>) offsets(%arg16 : memref<80xi32, #tpu.memory_space<vmem>>) semaphore(%arg37 : memref<!tpu.dma_semaphore, #tpu.memory_space<semaphore_mem>>) {add = true}
      %dma_wait3A_718 = arith.constant 0 : i32
      %dma_wait3A_719 = arith.constant 0 : i32
      %dma_wait3A_720 = tpu.memref_slice %arg22[%dma_wait3A_718, %dma_wait3A_719] : memref<10000x128xbf16, #tpu.memory_space<vmem_shared>> -> memref<10000x128xbf16, #tpu.memory_space<vmem_shared>>
      tpu.wait_indirect_dma semaphore(%arg32 : memref<!tpu.dma_semaphore, #tpu.memory_space<semaphore_mem>>) src(%arg18 : memref<80x128xbf16, #tpu.memory_space<vmem>>) dst(%dma_wait3A_720 : memref<10000x128xbf16, #tpu.memory_space<vmem_shared>>)
      %dma_wait3A_721 = arith.constant 0 : i32
      %dma_wait3A_722 = tpu.memref_slice %arg23[%dma_wait3A_721] : memref<10240xf32, #tpu.memory_space<vmem_shared>> -> memref<10240xf32, #tpu.memory_space<vmem_shared>>
      tpu.wait_indirect_dma semaphore(%arg36 : memref<!tpu.dma_semaphore, #tpu.memory_space<semaphore_mem>>) src(%arg20 : memref<80xf32, #tpu.memory_space<vmem>>) dst(%dma_wait3A_722 : memref<10240xf32, #tpu.memory_space<vmem_shared>>)
      %dma_wait3A_723 = arith.constant 0 : i32
      %dma_wait3A_724 = arith.constant 0 : i32
      %dma_wait3A_725 = tpu.memref_slice %arg3[%dma_wait3A_723, %dma_wait3A_724] : memref<2x320000xi32, #tpu.memory_space<hbm>> -> memref<1x80xi32, #tpu.memory_space<hbm>>
      %dma_wait3A_726 = tpu.memref_squeeze %dma_wait3A_725 : memref<1x80xi32, #tpu.memory_space<hbm>> -> memref<80xi32, #tpu.memory_space<hbm>>
      %dma_wait3A_727 = arith.constant 0 : i32
      %dma_wait3A_728 = tpu.memref_slice %arg3[%dma_wait3A_723, %dma_wait3A_727] : memref<2x320000xi32, #tpu.memory_space<hbm>> -> memref<1x80xi32, #tpu.memory_space<hbm>>
      %dma_wait3A_729 = tpu.memref_squeeze %dma_wait3A_728 : memref<1x80xi32, #tpu.memory_space<hbm>> -> memref<80xi32, #tpu.memory_space<hbm>>
      tpu.wait_dma2 semaphore(%arg25 : memref<!tpu.dma_semaphore, #tpu.memory_space<semaphore_mem>>) src(%dma_wait3A_729 : memref<80xi32, #tpu.memory_space<hbm>>) dst(%arg10 : memref<80xi32, #tpu.memory_space<vmem>>)
      %dma_wait3A_730 = arith.constant 1 : i32
      %dma_wait3A_731 = arith.constant 0 : i32
      %dma_wait3A_732 = tpu.memref_slice %arg3[%dma_wait3A_730, %dma_wait3A_731] : memref<2x320000xi32, #tpu.memory_space<hbm>> -> memref<1x80xi32, #tpu.memory_space<hbm>>
      %dma_wait3A_733 = tpu.memref_squeeze %dma_wait3A_732 : memref<1x80xi32, #tpu.memory_space<hbm>> -> memref<80xi32, #tpu.memory_space<hbm>>
      %dma_wait3A_734 = arith.constant 0 : i32
      %dma_wait3A_735 = tpu.memref_slice %arg3[%dma_wait3A_730, %dma_wait3A_734] : memref<2x320000xi32, #tpu.memory_space<hbm>> -> memref<1x80xi32, #tpu.memory_space<hbm>>
      %dma_wait3A_736 = tpu.memref_squeeze %dma_wait3A_735 : memref<1x80xi32, #tpu.memory_space<hbm>> -> memref<80xi32, #tpu.memory_space<hbm>>
      tpu.wait_dma2 semaphore(%arg25 : memref<!tpu.dma_semaphore, #tpu.memory_space<semaphore_mem>>) src(%dma_wait3A_736 : memref<80xi32, #tpu.memory_space<hbm>>) dst(%arg14 : memref<80xi32, #tpu.memory_space<vmem>>)
      %dma_start3A_737 = arith.constant 0 : i32
      %dma_start3A_738 = arith.constant 0 : i32
      %dma_start3A_739 = tpu.memref_slice %arg2[%dma_start3A_737, %dma_start3A_738] : memref<10000x128xbf16, #tpu.memory_space<hbm>> -> memref<10000x128xbf16, #tpu.memory_space<hbm>>
      tpu.enqueue_indirect_dma source(%dma_start3A_739 : memref<10000x128xbf16, #tpu.memory_space<hbm>>) target(%arg18 : memref<80x128xbf16, #tpu.memory_space<vmem>>) offsets(%arg10 : memref<80xi32, #tpu.memory_space<vmem>>) semaphore(%arg29 : memref<!tpu.dma_semaphore, #tpu.memory_space<semaphore_mem>>)
      %add3A_740 = arith.constant 3 : i32
      %add3A_741 = arith.addi %add3A_709, %add3A_740 : i32
      %min3A_742 = arith.constant 124 : i32
      %min3A_743 = arith.minsi %add3A_741, %min3A_742 : i32
      %mul3A_744 = arith.constant 80 : i32
      %mul3A_745 = arith.muli %min3A_743, %mul3A_744 : i32
      %add3A_746 = arith.addi %mul3A_2, %mul3A_745 : i32
      %dma_start3A_747 = arith.constant 0 : i32
      %dma_start3A_748 = tpu.memref_slice %arg3[%dma_start3A_747, %add3A_746] : memref<2x320000xi32, #tpu.memory_space<hbm>> -> memref<1x80xi32, #tpu.memory_space<hbm>>
      %dma_start3A_749 = tpu.memref_squeeze %dma_start3A_748 : memref<1x80xi32, #tpu.memory_space<hbm>> -> memref<80xi32, #tpu.memory_space<hbm>>
      %dma_start3A_750 = tpu.memref_slice %arg3[%dma_start3A_747, %add3A_746] : memref<2x320000xi32, #tpu.memory_space<hbm>> -> memref<1x80xi32, #tpu.memory_space<hbm>>
      %dma_start3A_751 = tpu.memref_squeeze %dma_start3A_750 : memref<1x80xi32, #tpu.memory_space<hbm>> -> memref<80xi32, #tpu.memory_space<hbm>>
      tpu.enqueue_dma source(%dma_start3A_751 : memref<80xi32, #tpu.memory_space<hbm>>) target(%arg11 : memref<80xi32, #tpu.memory_space<vmem>>) target_semaphore(%arg26 : memref<!tpu.dma_semaphore, #tpu.memory_space<semaphore_mem>>)
      %dma_start3A_752 = arith.constant 1 : i32
      %dma_start3A_753 = tpu.memref_slice %arg3[%dma_start3A_752, %add3A_746] : memref<2x320000xi32, #tpu.memory_space<hbm>> -> memref<1x80xi32, #tpu.memory_space<hbm>>
      %dma_start3A_754 = tpu.memref_squeeze %dma_start3A_753 : memref<1x80xi32, #tpu.memory_space<hbm>> -> memref<80xi32, #tpu.memory_space<hbm>>
      %dma_start3A_755 = tpu.memref_slice %arg3[%dma_start3A_752, %add3A_746] : memref<2x320000xi32, #tpu.memory_space<hbm>> -> memref<1x80xi32, #tpu.memory_space<hbm>>
      %dma_start3A_756 = tpu.memref_squeeze %dma_start3A_755 : memref<1x80xi32, #tpu.memory_space<hbm>> -> memref<80xi32, #tpu.memory_space<hbm>>
      tpu.enqueue_dma source(%dma_start3A_756 : memref<80xi32, #tpu.memory_space<hbm>>) target(%arg15 : memref<80xi32, #tpu.memory_space<vmem>>) target_semaphore(%arg26 : memref<!tpu.dma_semaphore, #tpu.memory_space<semaphore_mem>>)
      %add3A_757 = arith.constant 10 : i32
      %add3A_758 = arith.addi %add3A_266, %add3A_757 : i32
      %dma_wait3A_759 = arith.constant 0 : i32
      %dma_wait3A_760 = arith.constant 0 : i32
      %dma_wait3A_761 = tpu.memref_slice %arg2[%dma_wait3A_759, %dma_wait3A_760] : memref<10000x128xbf16, #tpu.memory_space<hbm>> -> memref<10000x128xbf16, #tpu.memory_space<hbm>>
      tpu.wait_indirect_dma semaphore(%arg28 : memref<!tpu.dma_semaphore, #tpu.memory_space<semaphore_mem>>) src(%dma_wait3A_761 : memref<10000x128xbf16, #tpu.memory_space<hbm>>) dst(%arg17 : memref<80x128xbf16, #tpu.memory_space<vmem>>)
      %dma_start3A_762 = arith.constant 0 : i32
      %dma_start3A_763 = arith.constant 0 : i32
      %dma_start3A_764 = tpu.memref_slice %arg22[%dma_start3A_762, %dma_start3A_763] : memref<10000x128xbf16, #tpu.memory_space<vmem_shared>> -> memref<10000x128xbf16, #tpu.memory_space<vmem_shared>>
      tpu.enqueue_indirect_dma source(%arg17 : memref<80x128xbf16, #tpu.memory_space<vmem>>) target(%dma_start3A_764 : memref<10000x128xbf16, #tpu.memory_space<vmem_shared>>) offsets(%arg13 : memref<80xi32, #tpu.memory_space<vmem>>) semaphore(%arg31 : memref<!tpu.dma_semaphore, #tpu.memory_space<semaphore_mem>>) {add = true}
      %dma_start3A_765 = arith.constant 0 : i32
      %dma_start3A_766 = tpu.memref_slice %arg23[%dma_start3A_765] : memref<10240xf32, #tpu.memory_space<vmem_shared>> -> memref<10240xf32, #tpu.memory_space<vmem_shared>>
      tpu.enqueue_indirect_dma source(%arg20 : memref<80xf32, #tpu.memory_space<vmem>>) target(%dma_start3A_766 : memref<10240xf32, #tpu.memory_space<vmem_shared>>) offsets(%arg13 : memref<80xi32, #tpu.memory_space<vmem>>) semaphore(%arg34 : memref<!tpu.dma_semaphore, #tpu.memory_space<semaphore_mem>>) {add = true}
      %dma_wait3A_767 = arith.constant 0 : i32
      %dma_wait3A_768 = arith.constant 0 : i32
      %dma_wait3A_769 = tpu.memref_slice %arg22[%dma_wait3A_767, %dma_wait3A_768] : memref<10000x128xbf16, #tpu.memory_space<vmem_shared>> -> memref<10000x128xbf16, #tpu.memory_space<vmem_shared>>
      tpu.wait_indirect_dma semaphore(%arg33 : memref<!tpu.dma_semaphore, #tpu.memory_space<semaphore_mem>>) src(%arg19 : memref<80x128xbf16, #tpu.memory_space<vmem>>) dst(%dma_wait3A_769 : memref<10000x128xbf16, #tpu.memory_space<vmem_shared>>)
      %dma_wait3A_770 = arith.constant 0 : i32
      %dma_wait3A_771 = tpu.memref_slice %arg23[%dma_wait3A_770] : memref<10240xf32, #tpu.memory_space<vmem_shared>> -> memref<10240xf32, #tpu.memory_space<vmem_shared>>
      tpu.wait_indirect_dma semaphore(%arg37 : memref<!tpu.dma_semaphore, #tpu.memory_space<semaphore_mem>>) src(%arg20 : memref<80xf32, #tpu.memory_space<vmem>>) dst(%dma_wait3A_771 : memref<10240xf32, #tpu.memory_space<vmem_shared>>)
      %dma_wait3A_772 = arith.constant 0 : i32
      %dma_wait3A_773 = arith.constant 0 : i32
      %dma_wait3A_774 = tpu.memref_slice %arg3[%dma_wait3A_772, %dma_wait3A_773] : memref<2x320000xi32, #tpu.memory_space<hbm>> -> memref<1x80xi32, #tpu.memory_space<hbm>>
      %dma_wait3A_775 = tpu.memref_squeeze %dma_wait3A_774 : memref<1x80xi32, #tpu.memory_space<hbm>> -> memref<80xi32, #tpu.memory_space<hbm>>
      %dma_wait3A_776 = arith.constant 0 : i32
      %dma_wait3A_777 = tpu.memref_slice %arg3[%dma_wait3A_772, %dma_wait3A_776] : memref<2x320000xi32, #tpu.memory_space<hbm>> -> memref<1x80xi32, #tpu.memory_space<hbm>>
      %dma_wait3A_778 = tpu.memref_squeeze %dma_wait3A_777 : memref<1x80xi32, #tpu.memory_space<hbm>> -> memref<80xi32, #tpu.memory_space<hbm>>
      tpu.wait_dma2 semaphore(%arg26 : memref<!tpu.dma_semaphore, #tpu.memory_space<semaphore_mem>>) src(%dma_wait3A_778 : memref<80xi32, #tpu.memory_space<hbm>>) dst(%arg11 : memref<80xi32, #tpu.memory_space<vmem>>)
      %dma_wait3A_779 = arith.constant 1 : i32
      %dma_wait3A_780 = arith.constant 0 : i32
      %dma_wait3A_781 = tpu.memref_slice %arg3[%dma_wait3A_779, %dma_wait3A_780] : memref<2x320000xi32, #tpu.memory_space<hbm>> -> memref<1x80xi32, #tpu.memory_space<hbm>>
      %dma_wait3A_782 = tpu.memref_squeeze %dma_wait3A_781 : memref<1x80xi32, #tpu.memory_space<hbm>> -> memref<80xi32, #tpu.memory_space<hbm>>
      %dma_wait3A_783 = arith.constant 0 : i32
      %dma_wait3A_784 = tpu.memref_slice %arg3[%dma_wait3A_779, %dma_wait3A_783] : memref<2x320000xi32, #tpu.memory_space<hbm>> -> memref<1x80xi32, #tpu.memory_space<hbm>>
      %dma_wait3A_785 = tpu.memref_squeeze %dma_wait3A_784 : memref<1x80xi32, #tpu.memory_space<hbm>> -> memref<80xi32, #tpu.memory_space<hbm>>
      tpu.wait_dma2 semaphore(%arg26 : memref<!tpu.dma_semaphore, #tpu.memory_space<semaphore_mem>>) src(%dma_wait3A_785 : memref<80xi32, #tpu.memory_space<hbm>>) dst(%arg15 : memref<80xi32, #tpu.memory_space<vmem>>)
      %dma_start3A_786 = arith.constant 0 : i32
      %dma_start3A_787 = arith.constant 0 : i32
      %dma_start3A_788 = tpu.memref_slice %arg2[%dma_start3A_786, %dma_start3A_787] : memref<10000x128xbf16, #tpu.memory_space<hbm>> -> memref<10000x128xbf16, #tpu.memory_space<hbm>>
      tpu.enqueue_indirect_dma source(%dma_start3A_788 : memref<10000x128xbf16, #tpu.memory_space<hbm>>) target(%arg19 : memref<80x128xbf16, #tpu.memory_space<vmem>>) offsets(%arg11 : memref<80xi32, #tpu.memory_space<vmem>>) semaphore(%arg30 : memref<!tpu.dma_semaphore, #tpu.memory_space<semaphore_mem>>)
      %add3A_789 = arith.constant 3 : i32
      %add3A_790 = arith.addi %add3A_758, %add3A_789 : i32
      %min3A_791 = arith.constant 124 : i32
      %min3A_792 = arith.minsi %add3A_790, %min3A_791 : i32
      %mul3A_793 = arith.constant 80 : i32
      %mul3A_794 = arith.muli %min3A_792, %mul3A_793 : i32
      %add3A_795 = arith.addi %mul3A_2, %mul3A_794 : i32
      %dma_start3A_796 = arith.constant 0 : i32
      %dma_start3A_797 = tpu.memref_slice %arg3[%dma_start3A_796, %add3A_795] : memref<2x320000xi32, #tpu.memory_space<hbm>> -> memref<1x80xi32, #tpu.memory_space<hbm>>
      %dma_start3A_798 = tpu.memref_squeeze %dma_start3A_797 : memref<1x80xi32, #tpu.memory_space<hbm>> -> memref<80xi32, #tpu.memory_space<hbm>>
      %dma_start3A_799 = tpu.memref_slice %arg3[%dma_start3A_796, %add3A_795] : memref<2x320000xi32, #tpu.memory_space<hbm>> -> memref<1x80xi32, #tpu.memory_space<hbm>>
      %dma_start3A_800 = tpu.memref_squeeze %dma_start3A_799 : memref<1x80xi32, #tpu.memory_space<hbm>> -> memref<80xi32, #tpu.memory_space<hbm>>
      tpu.enqueue_dma source(%dma_start3A_800 : memref<80xi32, #tpu.memory_space<hbm>>) target(%arg12 : memref<80xi32, #tpu.memory_space<vmem>>) target_semaphore(%arg27 : memref<!tpu.dma_semaphore, #tpu.memory_space<semaphore_mem>>)
      %dma_start3A_801 = arith.constant 1 : i32
      %dma_start3A_802 = tpu.memref_slice %arg3[%dma_start3A_801, %add3A_795] : memref<2x320000xi32, #tpu.memory_space<hbm>> -> memref<1x80xi32, #tpu.memory_space<hbm>>
      %dma_start3A_803 = tpu.memref_squeeze %dma_start3A_802 : memref<1x80xi32, #tpu.memory_space<hbm>> -> memref<80xi32, #tpu.memory_space<hbm>>
      %dma_start3A_804 = tpu.memref_slice %arg3[%dma_start3A_801, %add3A_795] : memref<2x320000xi32, #tpu.memory_space<hbm>> -> memref<1x80xi32, #tpu.memory_space<hbm>>
      %dma_start3A_805 = tpu.memref_squeeze %dma_start3A_804 : memref<1x80xi32, #tpu.memory_space<hbm>> -> memref<80xi32, #tpu.memory_space<hbm>>
      tpu.enqueue_dma source(%dma_start3A_805 : memref<80xi32, #tpu.memory_space<hbm>>) target(%arg16 : memref<80xi32, #tpu.memory_space<vmem>>) target_semaphore(%arg27 : memref<!tpu.dma_semaphore, #tpu.memory_space<semaphore_mem>>)
      %add3A_806 = arith.constant 11 : i32
      %add3A_807 = arith.addi %add3A_266, %add3A_806 : i32
      %dma_wait3A_808 = arith.constant 0 : i32
      %dma_wait3A_809 = arith.constant 0 : i32
      %dma_wait3A_810 = tpu.memref_slice %arg2[%dma_wait3A_808, %dma_wait3A_809] : memref<10000x128xbf16, #tpu.memory_space<hbm>> -> memref<10000x128xbf16, #tpu.memory_space<hbm>>
      tpu.wait_indirect_dma semaphore(%arg29 : memref<!tpu.dma_semaphore, #tpu.memory_space<semaphore_mem>>) src(%dma_wait3A_810 : memref<10000x128xbf16, #tpu.memory_space<hbm>>) dst(%arg18 : memref<80x128xbf16, #tpu.memory_space<vmem>>)
      %dma_start3A_811 = arith.constant 0 : i32
      %dma_start3A_812 = arith.constant 0 : i32
      %dma_start3A_813 = tpu.memref_slice %arg22[%dma_start3A_811, %dma_start3A_812] : memref<10000x128xbf16, #tpu.memory_space<vmem_shared>> -> memref<10000x128xbf16, #tpu.memory_space<vmem_shared>>
      tpu.enqueue_indirect_dma source(%arg18 : memref<80x128xbf16, #tpu.memory_space<vmem>>) target(%dma_start3A_813 : memref<10000x128xbf16, #tpu.memory_space<vmem_shared>>) offsets(%arg14 : memref<80xi32, #tpu.memory_space<vmem>>) semaphore(%arg32 : memref<!tpu.dma_semaphore, #tpu.memory_space<semaphore_mem>>) {add = true}
      %dma_start3A_814 = arith.constant 0 : i32
      %dma_start3A_815 = tpu.memref_slice %arg23[%dma_start3A_814] : memref<10240xf32, #tpu.memory_space<vmem_shared>> -> memref<10240xf32, #tpu.memory_space<vmem_shared>>
      tpu.enqueue_indirect_dma source(%arg20 : memref<80xf32, #tpu.memory_space<vmem>>) target(%dma_start3A_815 : memref<10240xf32, #tpu.memory_space<vmem_shared>>) offsets(%arg14 : memref<80xi32, #tpu.memory_space<vmem>>) semaphore(%arg35 : memref<!tpu.dma_semaphore, #tpu.memory_space<semaphore_mem>>) {add = true}
      %dma_wait3A_816 = arith.constant 0 : i32
      %dma_wait3A_817 = arith.constant 0 : i32
      %dma_wait3A_818 = tpu.memref_slice %arg22[%dma_wait3A_816, %dma_wait3A_817] : memref<10000x128xbf16, #tpu.memory_space<vmem_shared>> -> memref<10000x128xbf16, #tpu.memory_space<vmem_shared>>
      tpu.wait_indirect_dma semaphore(%arg31 : memref<!tpu.dma_semaphore, #tpu.memory_space<semaphore_mem>>) src(%arg17 : memref<80x128xbf16, #tpu.memory_space<vmem>>) dst(%dma_wait3A_818 : memref<10000x128xbf16, #tpu.memory_space<vmem_shared>>)
      %dma_wait3A_819 = arith.constant 0 : i32
      %dma_wait3A_820 = tpu.memref_slice %arg23[%dma_wait3A_819] : memref<10240xf32, #tpu.memory_space<vmem_shared>> -> memref<10240xf32, #tpu.memory_space<vmem_shared>>
      tpu.wait_indirect_dma semaphore(%arg34 : memref<!tpu.dma_semaphore, #tpu.memory_space<semaphore_mem>>) src(%arg20 : memref<80xf32, #tpu.memory_space<vmem>>) dst(%dma_wait3A_820 : memref<10240xf32, #tpu.memory_space<vmem_shared>>)
      %dma_wait3A_821 = arith.constant 0 : i32
      %dma_wait3A_822 = arith.constant 0 : i32
      %dma_wait3A_823 = tpu.memref_slice %arg3[%dma_wait3A_821, %dma_wait3A_822] : memref<2x320000xi32, #tpu.memory_space<hbm>> -> memref<1x80xi32, #tpu.memory_space<hbm>>
      %dma_wait3A_824 = tpu.memref_squeeze %dma_wait3A_823 : memref<1x80xi32, #tpu.memory_space<hbm>> -> memref<80xi32, #tpu.memory_space<hbm>>
      %dma_wait3A_825 = arith.constant 0 : i32
      %dma_wait3A_826 = tpu.memref_slice %arg3[%dma_wait3A_821, %dma_wait3A_825] : memref<2x320000xi32, #tpu.memory_space<hbm>> -> memref<1x80xi32, #tpu.memory_space<hbm>>
      %dma_wait3A_827 = tpu.memref_squeeze %dma_wait3A_826 : memref<1x80xi32, #tpu.memory_space<hbm>> -> memref<80xi32, #tpu.memory_space<hbm>>
      tpu.wait_dma2 semaphore(%arg27 : memref<!tpu.dma_semaphore, #tpu.memory_space<semaphore_mem>>) src(%dma_wait3A_827 : memref<80xi32, #tpu.memory_space<hbm>>) dst(%arg12 : memref<80xi32, #tpu.memory_space<vmem>>)
      %dma_wait3A_828 = arith.constant 1 : i32
      %dma_wait3A_829 = arith.constant 0 : i32
      %dma_wait3A_830 = tpu.memref_slice %arg3[%dma_wait3A_828, %dma_wait3A_829] : memref<2x320000xi32, #tpu.memory_space<hbm>> -> memref<1x80xi32, #tpu.memory_space<hbm>>
      %dma_wait3A_831 = tpu.memref_squeeze %dma_wait3A_830 : memref<1x80xi32, #tpu.memory_space<hbm>> -> memref<80xi32, #tpu.memory_space<hbm>>
      %dma_wait3A_832 = arith.constant 0 : i32
      %dma_wait3A_833 = tpu.memref_slice %arg3[%dma_wait3A_828, %dma_wait3A_832] : memref<2x320000xi32, #tpu.memory_space<hbm>> -> memref<1x80xi32, #tpu.memory_space<hbm>>
      %dma_wait3A_834 = tpu.memref_squeeze %dma_wait3A_833 : memref<1x80xi32, #tpu.memory_space<hbm>> -> memref<80xi32, #tpu.memory_space<hbm>>
      tpu.wait_dma2 semaphore(%arg27 : memref<!tpu.dma_semaphore, #tpu.memory_space<semaphore_mem>>) src(%dma_wait3A_834 : memref<80xi32, #tpu.memory_space<hbm>>) dst(%arg16 : memref<80xi32, #tpu.memory_space<vmem>>)
      %dma_start3A_835 = arith.constant 0 : i32
      %dma_start3A_836 = arith.constant 0 : i32
      %dma_start3A_837 = tpu.memref_slice %arg2[%dma_start3A_835, %dma_start3A_836] : memref<10000x128xbf16, #tpu.memory_space<hbm>> -> memref<10000x128xbf16, #tpu.memory_space<hbm>>
      tpu.enqueue_indirect_dma source(%dma_start3A_837 : memref<10000x128xbf16, #tpu.memory_space<hbm>>) target(%arg17 : memref<80x128xbf16, #tpu.memory_space<vmem>>) offsets(%arg12 : memref<80xi32, #tpu.memory_space<vmem>>) semaphore(%arg28 : memref<!tpu.dma_semaphore, #tpu.memory_space<semaphore_mem>>)
      %add3A_838 = arith.constant 3 : i32
      %add3A_839 = arith.addi %add3A_807, %add3A_838 : i32
      %min3A_840 = arith.constant 124 : i32
      %min3A_841 = arith.minsi %add3A_839, %min3A_840 : i32
      %mul3A_842 = arith.constant 80 : i32
      %mul3A_843 = arith.muli %min3A_841, %mul3A_842 : i32
      %add3A_844 = arith.addi %mul3A_2, %mul3A_843 : i32
      %dma_start3A_845 = arith.constant 0 : i32
      %dma_start3A_846 = tpu.memref_slice %arg3[%dma_start3A_845, %add3A_844] : memref<2x320000xi32, #tpu.memory_space<hbm>> -> memref<1x80xi32, #tpu.memory_space<hbm>>
      %dma_start3A_847 = tpu.memref_squeeze %dma_start3A_846 : memref<1x80xi32, #tpu.memory_space<hbm>> -> memref<80xi32, #tpu.memory_space<hbm>>
      %dma_start3A_848 = tpu.memref_slice %arg3[%dma_start3A_845, %add3A_844] : memref<2x320000xi32, #tpu.memory_space<hbm>> -> memref<1x80xi32, #tpu.memory_space<hbm>>
      %dma_start3A_849 = tpu.memref_squeeze %dma_start3A_848 : memref<1x80xi32, #tpu.memory_space<hbm>> -> memref<80xi32, #tpu.memory_space<hbm>>
      tpu.enqueue_dma source(%dma_start3A_849 : memref<80xi32, #tpu.memory_space<hbm>>) target(%arg9 : memref<80xi32, #tpu.memory_space<vmem>>) target_semaphore(%arg24 : memref<!tpu.dma_semaphore, #tpu.memory_space<semaphore_mem>>)
      %dma_start3A_850 = arith.constant 1 : i32
      %dma_start3A_851 = tpu.memref_slice %arg3[%dma_start3A_850, %add3A_844] : memref<2x320000xi32, #tpu.memory_space<hbm>> -> memref<1x80xi32, #tpu.memory_space<hbm>>
      %dma_start3A_852 = tpu.memref_squeeze %dma_start3A_851 : memref<1x80xi32, #tpu.memory_space<hbm>> -> memref<80xi32, #tpu.memory_space<hbm>>
      %dma_start3A_853 = tpu.memref_slice %arg3[%dma_start3A_850, %add3A_844] : memref<2x320000xi32, #tpu.memory_space<hbm>> -> memref<1x80xi32, #tpu.memory_space<hbm>>
      %dma_start3A_854 = tpu.memref_squeeze %dma_start3A_853 : memref<1x80xi32, #tpu.memory_space<hbm>> -> memref<80xi32, #tpu.memory_space<hbm>>
      tpu.enqueue_dma source(%dma_start3A_854 : memref<80xi32, #tpu.memory_space<hbm>>) target(%arg13 : memref<80xi32, #tpu.memory_space<vmem>>) target_semaphore(%arg24 : memref<!tpu.dma_semaphore, #tpu.memory_space<semaphore_mem>>)
    }
    %scan3A_181 = arith.constant 10 : i32
    %dma_wait3A_182 = arith.constant 0 : i32
    %dma_wait3A_183 = arith.constant 0 : i32
    %dma_wait3A_184 = tpu.memref_slice %arg3[%dma_wait3A_182, %dma_wait3A_183] : memref<2x320000xi32, #tpu.memory_space<hbm>> -> memref<1x80xi32, #tpu.memory_space<hbm>>
    %dma_wait3A_185 = tpu.memref_squeeze %dma_wait3A_184 : memref<1x80xi32, #tpu.memory_space<hbm>> -> memref<80xi32, #tpu.memory_space<hbm>>
    %dma_wait3A_186 = arith.constant 0 : i32
    %dma_wait3A_187 = tpu.memref_slice %arg3[%dma_wait3A_182, %dma_wait3A_186] : memref<2x320000xi32, #tpu.memory_space<hbm>> -> memref<1x80xi32, #tpu.memory_space<hbm>>
    %dma_wait3A_188 = tpu.memref_squeeze %dma_wait3A_187 : memref<1x80xi32, #tpu.memory_space<hbm>> -> memref<80xi32, #tpu.memory_space<hbm>>
    tpu.wait_dma2 semaphore(%arg24 : memref<!tpu.dma_semaphore, #tpu.memory_space<semaphore_mem>>) src(%dma_wait3A_188 : memref<80xi32, #tpu.memory_space<hbm>>) dst(%arg9 : memref<80xi32, #tpu.memory_space<vmem>>)
    %dma_wait3A_189 = arith.constant 1 : i32
    %dma_wait3A_190 = arith.constant 0 : i32
    %dma_wait3A_191 = tpu.memref_slice %arg3[%dma_wait3A_189, %dma_wait3A_190] : memref<2x320000xi32, #tpu.memory_space<hbm>> -> memref<1x80xi32, #tpu.memory_space<hbm>>
    %dma_wait3A_192 = tpu.memref_squeeze %dma_wait3A_191 : memref<1x80xi32, #tpu.memory_space<hbm>> -> memref<80xi32, #tpu.memory_space<hbm>>
    %dma_wait3A_193 = arith.constant 0 : i32
    %dma_wait3A_194 = tpu.memref_slice %arg3[%dma_wait3A_189, %dma_wait3A_193] : memref<2x320000xi32, #tpu.memory_space<hbm>> -> memref<1x80xi32, #tpu.memory_space<hbm>>
    %dma_wait3A_195 = tpu.memref_squeeze %dma_wait3A_194 : memref<1x80xi32, #tpu.memory_space<hbm>> -> memref<80xi32, #tpu.memory_space<hbm>>
    tpu.wait_dma2 semaphore(%arg24 : memref<!tpu.dma_semaphore, #tpu.memory_space<semaphore_mem>>) src(%dma_wait3A_195 : memref<80xi32, #tpu.memory_space<hbm>>) dst(%arg13 : memref<80xi32, #tpu.memory_space<vmem>>)
    %dma_start3A_196 = arith.constant 0 : i32
    %dma_start3A_197 = arith.constant 0 : i32
    %dma_start3A_198 = tpu.memref_slice %arg2[%dma_start3A_196, %dma_start3A_197] : memref<10000x128xbf16, #tpu.memory_space<hbm>> -> memref<10000x128xbf16, #tpu.memory_space<hbm>>
    tpu.enqueue_indirect_dma source(%dma_start3A_198 : memref<10000x128xbf16, #tpu.memory_space<hbm>>) target(%arg18 : memref<80x128xbf16, #tpu.memory_space<vmem>>) offsets(%arg9 : memref<80xi32, #tpu.memory_space<vmem>>) semaphore(%arg29 : memref<!tpu.dma_semaphore, #tpu.memory_space<semaphore_mem>>)
    %dma_wait3A_199 = arith.constant 0 : i32
    %dma_wait3A_200 = arith.constant 0 : i32
    %dma_wait3A_201 = tpu.memref_slice %arg2[%dma_wait3A_199, %dma_wait3A_200] : memref<10000x128xbf16, #tpu.memory_space<hbm>> -> memref<10000x128xbf16, #tpu.memory_space<hbm>>
    tpu.wait_indirect_dma semaphore(%arg30 : memref<!tpu.dma_semaphore, #tpu.memory_space<semaphore_mem>>) src(%dma_wait3A_201 : memref<10000x128xbf16, #tpu.memory_space<hbm>>) dst(%arg19 : memref<80x128xbf16, #tpu.memory_space<vmem>>)
    %dma_start3A_202 = arith.constant 0 : i32
    %dma_start3A_203 = arith.constant 0 : i32
    %dma_start3A_204 = tpu.memref_slice %arg22[%dma_start3A_202, %dma_start3A_203] : memref<10000x128xbf16, #tpu.memory_space<vmem_shared>> -> memref<10000x128xbf16, #tpu.memory_space<vmem_shared>>
    tpu.enqueue_indirect_dma source(%arg19 : memref<80x128xbf16, #tpu.memory_space<vmem>>) target(%dma_start3A_204 : memref<10000x128xbf16, #tpu.memory_space<vmem_shared>>) offsets(%arg15 : memref<80xi32, #tpu.memory_space<vmem>>) semaphore(%arg33 : memref<!tpu.dma_semaphore, #tpu.memory_space<semaphore_mem>>) {add = true}
    %dma_start3A_205 = arith.constant 0 : i32
    %dma_start3A_206 = tpu.memref_slice %arg23[%dma_start3A_205] : memref<10240xf32, #tpu.memory_space<vmem_shared>> -> memref<10240xf32, #tpu.memory_space<vmem_shared>>
    tpu.enqueue_indirect_dma source(%arg20 : memref<80xf32, #tpu.memory_space<vmem>>) target(%dma_start3A_206 : memref<10240xf32, #tpu.memory_space<vmem_shared>>) offsets(%arg15 : memref<80xi32, #tpu.memory_space<vmem>>) semaphore(%arg36 : memref<!tpu.dma_semaphore, #tpu.memory_space<semaphore_mem>>) {add = true}
    %dma_wait3A_207 = arith.constant 0 : i32
    %dma_wait3A_208 = arith.constant 0 : i32
    %dma_wait3A_209 = tpu.memref_slice %arg22[%dma_wait3A_207, %dma_wait3A_208] : memref<10000x128xbf16, #tpu.memory_space<vmem_shared>> -> memref<10000x128xbf16, #tpu.memory_space<vmem_shared>>
    tpu.wait_indirect_dma semaphore(%arg32 : memref<!tpu.dma_semaphore, #tpu.memory_space<semaphore_mem>>) src(%arg18 : memref<80x128xbf16, #tpu.memory_space<vmem>>) dst(%dma_wait3A_209 : memref<10000x128xbf16, #tpu.memory_space<vmem_shared>>)
    %dma_wait3A_210 = arith.constant 0 : i32
    %dma_wait3A_211 = tpu.memref_slice %arg23[%dma_wait3A_210] : memref<10240xf32, #tpu.memory_space<vmem_shared>> -> memref<10240xf32, #tpu.memory_space<vmem_shared>>
    tpu.wait_indirect_dma semaphore(%arg35 : memref<!tpu.dma_semaphore, #tpu.memory_space<semaphore_mem>>) src(%arg20 : memref<80xf32, #tpu.memory_space<vmem>>) dst(%dma_wait3A_211 : memref<10240xf32, #tpu.memory_space<vmem_shared>>)
    %dma_wait3A_212 = arith.constant 0 : i32
    %dma_wait3A_213 = arith.constant 0 : i32
    %dma_wait3A_214 = tpu.memref_slice %arg2[%dma_wait3A_212, %dma_wait3A_213] : memref<10000x128xbf16, #tpu.memory_space<hbm>> -> memref<10000x128xbf16, #tpu.memory_space<hbm>>
    tpu.wait_indirect_dma semaphore(%arg28 : memref<!tpu.dma_semaphore, #tpu.memory_space<semaphore_mem>>) src(%dma_wait3A_214 : memref<10000x128xbf16, #tpu.memory_space<hbm>>) dst(%arg17 : memref<80x128xbf16, #tpu.memory_space<vmem>>)
    %dma_start3A_215 = arith.constant 0 : i32
    %dma_start3A_216 = arith.constant 0 : i32
    %dma_start3A_217 = tpu.memref_slice %arg22[%dma_start3A_215, %dma_start3A_216] : memref<10000x128xbf16, #tpu.memory_space<vmem_shared>> -> memref<10000x128xbf16, #tpu.memory_space<vmem_shared>>
    tpu.enqueue_indirect_dma source(%arg17 : memref<80x128xbf16, #tpu.memory_space<vmem>>) target(%dma_start3A_217 : memref<10000x128xbf16, #tpu.memory_space<vmem_shared>>) offsets(%arg16 : memref<80xi32, #tpu.memory_space<vmem>>) semaphore(%arg31 : memref<!tpu.dma_semaphore, #tpu.memory_space<semaphore_mem>>) {add = true}
    %dma_start3A_218 = arith.constant 0 : i32
    %dma_start3A_219 = tpu.memref_slice %arg23[%dma_start3A_218] : memref<10240xf32, #tpu.memory_space<vmem_shared>> -> memref<10240xf32, #tpu.memory_space<vmem_shared>>
    tpu.enqueue_indirect_dma source(%arg20 : memref<80xf32, #tpu.memory_space<vmem>>) target(%dma_start3A_219 : memref<10240xf32, #tpu.memory_space<vmem_shared>>) offsets(%arg16 : memref<80xi32, #tpu.memory_space<vmem>>) semaphore(%arg37 : memref<!tpu.dma_semaphore, #tpu.memory_space<semaphore_mem>>) {add = true}
    %dma_wait3A_220 = arith.constant 0 : i32
    %dma_wait3A_221 = arith.constant 0 : i32
    %dma_wait3A_222 = tpu.memref_slice %arg22[%dma_wait3A_220, %dma_wait3A_221] : memref<10000x128xbf16, #tpu.memory_space<vmem_shared>> -> memref<10000x128xbf16, #tpu.memory_space<vmem_shared>>
    tpu.wait_indirect_dma semaphore(%arg33 : memref<!tpu.dma_semaphore, #tpu.memory_space<semaphore_mem>>) src(%arg19 : memref<80x128xbf16, #tpu.memory_space<vmem>>) dst(%dma_wait3A_222 : memref<10000x128xbf16, #tpu.memory_space<vmem_shared>>)
    %dma_wait3A_223 = arith.constant 0 : i32
    %dma_wait3A_224 = tpu.memref_slice %arg23[%dma_wait3A_223] : memref<10240xf32, #tpu.memory_space<vmem_shared>> -> memref<10240xf32, #tpu.memory_space<vmem_shared>>
    tpu.wait_indirect_dma semaphore(%arg36 : memref<!tpu.dma_semaphore, #tpu.memory_space<semaphore_mem>>) src(%arg20 : memref<80xf32, #tpu.memory_space<vmem>>) dst(%dma_wait3A_224 : memref<10240xf32, #tpu.memory_space<vmem_shared>>)
    %dma_wait3A_225 = arith.constant 0 : i32
    %dma_wait3A_226 = arith.constant 0 : i32
    %dma_wait3A_227 = tpu.memref_slice %arg2[%dma_wait3A_225, %dma_wait3A_226] : memref<10000x128xbf16, #tpu.memory_space<hbm>> -> memref<10000x128xbf16, #tpu.memory_space<hbm>>
    tpu.wait_indirect_dma semaphore(%arg29 : memref<!tpu.dma_semaphore, #tpu.memory_space<semaphore_mem>>) src(%dma_wait3A_227 : memref<10000x128xbf16, #tpu.memory_space<hbm>>) dst(%arg18 : memref<80x128xbf16, #tpu.memory_space<vmem>>)
    %dma_start3A_228 = arith.constant 0 : i32
    %dma_start3A_229 = arith.constant 0 : i32
    %dma_start3A_230 = tpu.memref_slice %arg22[%dma_start3A_228, %dma_start3A_229] : memref<10000x128xbf16, #tpu.memory_space<vmem_shared>> -> memref<10000x128xbf16, #tpu.memory_space<vmem_shared>>
    tpu.enqueue_indirect_dma source(%arg18 : memref<80x128xbf16, #tpu.memory_space<vmem>>) target(%dma_start3A_230 : memref<10000x128xbf16, #tpu.memory_space<vmem_shared>>) offsets(%arg13 : memref<80xi32, #tpu.memory_space<vmem>>) semaphore(%arg32 : memref<!tpu.dma_semaphore, #tpu.memory_space<semaphore_mem>>) {add = true}
    %dma_start3A_231 = arith.constant 0 : i32
    %dma_start3A_232 = tpu.memref_slice %arg23[%dma_start3A_231] : memref<10240xf32, #tpu.memory_space<vmem_shared>> -> memref<10240xf32, #tpu.memory_space<vmem_shared>>
    tpu.enqueue_indirect_dma source(%arg20 : memref<80xf32, #tpu.memory_space<vmem>>) target(%dma_start3A_232 : memref<10240xf32, #tpu.memory_space<vmem_shared>>) offsets(%arg13 : memref<80xi32, #tpu.memory_space<vmem>>) semaphore(%arg34 : memref<!tpu.dma_semaphore, #tpu.memory_space<semaphore_mem>>) {add = true}
    %dma_wait3A_233 = arith.constant 0 : i32
    %dma_wait3A_234 = arith.constant 0 : i32
    %dma_wait3A_235 = tpu.memref_slice %arg22[%dma_wait3A_233, %dma_wait3A_234] : memref<10000x128xbf16, #tpu.memory_space<vmem_shared>> -> memref<10000x128xbf16, #tpu.memory_space<vmem_shared>>
    tpu.wait_indirect_dma semaphore(%arg31 : memref<!tpu.dma_semaphore, #tpu.memory_space<semaphore_mem>>) src(%arg17 : memref<80x128xbf16, #tpu.memory_space<vmem>>) dst(%dma_wait3A_235 : memref<10000x128xbf16, #tpu.memory_space<vmem_shared>>)
    %dma_wait3A_236 = arith.constant 0 : i32
    %dma_wait3A_237 = tpu.memref_slice %arg23[%dma_wait3A_236] : memref<10240xf32, #tpu.memory_space<vmem_shared>> -> memref<10240xf32, #tpu.memory_space<vmem_shared>>
    tpu.wait_indirect_dma semaphore(%arg37 : memref<!tpu.dma_semaphore, #tpu.memory_space<semaphore_mem>>) src(%arg20 : memref<80xf32, #tpu.memory_space<vmem>>) dst(%dma_wait3A_237 : memref<10240xf32, #tpu.memory_space<vmem_shared>>)
    %dma_wait3A_238 = arith.constant 0 : i32
    %dma_wait3A_239 = arith.constant 0 : i32
    %dma_wait3A_240 = tpu.memref_slice %arg22[%dma_wait3A_238, %dma_wait3A_239] : memref<10000x128xbf16, #tpu.memory_space<vmem_shared>> -> memref<10000x128xbf16, #tpu.memory_space<vmem_shared>>
    tpu.wait_indirect_dma semaphore(%arg32 : memref<!tpu.dma_semaphore, #tpu.memory_space<semaphore_mem>>) src(%arg18 : memref<80x128xbf16, #tpu.memory_space<vmem>>) dst(%dma_wait3A_240 : memref<10000x128xbf16, #tpu.memory_space<vmem_shared>>)
    %dma_wait3A_241 = arith.constant 0 : i32
    %dma_wait3A_242 = tpu.memref_slice %arg23[%dma_wait3A_241] : memref<10240xf32, #tpu.memory_space<vmem_shared>> -> memref<10240xf32, #tpu.memory_space<vmem_shared>>
    tpu.wait_indirect_dma semaphore(%arg34 : memref<!tpu.dma_semaphore, #tpu.memory_space<semaphore_mem>>) src(%arg20 : memref<80xf32, #tpu.memory_space<vmem>>) dst(%dma_wait3A_242 : memref<10240xf32, #tpu.memory_space<vmem_shared>>)
    %barrier3A_243 = arith.constant 0 : index
    tpu.barrier barrier_id(%barrier3A_243)
    %add3A_244 = arith.constant 0 : i32
    %add3A_245 = arith.addi %mul3A_4, %add3A_244 : i32
    "tpu.region"() ({
      %run_scoped3A = tpu.sem_alloc : memref<!tpu.dma_semaphore, #tpu.memory_space<semaphore_mem>>
      %dma_start3A_262 = arith.constant 0 : i32
      %dma_start3A_263 = tpu.memref_slice %arg22[%add3A_245, %dma_start3A_262] : memref<10000x128xbf16, #tpu.memory_space<vmem_shared>> -> memref<80x128xbf16, #tpu.memory_space<vmem_shared>>
      %dma_start3A_264 = arith.constant 0 : i32
      %dma_start3A_265 = tpu.memref_slice %arg22[%add3A_245, %dma_start3A_264] : memref<10000x128xbf16, #tpu.memory_space<vmem_shared>> -> memref<80x128xbf16, #tpu.memory_space<vmem_shared>>
      tpu.enqueue_dma source(%dma_start3A_265 : memref<80x128xbf16, #tpu.memory_space<vmem_shared>>) target(%arg17 : memref<80x128xbf16, #tpu.memory_space<vmem>>) target_semaphore(%run_scoped3A : memref<!tpu.dma_semaphore, #tpu.memory_space<semaphore_mem>>)
      %dma_wait3A_266 = arith.constant 0 : i32
      %dma_wait3A_267 = tpu.memref_slice %arg22[%add3A_245, %dma_wait3A_266] : memref<10000x128xbf16, #tpu.memory_space<vmem_shared>> -> memref<80x128xbf16, #tpu.memory_space<vmem_shared>>
      %dma_wait3A_268 = arith.constant 0 : i32
      %dma_wait3A_269 = tpu.memref_slice %arg22[%add3A_245, %dma_wait3A_268] : memref<10000x128xbf16, #tpu.memory_space<vmem_shared>> -> memref<80x128xbf16, #tpu.memory_space<vmem_shared>>
      tpu.wait_dma2 semaphore(%run_scoped3A : memref<!tpu.dma_semaphore, #tpu.memory_space<semaphore_mem>>) src(%dma_wait3A_269 : memref<80x128xbf16, #tpu.memory_space<vmem_shared>>) dst(%arg17 : memref<80x128xbf16, #tpu.memory_space<vmem>>)
      tpu.yield
    }) : () -> ()
    "tpu.region"() ({
      %run_scoped3A = tpu.sem_alloc : memref<!tpu.dma_semaphore, #tpu.memory_space<semaphore_mem>>
      %dma_start3A_262 = arith.constant 0 : i32
      %dma_start3A_263 = tpu.memref_slice %arg7[%arg0, %add3A_245, %dma_start3A_262] : memref<2x10000x128xbf16, #tpu.memory_space<hbm>> -> memref<1x80x128xbf16, #tpu.memory_space<hbm>>
      %dma_start3A_264 = tpu.memref_squeeze %dma_start3A_263 : memref<1x80x128xbf16, #tpu.memory_space<hbm>> -> memref<80x128xbf16, #tpu.memory_space<hbm>>
      %dma_start3A_265 = arith.constant 0 : i32
      %dma_start3A_266 = tpu.memref_slice %arg7[%arg0, %add3A_245, %dma_start3A_265] : memref<2x10000x128xbf16, #tpu.memory_space<hbm>> -> memref<1x80x128xbf16, #tpu.memory_space<hbm>>
      %dma_start3A_267 = tpu.memref_squeeze %dma_start3A_266 : memref<1x80x128xbf16, #tpu.memory_space<hbm>> -> memref<80x128xbf16, #tpu.memory_space<hbm>>
      tpu.enqueue_dma source(%arg17 : memref<80x128xbf16, #tpu.memory_space<vmem>>) target(%dma_start3A_267 : memref<80x128xbf16, #tpu.memory_space<hbm>>) target_semaphore(%run_scoped3A : memref<!tpu.dma_semaphore, #tpu.memory_space<semaphore_mem>>)
      %dma_wait3A_268 = arith.constant 0 : i32
      %dma_wait3A_269 = tpu.memref_slice %arg7[%arg0, %add3A_245, %dma_wait3A_268] : memref<2x10000x128xbf16, #tpu.memory_space<hbm>> -> memref<1x80x128xbf16, #tpu.memory_space<hbm>>
      %dma_wait3A_270 = tpu.memref_squeeze %dma_wait3A_269 : memref<1x80x128xbf16, #tpu.memory_space<hbm>> -> memref<80x128xbf16, #tpu.memory_space<hbm>>
      %dma_wait3A_271 = arith.constant 0 : i32
      %dma_wait3A_272 = tpu.memref_slice %arg7[%arg0, %add3A_245, %dma_wait3A_271] : memref<2x10000x128xbf16, #tpu.memory_space<hbm>> -> memref<1x80x128xbf16, #tpu.memory_space<hbm>>
      %dma_wait3A_273 = tpu.memref_squeeze %dma_wait3A_272 : memref<1x80x128xbf16, #tpu.memory_space<hbm>> -> memref<80x128xbf16, #tpu.memory_space<hbm>>
      tpu.wait_dma2 semaphore(%run_scoped3A : memref<!tpu.dma_semaphore, #tpu.memory_space<semaphore_mem>>) src(%arg17 : memref<80x128xbf16, #tpu.memory_space<vmem>>) dst(%dma_wait3A_273 : memref<80x128xbf16, #tpu.memory_space<hbm>>)
      tpu.yield
    }) : () -> ()
    %add3A_246 = arith.constant 80 : i32
    %add3A_247 = arith.addi %mul3A_4, %add3A_246 : i32
    "tpu.region"() ({
      %run_scoped3A = tpu.sem_alloc : memref<!tpu.dma_semaphore, #tpu.memory_space<semaphore_mem>>
      %dma_start3A_262 = arith.constant 0 : i32
      %dma_start3A_263 = tpu.memref_slice %arg22[%add3A_247, %dma_start3A_262] : memref<10000x128xbf16, #tpu.memory_space<vmem_shared>> -> memref<80x128xbf16, #tpu.memory_space<vmem_shared>>
      %dma_start3A_264 = arith.constant 0 : i32
      %dma_start3A_265 = tpu.memref_slice %arg22[%add3A_247, %dma_start3A_264] : memref<10000x128xbf16, #tpu.memory_space<vmem_shared>> -> memref<80x128xbf16, #tpu.memory_space<vmem_shared>>
      tpu.enqueue_dma source(%dma_start3A_265 : memref<80x128xbf16, #tpu.memory_space<vmem_shared>>) target(%arg17 : memref<80x128xbf16, #tpu.memory_space<vmem>>) target_semaphore(%run_scoped3A : memref<!tpu.dma_semaphore, #tpu.memory_space<semaphore_mem>>)
      %dma_wait3A_266 = arith.constant 0 : i32
      %dma_wait3A_267 = tpu.memref_slice %arg22[%add3A_247, %dma_wait3A_266] : memref<10000x128xbf16, #tpu.memory_space<vmem_shared>> -> memref<80x128xbf16, #tpu.memory_space<vmem_shared>>
      %dma_wait3A_268 = arith.constant 0 : i32
      %dma_wait3A_269 = tpu.memref_slice %arg22[%add3A_247, %dma_wait3A_268] : memref<10000x128xbf16, #tpu.memory_space<vmem_shared>> -> memref<80x128xbf16, #tpu.memory_space<vmem_shared>>
      tpu.wait_dma2 semaphore(%run_scoped3A : memref<!tpu.dma_semaphore, #tpu.memory_space<semaphore_mem>>) src(%dma_wait3A_269 : memref<80x128xbf16, #tpu.memory_space<vmem_shared>>) dst(%arg17 : memref<80x128xbf16, #tpu.memory_space<vmem>>)
      tpu.yield
    }) : () -> ()
    "tpu.region"() ({
      %run_scoped3A = tpu.sem_alloc : memref<!tpu.dma_semaphore, #tpu.memory_space<semaphore_mem>>
      %dma_start3A_262 = arith.constant 0 : i32
      %dma_start3A_263 = tpu.memref_slice %arg7[%arg0, %add3A_247, %dma_start3A_262] : memref<2x10000x128xbf16, #tpu.memory_space<hbm>> -> memref<1x80x128xbf16, #tpu.memory_space<hbm>>
      %dma_start3A_264 = tpu.memref_squeeze %dma_start3A_263 : memref<1x80x128xbf16, #tpu.memory_space<hbm>> -> memref<80x128xbf16, #tpu.memory_space<hbm>>
      %dma_start3A_265 = arith.constant 0 : i32
      %dma_start3A_266 = tpu.memref_slice %arg7[%arg0, %add3A_247, %dma_start3A_265] : memref<2x10000x128xbf16, #tpu.memory_space<hbm>> -> memref<1x80x128xbf16, #tpu.memory_space<hbm>>
      %dma_start3A_267 = tpu.memref_squeeze %dma_start3A_266 : memref<1x80x128xbf16, #tpu.memory_space<hbm>> -> memref<80x128xbf16, #tpu.memory_space<hbm>>
      tpu.enqueue_dma source(%arg17 : memref<80x128xbf16, #tpu.memory_space<vmem>>) target(%dma_start3A_267 : memref<80x128xbf16, #tpu.memory_space<hbm>>) target_semaphore(%run_scoped3A : memref<!tpu.dma_semaphore, #tpu.memory_space<semaphore_mem>>)
      %dma_wait3A_268 = arith.constant 0 : i32
      %dma_wait3A_269 = tpu.memref_slice %arg7[%arg0, %add3A_247, %dma_wait3A_268] : memref<2x10000x128xbf16, #tpu.memory_space<hbm>> -> memref<1x80x128xbf16, #tpu.memory_space<hbm>>
      %dma_wait3A_270 = tpu.memref_squeeze %dma_wait3A_269 : memref<1x80x128xbf16, #tpu.memory_space<hbm>> -> memref<80x128xbf16, #tpu.memory_space<hbm>>
      %dma_wait3A_271 = arith.constant 0 : i32
      %dma_wait3A_272 = tpu.memref_slice %arg7[%arg0, %add3A_247, %dma_wait3A_271] : memref<2x10000x128xbf16, #tpu.memory_space<hbm>> -> memref<1x80x128xbf16, #tpu.memory_space<hbm>>
      %dma_wait3A_273 = tpu.memref_squeeze %dma_wait3A_272 : memref<1x80x128xbf16, #tpu.memory_space<hbm>> -> memref<80x128xbf16, #tpu.memory_space<hbm>>
      tpu.wait_dma2 semaphore(%run_scoped3A : memref<!tpu.dma_semaphore, #tpu.memory_space<semaphore_mem>>) src(%arg17 : memref<80x128xbf16, #tpu.memory_space<vmem>>) dst(%dma_wait3A_273 : memref<80x128xbf16, #tpu.memory_space<hbm>>)
      tpu.yield
    }) : () -> ()
    %add3A_248 = arith.constant 160 : i32
    %add3A_249 = arith.addi %mul3A_4, %add3A_248 : i32
    "tpu.region"() ({
      %run_scoped3A = tpu.sem_alloc : memref<!tpu.dma_semaphore, #tpu.memory_space<semaphore_mem>>
      %dma_start3A_262 = arith.constant 0 : i32
      %dma_start3A_263 = tpu.memref_slice %arg22[%add3A_249, %dma_start3A_262] : memref<10000x128xbf16, #tpu.memory_space<vmem_shared>> -> memref<80x128xbf16, #tpu.memory_space<vmem_shared>>
      %dma_start3A_264 = arith.constant 0 : i32
      %dma_start3A_265 = tpu.memref_slice %arg22[%add3A_249, %dma_start3A_264] : memref<10000x128xbf16, #tpu.memory_space<vmem_shared>> -> memref<80x128xbf16, #tpu.memory_space<vmem_shared>>
      tpu.enqueue_dma source(%dma_start3A_265 : memref<80x128xbf16, #tpu.memory_space<vmem_shared>>) target(%arg17 : memref<80x128xbf16, #tpu.memory_space<vmem>>) target_semaphore(%run_scoped3A : memref<!tpu.dma_semaphore, #tpu.memory_space<semaphore_mem>>)
      %dma_wait3A_266 = arith.constant 0 : i32
      %dma_wait3A_267 = tpu.memref_slice %arg22[%add3A_249, %dma_wait3A_266] : memref<10000x128xbf16, #tpu.memory_space<vmem_shared>> -> memref<80x128xbf16, #tpu.memory_space<vmem_shared>>
      %dma_wait3A_268 = arith.constant 0 : i32
      %dma_wait3A_269 = tpu.memref_slice %arg22[%add3A_249, %dma_wait3A_268] : memref<10000x128xbf16, #tpu.memory_space<vmem_shared>> -> memref<80x128xbf16, #tpu.memory_space<vmem_shared>>
      tpu.wait_dma2 semaphore(%run_scoped3A : memref<!tpu.dma_semaphore, #tpu.memory_space<semaphore_mem>>) src(%dma_wait3A_269 : memref<80x128xbf16, #tpu.memory_space<vmem_shared>>) dst(%arg17 : memref<80x128xbf16, #tpu.memory_space<vmem>>)
      tpu.yield
    }) : () -> ()
    "tpu.region"() ({
      %run_scoped3A = tpu.sem_alloc : memref<!tpu.dma_semaphore, #tpu.memory_space<semaphore_mem>>
      %dma_start3A_262 = arith.constant 0 : i32
      %dma_start3A_263 = tpu.memref_slice %arg7[%arg0, %add3A_249, %dma_start3A_262] : memref<2x10000x128xbf16, #tpu.memory_space<hbm>> -> memref<1x80x128xbf16, #tpu.memory_space<hbm>>
      %dma_start3A_264 = tpu.memref_squeeze %dma_start3A_263 : memref<1x80x128xbf16, #tpu.memory_space<hbm>> -> memref<80x128xbf16, #tpu.memory_space<hbm>>
      %dma_start3A_265 = arith.constant 0 : i32
      %dma_start3A_266 = tpu.memref_slice %arg7[%arg0, %add3A_249, %dma_start3A_265] : memref<2x10000x128xbf16, #tpu.memory_space<hbm>> -> memref<1x80x128xbf16, #tpu.memory_space<hbm>>
      %dma_start3A_267 = tpu.memref_squeeze %dma_start3A_266 : memref<1x80x128xbf16, #tpu.memory_space<hbm>> -> memref<80x128xbf16, #tpu.memory_space<hbm>>
      tpu.enqueue_dma source(%arg17 : memref<80x128xbf16, #tpu.memory_space<vmem>>) target(%dma_start3A_267 : memref<80x128xbf16, #tpu.memory_space<hbm>>) target_semaphore(%run_scoped3A : memref<!tpu.dma_semaphore, #tpu.memory_space<semaphore_mem>>)
      %dma_wait3A_268 = arith.constant 0 : i32
      %dma_wait3A_269 = tpu.memref_slice %arg7[%arg0, %add3A_249, %dma_wait3A_268] : memref<2x10000x128xbf16, #tpu.memory_space<hbm>> -> memref<1x80x128xbf16, #tpu.memory_space<hbm>>
      %dma_wait3A_270 = tpu.memref_squeeze %dma_wait3A_269 : memref<1x80x128xbf16, #tpu.memory_space<hbm>> -> memref<80x128xbf16, #tpu.memory_space<hbm>>
      %dma_wait3A_271 = arith.constant 0 : i32
      %dma_wait3A_272 = tpu.memref_slice %arg7[%arg0, %add3A_249, %dma_wait3A_271] : memref<2x10000x128xbf16, #tpu.memory_space<hbm>> -> memref<1x80x128xbf16, #tpu.memory_space<hbm>>
      %dma_wait3A_273 = tpu.memref_squeeze %dma_wait3A_272 : memref<1x80x128xbf16, #tpu.memory_space<hbm>> -> memref<80x128xbf16, #tpu.memory_space<hbm>>
      tpu.wait_dma2 semaphore(%run_scoped3A : memref<!tpu.dma_semaphore, #tpu.memory_space<semaphore_mem>>) src(%arg17 : memref<80x128xbf16, #tpu.memory_space<vmem>>) dst(%dma_wait3A_273 : memref<80x128xbf16, #tpu.memory_space<hbm>>)
      tpu.yield
    }) : () -> ()
    %add3A_250 = arith.constant 240 : i32
    %add3A_251 = arith.addi %mul3A_4, %add3A_250 : i32
    "tpu.region"() ({
      %run_scoped3A = tpu.sem_alloc : memref<!tpu.dma_semaphore, #tpu.memory_space<semaphore_mem>>
      %dma_start3A_262 = arith.constant 0 : i32
      %dma_start3A_263 = tpu.memref_slice %arg22[%add3A_251, %dma_start3A_262] : memref<10000x128xbf16, #tpu.memory_space<vmem_shared>> -> memref<80x128xbf16, #tpu.memory_space<vmem_shared>>
      %dma_start3A_264 = arith.constant 0 : i32
      %dma_start3A_265 = tpu.memref_slice %arg22[%add3A_251, %dma_start3A_264] : memref<10000x128xbf16, #tpu.memory_space<vmem_shared>> -> memref<80x128xbf16, #tpu.memory_space<vmem_shared>>
      tpu.enqueue_dma source(%dma_start3A_265 : memref<80x128xbf16, #tpu.memory_space<vmem_shared>>) target(%arg17 : memref<80x128xbf16, #tpu.memory_space<vmem>>) target_semaphore(%run_scoped3A : memref<!tpu.dma_semaphore, #tpu.memory_space<semaphore_mem>>)
      %dma_wait3A_266 = arith.constant 0 : i32
      %dma_wait3A_267 = tpu.memref_slice %arg22[%add3A_251, %dma_wait3A_266] : memref<10000x128xbf16, #tpu.memory_space<vmem_shared>> -> memref<80x128xbf16, #tpu.memory_space<vmem_shared>>
      %dma_wait3A_268 = arith.constant 0 : i32
      %dma_wait3A_269 = tpu.memref_slice %arg22[%add3A_251, %dma_wait3A_268] : memref<10000x128xbf16, #tpu.memory_space<vmem_shared>> -> memref<80x128xbf16, #tpu.memory_space<vmem_shared>>
      tpu.wait_dma2 semaphore(%run_scoped3A : memref<!tpu.dma_semaphore, #tpu.memory_space<semaphore_mem>>) src(%dma_wait3A_269 : memref<80x128xbf16, #tpu.memory_space<vmem_shared>>) dst(%arg17 : memref<80x128xbf16, #tpu.memory_space<vmem>>)
      tpu.yield
    }) : () -> ()
    "tpu.region"() ({
      %run_scoped3A = tpu.sem_alloc : memref<!tpu.dma_semaphore, #tpu.memory_space<semaphore_mem>>
      %dma_start3A_262 = arith.constant 0 : i32
      %dma_start3A_263 = tpu.memref_slice %arg7[%arg0, %add3A_251, %dma_start3A_262] : memref<2x10000x128xbf16, #tpu.memory_space<hbm>> -> memref<1x80x128xbf16, #tpu.memory_space<hbm>>
      %dma_start3A_264 = tpu.memref_squeeze %dma_start3A_263 : memref<1x80x128xbf16, #tpu.memory_space<hbm>> -> memref<80x128xbf16, #tpu.memory_space<hbm>>
      %dma_start3A_265 = arith.constant 0 : i32
      %dma_start3A_266 = tpu.memref_slice %arg7[%arg0, %add3A_251, %dma_start3A_265] : memref<2x10000x128xbf16, #tpu.memory_space<hbm>> -> memref<1x80x128xbf16, #tpu.memory_space<hbm>>
      %dma_start3A_267 = tpu.memref_squeeze %dma_start3A_266 : memref<1x80x128xbf16, #tpu.memory_space<hbm>> -> memref<80x128xbf16, #tpu.memory_space<hbm>>
      tpu.enqueue_dma source(%arg17 : memref<80x128xbf16, #tpu.memory_space<vmem>>) target(%dma_start3A_267 : memref<80x128xbf16, #tpu.memory_space<hbm>>) target_semaphore(%run_scoped3A : memref<!tpu.dma_semaphore, #tpu.memory_space<semaphore_mem>>)
      %dma_wait3A_268 = arith.constant 0 : i32
      %dma_wait3A_269 = tpu.memref_slice %arg7[%arg0, %add3A_251, %dma_wait3A_268] : memref<2x10000x128xbf16, #tpu.memory_space<hbm>> -> memref<1x80x128xbf16, #tpu.memory_space<hbm>>
      %dma_wait3A_270 = tpu.memref_squeeze %dma_wait3A_269 : memref<1x80x128xbf16, #tpu.memory_space<hbm>> -> memref<80x128xbf16, #tpu.memory_space<hbm>>
      %dma_wait3A_271 = arith.constant 0 : i32
      %dma_wait3A_272 = tpu.memref_slice %arg7[%arg0, %add3A_251, %dma_wait3A_271] : memref<2x10000x128xbf16, #tpu.memory_space<hbm>> -> memref<1x80x128xbf16, #tpu.memory_space<hbm>>
      %dma_wait3A_273 = tpu.memref_squeeze %dma_wait3A_272 : memref<1x80x128xbf16, #tpu.memory_space<hbm>> -> memref<80x128xbf16, #tpu.memory_space<hbm>>
      tpu.wait_dma2 semaphore(%run_scoped3A : memref<!tpu.dma_semaphore, #tpu.memory_space<semaphore_mem>>) src(%arg17 : memref<80x128xbf16, #tpu.memory_space<vmem>>) dst(%dma_wait3A_273 : memref<80x128xbf16, #tpu.memory_space<hbm>>)
      tpu.yield
    }) : () -> ()
    %add3A_252 = arith.constant 320 : i32
    %add3A_253 = arith.addi %mul3A_4, %add3A_252 : i32
    "tpu.region"() ({
      %run_scoped3A = tpu.sem_alloc : memref<!tpu.dma_semaphore, #tpu.memory_space<semaphore_mem>>
      %dma_start3A_262 = arith.constant 0 : i32
      %dma_start3A_263 = tpu.memref_slice %arg22[%add3A_253, %dma_start3A_262] : memref<10000x128xbf16, #tpu.memory_space<vmem_shared>> -> memref<80x128xbf16, #tpu.memory_space<vmem_shared>>
      %dma_start3A_264 = arith.constant 0 : i32
      %dma_start3A_265 = tpu.memref_slice %arg22[%add3A_253, %dma_start3A_264] : memref<10000x128xbf16, #tpu.memory_space<vmem_shared>> -> memref<80x128xbf16, #tpu.memory_space<vmem_shared>>
      tpu.enqueue_dma source(%dma_start3A_265 : memref<80x128xbf16, #tpu.memory_space<vmem_shared>>) target(%arg17 : memref<80x128xbf16, #tpu.memory_space<vmem>>) target_semaphore(%run_scoped3A : memref<!tpu.dma_semaphore, #tpu.memory_space<semaphore_mem>>)
      %dma_wait3A_266 = arith.constant 0 : i32
      %dma_wait3A_267 = tpu.memref_slice %arg22[%add3A_253, %dma_wait3A_266] : memref<10000x128xbf16, #tpu.memory_space<vmem_shared>> -> memref<80x128xbf16, #tpu.memory_space<vmem_shared>>
      %dma_wait3A_268 = arith.constant 0 : i32
      %dma_wait3A_269 = tpu.memref_slice %arg22[%add3A_253, %dma_wait3A_268] : memref<10000x128xbf16, #tpu.memory_space<vmem_shared>> -> memref<80x128xbf16, #tpu.memory_space<vmem_shared>>
      tpu.wait_dma2 semaphore(%run_scoped3A : memref<!tpu.dma_semaphore, #tpu.memory_space<semaphore_mem>>) src(%dma_wait3A_269 : memref<80x128xbf16, #tpu.memory_space<vmem_shared>>) dst(%arg17 : memref<80x128xbf16, #tpu.memory_space<vmem>>)
      tpu.yield
    }) : () -> ()
    "tpu.region"() ({
      %run_scoped3A = tpu.sem_alloc : memref<!tpu.dma_semaphore, #tpu.memory_space<semaphore_mem>>
      %dma_start3A_262 = arith.constant 0 : i32
      %dma_start3A_263 = tpu.memref_slice %arg7[%arg0, %add3A_253, %dma_start3A_262] : memref<2x10000x128xbf16, #tpu.memory_space<hbm>> -> memref<1x80x128xbf16, #tpu.memory_space<hbm>>
      %dma_start3A_264 = tpu.memref_squeeze %dma_start3A_263 : memref<1x80x128xbf16, #tpu.memory_space<hbm>> -> memref<80x128xbf16, #tpu.memory_space<hbm>>
      %dma_start3A_265 = arith.constant 0 : i32
      %dma_start3A_266 = tpu.memref_slice %arg7[%arg0, %add3A_253, %dma_start3A_265] : memref<2x10000x128xbf16, #tpu.memory_space<hbm>> -> memref<1x80x128xbf16, #tpu.memory_space<hbm>>
      %dma_start3A_267 = tpu.memref_squeeze %dma_start3A_266 : memref<1x80x128xbf16, #tpu.memory_space<hbm>> -> memref<80x128xbf16, #tpu.memory_space<hbm>>
      tpu.enqueue_dma source(%arg17 : memref<80x128xbf16, #tpu.memory_space<vmem>>) target(%dma_start3A_267 : memref<80x128xbf16, #tpu.memory_space<hbm>>) target_semaphore(%run_scoped3A : memref<!tpu.dma_semaphore, #tpu.memory_space<semaphore_mem>>)
      %dma_wait3A_268 = arith.constant 0 : i32
      %dma_wait3A_269 = tpu.memref_slice %arg7[%arg0, %add3A_253, %dma_wait3A_268] : memref<2x10000x128xbf16, #tpu.memory_space<hbm>> -> memref<1x80x128xbf16, #tpu.memory_space<hbm>>
      %dma_wait3A_270 = tpu.memref_squeeze %dma_wait3A_269 : memref<1x80x128xbf16, #tpu.memory_space<hbm>> -> memref<80x128xbf16, #tpu.memory_space<hbm>>
      %dma_wait3A_271 = arith.constant 0 : i32
      %dma_wait3A_272 = tpu.memref_slice %arg7[%arg0, %add3A_253, %dma_wait3A_271] : memref<2x10000x128xbf16, #tpu.memory_space<hbm>> -> memref<1x80x128xbf16, #tpu.memory_space<hbm>>
      %dma_wait3A_273 = tpu.memref_squeeze %dma_wait3A_272 : memref<1x80x128xbf16, #tpu.memory_space<hbm>> -> memref<80x128xbf16, #tpu.memory_space<hbm>>
      tpu.wait_dma2 semaphore(%run_scoped3A : memref<!tpu.dma_semaphore, #tpu.memory_space<semaphore_mem>>) src(%arg17 : memref<80x128xbf16, #tpu.memory_space<vmem>>) dst(%dma_wait3A_273 : memref<80x128xbf16, #tpu.memory_space<hbm>>)
      tpu.yield
    }) : () -> ()
    %add3A_254 = arith.constant 400 : i32
    %add3A_255 = arith.addi %mul3A_4, %add3A_254 : i32
    "tpu.region"() ({
      %run_scoped3A = tpu.sem_alloc : memref<!tpu.dma_semaphore, #tpu.memory_space<semaphore_mem>>
      %dma_start3A_262 = arith.constant 0 : i32
      %dma_start3A_263 = tpu.memref_slice %arg22[%add3A_255, %dma_start3A_262] : memref<10000x128xbf16, #tpu.memory_space<vmem_shared>> -> memref<80x128xbf16, #tpu.memory_space<vmem_shared>>
      %dma_start3A_264 = arith.constant 0 : i32
      %dma_start3A_265 = tpu.memref_slice %arg22[%add3A_255, %dma_start3A_264] : memref<10000x128xbf16, #tpu.memory_space<vmem_shared>> -> memref<80x128xbf16, #tpu.memory_space<vmem_shared>>
      tpu.enqueue_dma source(%dma_start3A_265 : memref<80x128xbf16, #tpu.memory_space<vmem_shared>>) target(%arg17 : memref<80x128xbf16, #tpu.memory_space<vmem>>) target_semaphore(%run_scoped3A : memref<!tpu.dma_semaphore, #tpu.memory_space<semaphore_mem>>)
      %dma_wait3A_266 = arith.constant 0 : i32
      %dma_wait3A_267 = tpu.memref_slice %arg22[%add3A_255, %dma_wait3A_266] : memref<10000x128xbf16, #tpu.memory_space<vmem_shared>> -> memref<80x128xbf16, #tpu.memory_space<vmem_shared>>
      %dma_wait3A_268 = arith.constant 0 : i32
      %dma_wait3A_269 = tpu.memref_slice %arg22[%add3A_255, %dma_wait3A_268] : memref<10000x128xbf16, #tpu.memory_space<vmem_shared>> -> memref<80x128xbf16, #tpu.memory_space<vmem_shared>>
      tpu.wait_dma2 semaphore(%run_scoped3A : memref<!tpu.dma_semaphore, #tpu.memory_space<semaphore_mem>>) src(%dma_wait3A_269 : memref<80x128xbf16, #tpu.memory_space<vmem_shared>>) dst(%arg17 : memref<80x128xbf16, #tpu.memory_space<vmem>>)
      tpu.yield
    }) : () -> ()
    "tpu.region"() ({
      %run_scoped3A = tpu.sem_alloc : memref<!tpu.dma_semaphore, #tpu.memory_space<semaphore_mem>>
      %dma_start3A_262 = arith.constant 0 : i32
      %dma_start3A_263 = tpu.memref_slice %arg7[%arg0, %add3A_255, %dma_start3A_262] : memref<2x10000x128xbf16, #tpu.memory_space<hbm>> -> memref<1x80x128xbf16, #tpu.memory_space<hbm>>
      %dma_start3A_264 = tpu.memref_squeeze %dma_start3A_263 : memref<1x80x128xbf16, #tpu.memory_space<hbm>> -> memref<80x128xbf16, #tpu.memory_space<hbm>>
      %dma_start3A_265 = arith.constant 0 : i32
      %dma_start3A_266 = tpu.memref_slice %arg7[%arg0, %add3A_255, %dma_start3A_265] : memref<2x10000x128xbf16, #tpu.memory_space<hbm>> -> memref<1x80x128xbf16, #tpu.memory_space<hbm>>
      %dma_start3A_267 = tpu.memref_squeeze %dma_start3A_266 : memref<1x80x128xbf16, #tpu.memory_space<hbm>> -> memref<80x128xbf16, #tpu.memory_space<hbm>>
      tpu.enqueue_dma source(%arg17 : memref<80x128xbf16, #tpu.memory_space<vmem>>) target(%dma_start3A_267 : memref<80x128xbf16, #tpu.memory_space<hbm>>) target_semaphore(%run_scoped3A : memref<!tpu.dma_semaphore, #tpu.memory_space<semaphore_mem>>)
      %dma_wait3A_268 = arith.constant 0 : i32
      %dma_wait3A_269 = tpu.memref_slice %arg7[%arg0, %add3A_255, %dma_wait3A_268] : memref<2x10000x128xbf16, #tpu.memory_space<hbm>> -> memref<1x80x128xbf16, #tpu.memory_space<hbm>>
      %dma_wait3A_270 = tpu.memref_squeeze %dma_wait3A_269 : memref<1x80x128xbf16, #tpu.memory_space<hbm>> -> memref<80x128xbf16, #tpu.memory_space<hbm>>
      %dma_wait3A_271 = arith.constant 0 : i32
      %dma_wait3A_272 = tpu.memref_slice %arg7[%arg0, %add3A_255, %dma_wait3A_271] : memref<2x10000x128xbf16, #tpu.memory_space<hbm>> -> memref<1x80x128xbf16, #tpu.memory_space<hbm>>
      %dma_wait3A_273 = tpu.memref_squeeze %dma_wait3A_272 : memref<1x80x128xbf16, #tpu.memory_space<hbm>> -> memref<80x128xbf16, #tpu.memory_space<hbm>>
      tpu.wait_dma2 semaphore(%run_scoped3A : memref<!tpu.dma_semaphore, #tpu.memory_space<semaphore_mem>>) src(%arg17 : memref<80x128xbf16, #tpu.memory_space<vmem>>) dst(%dma_wait3A_273 : memref<80x128xbf16, #tpu.memory_space<hbm>>)
      tpu.yield
    }) : () -> ()
    %add3A_256 = arith.constant 480 : i32
    %add3A_257 = arith.addi %mul3A_4, %add3A_256 : i32
    "tpu.region"() ({
      %run_scoped3A = tpu.sem_alloc : memref<!tpu.dma_semaphore, #tpu.memory_space<semaphore_mem>>
      %dma_start3A_262 = arith.constant 0 : i32
      %dma_start3A_263 = tpu.memref_slice %arg22[%add3A_257, %dma_start3A_262] : memref<10000x128xbf16, #tpu.memory_space<vmem_shared>> -> memref<80x128xbf16, #tpu.memory_space<vmem_shared>>
      %dma_start3A_264 = arith.constant 0 : i32
      %dma_start3A_265 = tpu.memref_slice %arg22[%add3A_257, %dma_start3A_264] : memref<10000x128xbf16, #tpu.memory_space<vmem_shared>> -> memref<80x128xbf16, #tpu.memory_space<vmem_shared>>
      tpu.enqueue_dma source(%dma_start3A_265 : memref<80x128xbf16, #tpu.memory_space<vmem_shared>>) target(%arg17 : memref<80x128xbf16, #tpu.memory_space<vmem>>) target_semaphore(%run_scoped3A : memref<!tpu.dma_semaphore, #tpu.memory_space<semaphore_mem>>)
      %dma_wait3A_266 = arith.constant 0 : i32
      %dma_wait3A_267 = tpu.memref_slice %arg22[%add3A_257, %dma_wait3A_266] : memref<10000x128xbf16, #tpu.memory_space<vmem_shared>> -> memref<80x128xbf16, #tpu.memory_space<vmem_shared>>
      %dma_wait3A_268 = arith.constant 0 : i32
      %dma_wait3A_269 = tpu.memref_slice %arg22[%add3A_257, %dma_wait3A_268] : memref<10000x128xbf16, #tpu.memory_space<vmem_shared>> -> memref<80x128xbf16, #tpu.memory_space<vmem_shared>>
      tpu.wait_dma2 semaphore(%run_scoped3A : memref<!tpu.dma_semaphore, #tpu.memory_space<semaphore_mem>>) src(%dma_wait3A_269 : memref<80x128xbf16, #tpu.memory_space<vmem_shared>>) dst(%arg17 : memref<80x128xbf16, #tpu.memory_space<vmem>>)
      tpu.yield
    }) : () -> ()
    "tpu.region"() ({
      %run_scoped3A = tpu.sem_alloc : memref<!tpu.dma_semaphore, #tpu.memory_space<semaphore_mem>>
      %dma_start3A_262 = arith.constant 0 : i32
      %dma_start3A_263 = tpu.memref_slice %arg7[%arg0, %add3A_257, %dma_start3A_262] : memref<2x10000x128xbf16, #tpu.memory_space<hbm>> -> memref<1x80x128xbf16, #tpu.memory_space<hbm>>
      %dma_start3A_264 = tpu.memref_squeeze %dma_start3A_263 : memref<1x80x128xbf16, #tpu.memory_space<hbm>> -> memref<80x128xbf16, #tpu.memory_space<hbm>>
      %dma_start3A_265 = arith.constant 0 : i32
      %dma_start3A_266 = tpu.memref_slice %arg7[%arg0, %add3A_257, %dma_start3A_265] : memref<2x10000x128xbf16, #tpu.memory_space<hbm>> -> memref<1x80x128xbf16, #tpu.memory_space<hbm>>
      %dma_start3A_267 = tpu.memref_squeeze %dma_start3A_266 : memref<1x80x128xbf16, #tpu.memory_space<hbm>> -> memref<80x128xbf16, #tpu.memory_space<hbm>>
      tpu.enqueue_dma source(%arg17 : memref<80x128xbf16, #tpu.memory_space<vmem>>) target(%dma_start3A_267 : memref<80x128xbf16, #tpu.memory_space<hbm>>) target_semaphore(%run_scoped3A : memref<!tpu.dma_semaphore, #tpu.memory_space<semaphore_mem>>)
      %dma_wait3A_268 = arith.constant 0 : i32
      %dma_wait3A_269 = tpu.memref_slice %arg7[%arg0, %add3A_257, %dma_wait3A_268] : memref<2x10000x128xbf16, #tpu.memory_space<hbm>> -> memref<1x80x128xbf16, #tpu.memory_space<hbm>>
      %dma_wait3A_270 = tpu.memref_squeeze %dma_wait3A_269 : memref<1x80x128xbf16, #tpu.memory_space<hbm>> -> memref<80x128xbf16, #tpu.memory_space<hbm>>
      %dma_wait3A_271 = arith.constant 0 : i32
      %dma_wait3A_272 = tpu.memref_slice %arg7[%arg0, %add3A_257, %dma_wait3A_271] : memref<2x10000x128xbf16, #tpu.memory_space<hbm>> -> memref<1x80x128xbf16, #tpu.memory_space<hbm>>
      %dma_wait3A_273 = tpu.memref_squeeze %dma_wait3A_272 : memref<1x80x128xbf16, #tpu.memory_space<hbm>> -> memref<80x128xbf16, #tpu.memory_space<hbm>>
      tpu.wait_dma2 semaphore(%run_scoped3A : memref<!tpu.dma_semaphore, #tpu.memory_space<semaphore_mem>>) src(%arg17 : memref<80x128xbf16, #tpu.memory_space<vmem>>) dst(%dma_wait3A_273 : memref<80x128xbf16, #tpu.memory_space<hbm>>)
      tpu.yield
    }) : () -> ()
    %add3A_258 = arith.constant 560 : i32
    %add3A_259 = arith.addi %mul3A_4, %add3A_258 : i32
    "tpu.region"() ({
      %run_scoped3A = tpu.sem_alloc : memref<!tpu.dma_semaphore, #tpu.memory_space<semaphore_mem>>
      %dma_start3A_262 = arith.constant 0 : i32
      %dma_start3A_263 = arith.constant 0 : i32
      %dma_start3A_264 = tpu.memref_slice %arg17[%dma_start3A_262, %dma_start3A_263] : memref<80x128xbf16, #tpu.memory_space<vmem>> -> memref<65x128xbf16, #tpu.memory_space<vmem>>
      %dma_start3A_265 = arith.constant 0 : i32
      %dma_start3A_266 = tpu.memref_slice %arg22[%add3A_259, %dma_start3A_265] : memref<10000x128xbf16, #tpu.memory_space<vmem_shared>> -> memref<65x128xbf16, #tpu.memory_space<vmem_shared>>
      %dma_start3A_267 = arith.constant 0 : i32
      %dma_start3A_268 = arith.constant 0 : i32
      %dma_start3A_269 = tpu.memref_slice %arg17[%dma_start3A_267, %dma_start3A_268] : memref<80x128xbf16, #tpu.memory_space<vmem>> -> memref<65x128xbf16, #tpu.memory_space<vmem>>
      %dma_start3A_270 = arith.constant 0 : i32
      %dma_start3A_271 = tpu.memref_slice %arg22[%add3A_259, %dma_start3A_270] : memref<10000x128xbf16, #tpu.memory_space<vmem_shared>> -> memref<65x128xbf16, #tpu.memory_space<vmem_shared>>
      tpu.enqueue_dma source(%dma_start3A_271 : memref<65x128xbf16, #tpu.memory_space<vmem_shared>>) target(%dma_start3A_269 : memref<65x128xbf16, #tpu.memory_space<vmem>>) target_semaphore(%run_scoped3A : memref<!tpu.dma_semaphore, #tpu.memory_space<semaphore_mem>>)
      %dma_wait3A_272 = arith.constant 0 : i32
      %dma_wait3A_273 = arith.constant 0 : i32
      %dma_wait3A_274 = tpu.memref_slice %arg17[%dma_wait3A_272, %dma_wait3A_273] : memref<80x128xbf16, #tpu.memory_space<vmem>> -> memref<65x128xbf16, #tpu.memory_space<vmem>>
      %dma_wait3A_275 = arith.constant 0 : i32
      %dma_wait3A_276 = tpu.memref_slice %arg22[%add3A_259, %dma_wait3A_275] : memref<10000x128xbf16, #tpu.memory_space<vmem_shared>> -> memref<65x128xbf16, #tpu.memory_space<vmem_shared>>
      %dma_wait3A_277 = arith.constant 0 : i32
      %dma_wait3A_278 = arith.constant 0 : i32
      %dma_wait3A_279 = tpu.memref_slice %arg17[%dma_wait3A_277, %dma_wait3A_278] : memref<80x128xbf16, #tpu.memory_space<vmem>> -> memref<65x128xbf16, #tpu.memory_space<vmem>>
      %dma_wait3A_280 = arith.constant 0 : i32
      %dma_wait3A_281 = tpu.memref_slice %arg22[%add3A_259, %dma_wait3A_280] : memref<10000x128xbf16, #tpu.memory_space<vmem_shared>> -> memref<65x128xbf16, #tpu.memory_space<vmem_shared>>
      tpu.wait_dma2 semaphore(%run_scoped3A : memref<!tpu.dma_semaphore, #tpu.memory_space<semaphore_mem>>) src(%dma_wait3A_281 : memref<65x128xbf16, #tpu.memory_space<vmem_shared>>) dst(%dma_wait3A_279 : memref<65x128xbf16, #tpu.memory_space<vmem>>)
      tpu.yield
    }) : () -> ()
    %add3A_260 = arith.constant 560 : i32
    %add3A_261 = arith.addi %mul3A_4, %add3A_260 : i32
    "tpu.region"() ({
      %run_scoped3A = tpu.sem_alloc : memref<!tpu.dma_semaphore, #tpu.memory_space<semaphore_mem>>
      %dma_start3A_262 = arith.constant 0 : i32
      %dma_start3A_263 = arith.constant 0 : i32
      %dma_start3A_264 = tpu.memref_slice %arg17[%dma_start3A_262, %dma_start3A_263] : memref<80x128xbf16, #tpu.memory_space<vmem>> -> memref<65x128xbf16, #tpu.memory_space<vmem>>
      %dma_start3A_265 = arith.constant 0 : i32
      %dma_start3A_266 = tpu.memref_slice %arg7[%arg0, %add3A_261, %dma_start3A_265] : memref<2x10000x128xbf16, #tpu.memory_space<hbm>> -> memref<1x65x128xbf16, #tpu.memory_space<hbm>>
      %dma_start3A_267 = tpu.memref_squeeze %dma_start3A_266 : memref<1x65x128xbf16, #tpu.memory_space<hbm>> -> memref<65x128xbf16, #tpu.memory_space<hbm>>
      %dma_start3A_268 = arith.constant 0 : i32
      %dma_start3A_269 = tpu.memref_slice %arg7[%arg0, %add3A_261, %dma_start3A_268] : memref<2x10000x128xbf16, #tpu.memory_space<hbm>> -> memref<1x65x128xbf16, #tpu.memory_space<hbm>>
      %dma_start3A_270 = tpu.memref_squeeze %dma_start3A_269 : memref<1x65x128xbf16, #tpu.memory_space<hbm>> -> memref<65x128xbf16, #tpu.memory_space<hbm>>
      %dma_start3A_271 = arith.constant 0 : i32
      %dma_start3A_272 = arith.constant 0 : i32
      %dma_start3A_273 = tpu.memref_slice %arg17[%dma_start3A_271, %dma_start3A_272] : memref<80x128xbf16, #tpu.memory_space<vmem>> -> memref<65x128xbf16, #tpu.memory_space<vmem>>
      tpu.enqueue_dma source(%dma_start3A_273 : memref<65x128xbf16, #tpu.memory_space<vmem>>) target(%dma_start3A_270 : memref<65x128xbf16, #tpu.memory_space<hbm>>) target_semaphore(%run_scoped3A : memref<!tpu.dma_semaphore, #tpu.memory_space<semaphore_mem>>)
      %dma_wait3A_274 = arith.constant 0 : i32
      %dma_wait3A_275 = arith.constant 0 : i32
      %dma_wait3A_276 = tpu.memref_slice %arg17[%dma_wait3A_274, %dma_wait3A_275] : memref<80x128xbf16, #tpu.memory_space<vmem>> -> memref<65x128xbf16, #tpu.memory_space<vmem>>
      %dma_wait3A_277 = arith.constant 0 : i32
      %dma_wait3A_278 = tpu.memref_slice %arg7[%arg0, %add3A_261, %dma_wait3A_277] : memref<2x10000x128xbf16, #tpu.memory_space<hbm>> -> memref<1x65x128xbf16, #tpu.memory_space<hbm>>
      %dma_wait3A_279 = tpu.memref_squeeze %dma_wait3A_278 : memref<1x65x128xbf16, #tpu.memory_space<hbm>> -> memref<65x128xbf16, #tpu.memory_space<hbm>>
      %dma_wait3A_280 = arith.constant 0 : i32
      %dma_wait3A_281 = tpu.memref_slice %arg7[%arg0, %add3A_261, %dma_wait3A_280] : memref<2x10000x128xbf16, #tpu.memory_space<hbm>> -> memref<1x65x128xbf16, #tpu.memory_space<hbm>>
      %dma_wait3A_282 = tpu.memref_squeeze %dma_wait3A_281 : memref<1x65x128xbf16, #tpu.memory_space<hbm>> -> memref<65x128xbf16, #tpu.memory_space<hbm>>
      %dma_wait3A_283 = arith.constant 0 : i32
      %dma_wait3A_284 = arith.constant 0 : i32
      %dma_wait3A_285 = tpu.memref_slice %arg17[%dma_wait3A_283, %dma_wait3A_284] : memref<80x128xbf16, #tpu.memory_space<vmem>> -> memref<65x128xbf16, #tpu.memory_space<vmem>>
      tpu.wait_dma2 semaphore(%run_scoped3A : memref<!tpu.dma_semaphore, #tpu.memory_space<semaphore_mem>>) src(%dma_wait3A_285 : memref<65x128xbf16, #tpu.memory_space<vmem>>) dst(%dma_wait3A_282 : memref<65x128xbf16, #tpu.memory_space<hbm>>)
      tpu.yield
    }) : () -> ()
    "tpu.region"() ({
      %run_scoped3A = tpu.sem_alloc : memref<!tpu.dma_semaphore, #tpu.memory_space<semaphore_mem>>
      %dma_start3A_262 = tpu.memref_slice %arg23[%mul3A_6] : memref<10240xf32, #tpu.memory_space<vmem_shared>> -> memref<640xf32, #tpu.memory_space<vmem_shared>>
      %dma_start3A_263 = tpu.memref_slice %arg23[%mul3A_6] : memref<10240xf32, #tpu.memory_space<vmem_shared>> -> memref<640xf32, #tpu.memory_space<vmem_shared>>
      tpu.enqueue_dma source(%dma_start3A_263 : memref<640xf32, #tpu.memory_space<vmem_shared>>) target(%arg21 : memref<640xf32, #tpu.memory_space<vmem>>) target_semaphore(%run_scoped3A : memref<!tpu.dma_semaphore, #tpu.memory_space<semaphore_mem>>)
      %dma_wait3A_264 = tpu.memref_slice %arg23[%mul3A_6] : memref<10240xf32, #tpu.memory_space<vmem_shared>> -> memref<640xf32, #tpu.memory_space<vmem_shared>>
      %dma_wait3A_265 = tpu.memref_slice %arg23[%mul3A_6] : memref<10240xf32, #tpu.memory_space<vmem_shared>> -> memref<640xf32, #tpu.memory_space<vmem_shared>>
      tpu.wait_dma2 semaphore(%run_scoped3A : memref<!tpu.dma_semaphore, #tpu.memory_space<semaphore_mem>>) src(%dma_wait3A_265 : memref<640xf32, #tpu.memory_space<vmem_shared>>) dst(%arg21 : memref<640xf32, #tpu.memory_space<vmem>>)
      tpu.yield
    }) : () -> ()
    "tpu.region"() ({
      %run_scoped3A = tpu.sem_alloc : memref<!tpu.dma_semaphore, #tpu.memory_space<semaphore_mem>>
      %dma_start3A_262 = tpu.memref_slice %arg8[%arg0, %mul3A_6] : memref<2x10240xf32, #tpu.memory_space<hbm>> -> memref<1x640xf32, #tpu.memory_space<hbm>>
      %dma_start3A_263 = tpu.memref_squeeze %dma_start3A_262 : memref<1x640xf32, #tpu.memory_space<hbm>> -> memref<640xf32, #tpu.memory_space<hbm>>
      %dma_start3A_264 = tpu.memref_slice %arg8[%arg0, %mul3A_6] : memref<2x10240xf32, #tpu.memory_space<hbm>> -> memref<1x640xf32, #tpu.memory_space<hbm>>
      %dma_start3A_265 = tpu.memref_squeeze %dma_start3A_264 : memref<1x640xf32, #tpu.memory_space<hbm>> -> memref<640xf32, #tpu.memory_space<hbm>>
      tpu.enqueue_dma source(%arg21 : memref<640xf32, #tpu.memory_space<vmem>>) target(%dma_start3A_265 : memref<640xf32, #tpu.memory_space<hbm>>) target_semaphore(%run_scoped3A : memref<!tpu.dma_semaphore, #tpu.memory_space<semaphore_mem>>)
      %dma_wait3A_266 = tpu.memref_slice %arg8[%arg0, %mul3A_6] : memref<2x10240xf32, #tpu.memory_space<hbm>> -> memref<1x640xf32, #tpu.memory_space<hbm>>
      %dma_wait3A_267 = tpu.memref_squeeze %dma_wait3A_266 : memref<1x640xf32, #tpu.memory_space<hbm>> -> memref<640xf32, #tpu.memory_space<hbm>>
      %dma_wait3A_268 = tpu.memref_slice %arg8[%arg0, %mul3A_6] : memref<2x10240xf32, #tpu.memory_space<hbm>> -> memref<1x640xf32, #tpu.memory_space<hbm>>
      %dma_wait3A_269 = tpu.memref_squeeze %dma_wait3A_268 : memref<1x640xf32, #tpu.memory_space<hbm>> -> memref<640xf32, #tpu.memory_space<hbm>>
      tpu.wait_dma2 semaphore(%run_scoped3A : memref<!tpu.dma_semaphore, #tpu.memory_space<semaphore_mem>>) src(%arg21 : memref<640xf32, #tpu.memory_space<vmem>>) dst(%dma_wait3A_269 : memref<640xf32, #tpu.memory_space<hbm>>)
      tpu.yield
    }) : () -> ()
    return
  }
}

module attributes {stable_mosaic.version = 14 : i64} {
  func.func @_tc_z_body(%arg0: i32, %arg1: memref<1000x128xf32, #tpu.memory_space<vmem>>, %arg2: memref<128x128xf32, #tpu.memory_space<vmem>>, %arg3: memref<1x128xf32, #tpu.memory_space<vmem>>, %arg4: memref<1000x128xf32, #tpu.memory_space<vmem>>) attributes {dimension_semantics = [#tpu.dimension_semantics<arbitrary>], iteration_bounds = array<i64: 10>, scalar_prefetch = 0 : i64, scratch_operands = 0 : i64, tpu.core_type = #tpu.core_type<tc>, window_params = [{transform_indices = @transform_0, window_bounds = array<i64: 1000, 128>}, {pipeline_mode = #tpu.pipeline_mode<synchronous>, transform_indices = @transform_1, window_bounds = array<i64: 128, 128>}, {pipeline_mode = #tpu.pipeline_mode<synchronous>, transform_indices = @transform_2, window_bounds = array<i64: 1, 128>}, {transform_indices = @transform_3, window_bounds = array<i64: 1000, 128>}]} {
    %get3A = arith.constant 0 : index
    %get3A_0 = arith.constant 0 : index
    %get3A_1 = vector.load %arg1[%get3A, %get3A_0] : memref<1000x128xf32, #tpu.memory_space<vmem>>, vector<1000x128xf32>
    %get3A_2 = arith.constant 0 : index
    %get3A_3 = arith.constant 0 : index
    %get3A_4 = vector.load %arg2[%get3A_2, %get3A_3] : memref<128x128xf32, #tpu.memory_space<vmem>>, vector<128x128xf32>
    %dot_general3A = arith.constant dense<0.000000e+00> : vector<1000x128xf32>
    %dot_general3A_5 = tpu.matmul %get3A_1, %get3A_4, %dot_general3A {dimension_numbers = #tpu.dot_dimension_numbers<[1], [0], [0], [1], [0, 0, 1, 1], [], []>, transpose_lhs_hint = false} : vector<1000x128xf32>, vector<128x128xf32>, vector<1000x128xf32> -> vector<1000x128xf32>
    %get3A_6 = arith.constant 0 : index
    %get3A_7 = arith.constant 0 : index
    %get3A_8 = vector.load %arg3[%get3A_6, %get3A_7] : memref<1x128xf32, #tpu.memory_space<vmem>>, vector<1x128xf32>
    %add3A = vector.broadcast %get3A_8 : vector<1x128xf32> to vector<1000x128xf32>
    %add3A_9 = arith.addf %dot_general3A_5, %add3A : vector<1000x128xf32>
    %swap3A = arith.constant 0 : index
    %swap3A_10 = arith.constant 0 : index
    %swap3A_11 = vector.load %arg4[%swap3A, %swap3A_10] : memref<1000x128xf32, #tpu.memory_space<vmem>>, vector<1000x128xf32>
    tpu.vector_store %arg4[%swap3A, %swap3A_10], %add3A_9 {strides = array<i32>} : memref<1000x128xf32, #tpu.memory_space<vmem>>, vector<1000x128xf32>,
    return
  }
  func.func @transform_0(%arg0: i32) -> (i32, i32) {
    %c0_i32 = arith.constant 0 : i32
    %c0_i32_0 = arith.constant 0 : i32
    return %arg0, %c0_i32 : i32, i32
  }
  func.func @transform_1(%arg0: i32) -> (i32, i32) {
    %c0_i32 = arith.constant 0 : i32
    %c0_i32_0 = arith.constant 0 : i32
    %c0_i32_1 = arith.constant 0 : i32
    return %c0_i32, %c0_i32_0 : i32, i32
  }
  func.func @transform_2(%arg0: i32) -> (i32, i32) {
    %c0_i32 = arith.constant 0 : i32
    %c0_i32_0 = arith.constant 0 : i32
    %c0_i32_1 = arith.constant 0 : i32
    return %c0_i32, %c0_i32_0 : i32, i32
  }
  func.func @transform_3(%arg0: i32) -> (i32, i32) {
    %c0_i32 = arith.constant 0 : i32
    %c0_i32_0 = arith.constant 0 : i32
    return %arg0, %c0_i32 : i32, i32
  }
}

module attributes {stable_mosaic.version = 14 : i64} {
  func.func @_tc_body(%arg0: i32, %arg1: memref<1000x128xf32, #tpu.memory_space<vmem>>, %arg2: memref<1000x1xf32, #tpu.memory_space<vmem>>, %arg3: memref<1000x128xf32, #tpu.memory_space<vmem>>, %arg4: memref<128x128xf32, #tpu.memory_space<vmem>>, %arg5: memref<1000x128xf32, #tpu.memory_space<vmem>>) attributes {dimension_semantics = [#tpu.dimension_semantics<arbitrary>], iteration_bounds = array<i64: 10>, scalar_prefetch = 0 : i64, scratch_operands = 0 : i64, tpu.core_type = #tpu.core_type<tc>, window_params = [{transform_indices = @transform_0, window_bounds = array<i64: 1000, 128>}, {transform_indices = @transform_1, window_bounds = array<i64: 1000, 1>}, {transform_indices = @transform_2, window_bounds = array<i64: 1000, 128>}, {pipeline_mode = #tpu.pipeline_mode<synchronous>, transform_indices = @transform_3, window_bounds = array<i64: 128, 128>}, {transform_indices = @transform_4, window_bounds = array<i64: 1000, 128>}]} {
    %get3A = arith.constant 0 : index
    %get3A_0 = arith.constant 0 : index
    %get3A_1 = vector.load %arg1[%get3A, %get3A_0] : memref<1000x128xf32, #tpu.memory_space<vmem>>, vector<1000x128xf32>
    %get3A_2 = arith.constant 0 : index
    %get3A_3 = arith.constant 0 : index
    %get3A_4 = vector.load %arg2[%get3A_2, %get3A_3] : memref<1000x1xf32, #tpu.memory_space<vmem>>, vector<1000x1xf32>
    %max3A = arith.constant 1.000000e+00 : f32
    %max3A_5 = vector.broadcast %max3A : f32 to vector<1000x1xf32>
    %max3A_6 = arith.maximumf %get3A_4, %max3A_5 : vector<1000x1xf32>
    %div3A = vector.broadcast %max3A_6 : vector<1000x1xf32> to vector<1000x128xf32>
    %div3A_7 = arith.divf %get3A_1, %div3A : vector<1000x128xf32>
    %get3A_8 = arith.constant 0 : index
    %get3A_9 = arith.constant 0 : index
    %get3A_10 = vector.load %arg4[%get3A_8, %get3A_9] : memref<128x128xf32, #tpu.memory_space<vmem>>, vector<128x128xf32>
    %dot_general3A = arith.constant dense<0.000000e+00> : vector<1000x128xf32>
    %dot_general3A_11 = tpu.matmul %div3A_7, %get3A_10, %dot_general3A {dimension_numbers = #tpu.dot_dimension_numbers<[1], [0], [0], [1], [0, 0, 1, 1], [], []>, transpose_lhs_hint = false} : vector<1000x128xf32>, vector<128x128xf32>, vector<1000x128xf32> -> vector<1000x128xf32>
    %get3A_12 = arith.constant 0 : index
    %get3A_13 = arith.constant 0 : index
    %get3A_14 = vector.load %arg3[%get3A_12, %get3A_13] : memref<1000x128xf32, #tpu.memory_space<vmem>>, vector<1000x128xf32>
    %add3A = arith.addf %dot_general3A_11, %get3A_14 : vector<1000x128xf32>
    %swap3A = arith.constant 0 : index
    %swap3A_15 = arith.constant 0 : index
    %swap3A_16 = vector.load %arg5[%swap3A, %swap3A_15] : memref<1000x128xf32, #tpu.memory_space<vmem>>, vector<1000x128xf32>
    tpu.vector_store %arg5[%swap3A, %swap3A_15], %add3A {strides = array<i32>} : memref<1000x128xf32, #tpu.memory_space<vmem>>, vector<1000x128xf32>,
    return
  }
  func.func @transform_0(%arg0: i32) -> (i32, i32) {
    %c0_i32 = arith.constant 0 : i32
    %c0_i32_0 = arith.constant 0 : i32
    return %arg0, %c0_i32 : i32, i32
  }
  func.func @transform_1(%arg0: i32) -> (i32, i32) {
    %c0_i32 = arith.constant 0 : i32
    %c0_i32_0 = arith.constant 0 : i32
    return %arg0, %c0_i32 : i32, i32
  }
  func.func @transform_2(%arg0: i32) -> (i32, i32) {
    %c0_i32 = arith.constant 0 : i32
    %c0_i32_0 = arith.constant 0 : i32
    return %arg0, %c0_i32 : i32, i32
  }
  func.func @transform_3(%arg0: i32) -> (i32, i32) {
    %c0_i32 = arith.constant 0 : i32
    %c0_i32_0 = arith.constant 0 : i32
    %c0_i32_1 = arith.constant 0 : i32
    return %c0_i32, %c0_i32_0 : i32, i32
  }
  func.func @transform_4(%arg0: i32) -> (i32, i32) {
    %c0_i32 = arith.constant 0 : i32
    %c0_i32_0 = arith.constant 0 : i32
    return %arg0, %c0_i32 : i32, i32
  }
}

</mosaic_0001>

<sc_bundles>
// kernel: kernel.5.cloned.1.call-start
scs
__scs_entry_jumppad:
0x0: {  	(pc) =	sbr.rel $0x88, $3  }
0x1: {  	(tag) =	ssettag $0x0;
	lr =	simm.s32 $0x1  }
0x2: {  	[smem:$0x3F9C] =	sst lr;
	_ =	strace $0xD0000000  }
0x3: {  	_ = 	snop  }
0x4: {  	_ = 	snop  }
0x5: {  	_ = 	snop  }
0x6: {  	_ = 	snop  }
0x7: {  	_ = 	snop  }
__scs_overlays_trampoline_lowered:
0x8: {  	[smem:$0x3FAB] =	sst s0  }
0x9: {  	[smem:$0x3FAC] =	sst s1  }
0xa: {  	[smem:$0x3FAD] =	sst s2  }
0xb: {  	[smem:$0x3FAE] =	sst s3  }
0xc: {  	[smem:$0x3FAF] =	sst s4  }
0xd: {  	[smem:$0x3FB0] =	sst s5  }
0xe: {  	[smem:$0x3FB1] =	sst s6  }
0xf: {  	[smem:$0x3FB2] =	sst s7  }
0x10: {  	[smem:$0x3FB3] =	sst s8  }
0x11: {  	[smem:$0x3FB4] =	sst s9;
	s0 =	simm.s32 @!p0 $0x0  }
0x12: {  	s1 =	sld [smem:$0x3F9A];
	s0 =	simm.s32 @p0 $0x1  }
0x13: {  	[smem:$0x3FB5] =	sst s0;
	s0 =	simm.s32 @!p1 $0x0  }
0x14: {  	s2 =	sld [smem:$0x3F99];
	s0 =	simm.s32 @p1 $0x1  }
0x15: {  	[smem:$0x3FB6] =	sst s0;
	s0 =	simm.s32 @!p2 $0x0  }
0x16: {  	s3 =	sld [smem:$0x3FDB];
	s0 =	simm.s32 @p2 $0x1  }
0x17: {  	s4 =	simm.s32 $0x1BF5;
	[smem:$0x3FB8] =	sst s0  }
0x18: {  	s0 =	sld [smem:$0x3F9B];
	_ =	swait.ge [sflag:s4], $0x0  }
0x19: {  	s7 =	sld [smem:$0x3F9C]  }
0x1a: {  	s8 =	sadd.s32 $0xFFFFE003, lr  }
0x1b: {  	s9 =	sadd.s32 $0xFFFFFEF7, lr;
	s5 =	simm.s32 $0xFFFFFFFF;
	p2 =	slt.u32 s8, $0xFFFFF086  }
0x1c: {  	p1 =	slt.u32 s9, $0xF7A;
	s5 =	simm.s32 @!p2 $0x0  }
0x1d: {  	s5 =	simm.s32 @p1 $0x1;
	p0 =	seq.s32 s7, s2  }
0x1e: {  	s7 =	smul.u32 @!p0 $0xF7A, s2;
	p2 =	seq.s32 @!p0 s5, $0x0  }
0x1f: {  	s9 =	smul.u32 $0xF7A, s1;
	s8 =	simm.s32 @!p0 $0x1BF5;
	p2 =	por !p2, p0  }
0x20: {  	[sflag:s8] =	ssyncset.s32 @!p0 $0xFFFFF086;
	s6 =	sadd.s32 @!p0 s3, s7;
	s7 =	simm.s32 @!p0 $0x108  }
0x21: {  	s3 =	sadd.s32 s3, s9;
	s6 =	sadd.s32 @!p0 $0x88, s6;
	s7 =	simm.s32 @p2 $0x1082  }
0x22: {  	[simem:s7], [sflag:s8] =	dma.local @!p0 [hbm:s6], $0xF7A  }
0x23: {  	s9 =	sor.u32 $0xD0000000, s2;
	s6 =	simm.s32 $0x108;
	_ =	swait.ge @!p0 [sflag:s8], $0x0  }
0x24: {  	s3 =	sadd.s32 $0x88, s3;
	s6 =	simm.s32 @!p1 $0x1082;
	[sflag:s4] =	ssyncset.s32 $0xFFFFF086  }
0x25: {  	[simem:s6], [sflag:s4] =	dma.local [hbm:s3], $0xF7A  }
0x26: {  	[smem:$0x3F9C] =	sst s1;
	(tag) =	ssettag s2;
	_ =	strace s9  }
0x27: {  	s1 =	sld [smem:$0x3FAC]  }
0x28: {  	s2 =	sld [smem:$0x3FAD]  }
0x29: {  	s4 =	sld [smem:$0x3FAF]  }
0x2a: {  	p0 =	seq.s32 s5, $0x0;
	s5 =	sld [smem:$0x3FB0]  }
0x2b: {  	s6 =	sld [smem:$0x3FB1]  }
0x2c: {  	s7 =	sld [smem:$0x3FB2]  }
0x2d: {  	s3 =	simm.s32 $0x108;
	s8 =	sld [smem:$0x3FB3]  }
0x2e: {  	s3 =	simm.s32 @!p0 $0x1082;
	s9 =	sld [smem:$0x3FB4]  }
0x2f: {  	lr =	sadd.s32 s0, s3;
	s0 =	sld [smem:$0x3FAB]  }
0x30: {  	s3 =	sld [smem:$0x3FAE]  }
0x31: {  	[smem:$0x3FB7] =	sst s10  }
0x32: {  	s10 =	sld [smem:$0x3FB5];
	_ =	sdelay $0x3  }
0x33: {  	p0 =	seq.s32 s10, $0x1;
	s10 =	sld [smem:$0x3FB7];
	_ =	sdelay $0x3  }
0x34: {  	[smem:$0x3FB7] =	sst s10  }
0x35: {  	s10 =	sld [smem:$0x3FB6];
	_ =	sdelay $0x3  }
0x36: {  	p1 =	seq.s32 s10, $0x1;
	s10 =	sld [smem:$0x3FB7];
	_ =	sdelay $0x3  }
0x37: {  	[smem:$0x3FB7] =	sst s10  }
0x38: {  	s10 =	sld [smem:$0x3FB8]  }
0x39: {  	_ = 	snop;
	(pc) =	sbr.ind lr, $3  }
0x3a: {  	_ = 	snop  }
0x3b: {  	_ = 	snop  }
0x3c: {  	p2 =	seq.s32 s10, $0x1;
	s10 =	sld [smem:$0x3FB7]  }
0x3d: {  	_ =	shalt  }
0x3e: {  	_ =	shalt  }
0x3f: {  	_ =	shalt  }
0x40: {  	_ =	shalt  }
0x41: {  	_ =	shalt  }
0x42: {  	_ =	shalt  }
0x43: {  	_ =	shalt  }
0x44: {  	_ =	shalt  }
0x45: {  	_ =	shalt  }
0x46: {  	_ =	shalt  }
0x47: {  	_ =	shalt  }
0x48: {  	_ =	shalt  }
0x49: {  	_ =	shalt  }
0x4a: {  	_ =	shalt  }
0x4b: {  	_ =	shalt  }
0x4c: {  	_ =	shalt  }
0x4d: {  	_ =	shalt  }
0x4e: {  	_ =	shalt  }
0x4f: {  	_ =	shalt  }
0x50: {  	_ =	shalt  }
0x51: {  	_ =	shalt  }
0x52: {  	_ =	shalt  }
0x53: {  	_ =	shalt  }
0x54: {  	_ =	shalt  }
0x55: {  	_ =	shalt  }
0x56: {  	_ =	shalt  }
0x57: {  	_ =	shalt  }
0x58: {  	_ =	shalt  }
0x59: {  	_ =	shalt  }
0x5a: {  	_ =	shalt  }
0x5b: {  	_ =	shalt  }
0x5c: {  	_ =	shalt  }
0x5d: {  	_ =	shalt  }
0x5e: {  	_ =	shalt  }
0x5f: {  	_ =	shalt  }
0x60: {  	_ =	shalt  }
0x61: {  	_ =	shalt  }
0x62: {  	_ =	shalt  }
0x63: {  	_ =	shalt  }
0x64: {  	_ =	shalt  }
0x65: {  	_ =	shalt  }
0x66: {  	_ =	shalt  }
0x67: {  	_ =	shalt  }
0x68: {  	_ =	shalt  }
0x69: {  	_ =	shalt  }
0x6a: {  	_ =	shalt  }
0x6b: {  	_ =	shalt  }
0x6c: {  	_ =	shalt  }
0x6d: {  	_ =	shalt  }
0x6e: {  	_ =	shalt  }
0x6f: {  	_ =	shalt  }
0x70: {  	_ =	shalt  }
0x71: {  	_ =	shalt  }
0x72: {  	_ =	shalt  }
0x73: {  	_ =	shalt  }
0x74: {  	_ =	shalt  }
0x75: {  	_ =	shalt  }
0x76: {  	_ =	shalt  }
0x77: {  	_ =	shalt  }
0x78: {  	_ =	shalt  }
0x79: {  	_ =	shalt  }
0x7a: {  	_ =	shalt  }
0x7b: {  	_ =	shalt  }
0x7c: {  	_ =	shalt  }
0x7d: {  	_ =	shalt  }
0x7e: {  	_ =	shalt  }
0x7f: {  	_ =	shalt  }
0x80: {  	_ =	shalt  }
0x81: {  	_ =	shalt  }
0x82: {  	_ =	shalt  }
0x83: {  	_ =	shalt  }
0x84: {  	_ =	shalt  }
0x85: {  	_ =	shalt  }
0x86: {  	_ =	shalt  }
0x87: {  	_ =	shalt  }
.Lfunc_end0:
.L_simem_size_0:
called_computation_lowered:
.L_overlay_start_0:
0x88: {  	s2 =	sld [smem:$0x3FD9]  }
0x89: {  	s3 =	sld [smem:$0x3FFE];
	_ =	sdelay $0x1  }
0x8a: {  	s1 =	srdreg.scid  }
0x8b: {  	s0 =	sand.u32 $0x1, s1  }
0x8c: {  	s17 =	sshll.u32 s0, $0xA;
	s2 =	sadd.s32 s3, s2  }
0x8d: {  	s2 =	sadd.s32 s2, s17  }
0x8e: {  	[smem:$0x3FC3] =	sst s2  }
0x8f: {  	_ = 	snop  }
0x90: {  	s2 =	sld [smem:$0x3FD0];
	(tm) =	ssettm $0x1  }
0x91: {  	s18 =	sld [smem:$0x3FFB];
	_ =	sdelay $0x3  }
0x92: {  	_ =	strace s18  }
0x93: {  	s3 =	sld [smem:$0x3FFC];
	_ =	sdelay $0x3  }
0x94: {  	_ =	strace s3  }
0x95: {  	s3 =	sld [smem:$0x3FFD];
	_ =	sdelay $0x3  }
0x96: {  	_ =	strace s3  }
0x97: {  	_ =	strace $0x8FFFFFFF  }
0x98: {  	s19 =	sld [smem:$0x3FDB];
	_ =	sdelay $0x1  }
0x99: {  	s4 =	simm.s32 $_scs_section_size  }
0x9a: {  	s5 =	simm.s32 $_size__tile_overlayer_lowered;
	s6 =	simm.s32 $_tile_overlayer_lowered  }
0x9b: {  	s22 =	simm.s32 $0x1BFF;
	s21 =	sshll.u32 s6, $0x1;
	s3 =	sadd.s32 s4, s19  }
0x9c: {  	s7 =	simm.s32 $0x0;
	s20 =	sshll.u32 s5, $0x1;
	s5 =	sadd.s32 s21, s3  }
0x9d: {  	[timem:s7], [sflag:s22] =	dma.local [hbm:s5], s20  }
0x9e: {  	_ =	swait.ge [sflag:s22], s20  }
0x9f: {  	s4 =	ssub.s32 $0x0, s20;
	[sflag:s22] =	ssyncset.done $0x0  }
0xa0: {  	[sflag:s22] =	ssyncadd.s32 s4;
	_ =	sdelay $0x1  }
0xa1: {  	s23 =	simm.s32 $0x1B8B  }
0xa2: {  	_ =	swait.ge [sflag:s23], $0x1  }
0xa3: {  	[sflag:s23] =	ssyncset.done $0x0  }
0xa4: {  	s25 =	simm.s32 $0x1B8E;
	s24 =	sld [smem:$0x3FFE];
	[sflag:s23] =	ssyncadd.s32 $0xFFFFFFFF  }
0xa5: {  	s26 =	simm.s32 $execute0_lowered;
	[smem:$0x3FD2] =	sst s25  }
0xa6: {  	s5 =	sshll.u32 s26, $0x1;
	_ =	strace $0x80000046;
	[dreg:$0x1] =	wrdreg $0xFFFFFFFF  }
0xa7: {  	s28 =	simm.s32 $_size_execute0_lowered;
	s3 =	sadd.s32 s3, s5;
	[dreg:$0x0] =	wrdreg $0x0  }
0xa8: {  	s5 =	sshll.u32 s28, $0x1;
	[dreg:$0x2] =	wrdreg s3  }
0xa9: {  	[dreg:$0x3] =	wrdreg s5  }
0xaa: {  	[dreg:$0x4] =	wrdreg $0xC0  }
0xab: {  	_ =	task [dreg:s7], $0x5FFFF  }
0xac: {  	[dreg:$0x1] =	wrdreg $0xFFFFFFFF  }
0xad: {  	[dreg:$0x0] =	wrdreg $0x60  }
0xae: {  	[dreg:$0x2] =	wrdreg s24  }
0xaf: {  	[dreg:$0x3] =	wrdreg s2  }
0xb0: {  	[dreg:$0x4] =	wrdreg $0x41500  }
0xb1: {  	[dreg:$0x5] =	wrdreg $0xDD900  }
0xb2: {  	[dreg:$0x6] =	wrdreg $0x9  }
0xb3: {  	_ =	task.clear_ibuf [dreg:s7], $0x7FFFF;
	_ =	strace $0x90000046  }
0xb4: {  	s29 =	simm.s32 $0x9;
	_ =	strace $0x80000048  }
0xb5: {  	_ =	swait.ge [sflag:s29], $0x1  }
0xb6: {  	[sflag:s29] =	ssyncadd.s32 $0xFFFFFFFF  }
0xb7: {  	_ =	strace $0x90000048  }
0xb8: {  	_ =	sfence  }
0xb9: {  	s30 =	sld [smem:$0x0];
	_ =	sdelay $0x2  }
0xba: {  	s31 =	sshll.u32 s1, $0xD;
	s1 =	sshrl.u32 s1, $0x2  }
0xbb: {  	s3 =	sand.u32 $0x4000, s31;
	s1 =	sadd.s32 s1, s30  }
0xbc: {  	s0 =	sor.u32 s3, s0;
	s1 =	sshll.u32 s1, $0x11  }
0xbd: {  	s0 =	sor.u32 s1, s0  }
0xbe: {  	s0 =	sadd.s32 $0x8F2B, s0  }
0xbf: {  	[sflag:s0] =	ssyncadd.remote.s32 $0x1  }
0xc0: {  	_ =	sfence.sel $0xFFFF  }
0xc1: {  	[dreg:$0x0] =	wrdreg $0xFFFFFFFF;
	(pc) =	sbr.abs _section_cstart, $3  }
0xc2: {  	[dreg:$0x1] =	wrdreg $0xFFFFFFFF  }
0xc3: {  	_ =	task.clear_ibuf [dreg:s7], $0x2FFFF;
	_ =	strace $0x9FFFFFFF  }
0xc4: {  	(tm) =	ssettm $0x7FFFFFFF  }
0xc5: {  	_ =	shalt  }
tec
execute0_lowered:
.L_overlay_start_1:
0x0: {  	(tag) =	ssettag $0x1  }
0x1: {  	s5 =	rddreg [dreg:$0x0]  }
0x2: {  	s0 =	srdreg.scid;
	s21 =	stileid.u32  }
0x3: {  	s6 =	rddreg [dreg:$0x1];
	s8 =	sand.u32 $0x1, s0;
	s0 =	smul.u32 $0x280, s21  }
0x4: {  	s2 =	rddreg [dreg:$0x2];
	s9 =	smul.u32 $0x13880, s21  }
0x5: {  	s3 =	rddreg [dreg:$0x3];
	s4 =	simm.s32 $0x0;
	s18 =	smul.u32 $0x2710, s21  }
0x6: {  	[smem:$0x7FF] =	sst s4;
	s22 =	sadd.s32 $0x1600, s5;
	s1 =	smul.u32 $0x2800, s8  }
0x7: {  	_ =	strace $0x80000047;
	s7 =	ssub.s32 $0x2, s8;
	s16 =	smul.u32 $0x138800, s8  }
0x8: {  	s20 =	smul.u32 $0x27100, s8;
	s8 =	sshll.u32 s8, $0x4;
	[dreg:$0x1c] =	wrdreg s22  }
0x9: {  	s19 =	sshrl.u32 s7, $0x1;
	s15 =	sadd.s32 $0x2800, s9;
	s11 =	sadd.s32 $0x5000, s9  }
0xa: {  	s10 =	sadd.s32 $0x7800, s9;
	s23 =	sadd.s32 $0xA000, s9;
	s13 =	sadd.s32 $0xC800, s9  }
0xb: {  	s8 =	sor.u32 s21, s8;
	s1 =	sadd.s32 s0, s1;
	s17 =	sadd.s32 s9, s16  }
0xc: {  	s25 =	sadd.s32 s16, s11;
	s14 =	sshrl.u32 s1, $0x3;
	s1 =	ssub.s32 s7, s19  }
0xd: {  	s17 =	sshrl.u32 s17, $0x4;
	s19 =	sadd.s32 s16, s15;
	s7 =	sadd.s32 s18, s20  }
0xe: {  	s17 =	sadd.s32 s6, s17;
	s24 =	sshrl.u32 s19, $0x4;
	s18 =	sadd.s32 $0x500, s7  }
0xf: {  	s26 =	sadd.s32 $0x4E700, s7;
	s20 =	sadd.s32 $0x4B0, s7;
	s1 =	smax.u32 s1, $0x1  }
0x10: {  	[dreg:$0x1d] =	wrdreg s17;
	s17 =	sadd.s32 s6, s24;
	s18 =	sshrl.u32 s18, $0x3  }
0x11: {  	s12 =	sshrl.u32 s26, $0x3;
	s24 =	sshrl.u32 s20, $0x3;
	[smem:$0x7E9] =	sst s1  }
0x12: {  	s26 =	sadd.s32 $0x460, s7;
	s20 =	sadd.s32 $0x4E660, s7;
	[dreg:$0x1e] =	wrdreg s17  }
0x13: {  	s17 =	sshrl.u32 s25, $0x4;
	s29 =	sadd.s32 s18, s22;
	s19 =	sadd.s32 s12, s22  }
0x14: {  	s25 =	sadd.s32 $0x4E6B0, s7;
	s12 =	sshrl.u32 s26, $0x3;
	[dreg:$0x5] =	wrdreg s29  }
0x15: {  	s26 =	sadd.s32 $0x4E610, s7;
	s17 =	sadd.s32 s6, s17;
	[dreg:$0x6] =	wrdreg s19  }
0x16: {  	s18 =	sshrl.u32 s25, $0x3;
	s19 =	sadd.s32 s12, s22;
	s25 =	sadd.s32 $0x410, s7  }
0x17: {  	s12 =	sshrl.u32 s26, $0x3;
	s26 =	sadd.s32 $0x4E570, s7;
	[dreg:$0x1f] =	wrdreg s17  }
0x18: {  	s17 =	sadd.s32 s24, s22;
	s29 =	sadd.s32 s18, s22;
	[dreg:$0x9] =	wrdreg s19  }
0x19: {  	s24 =	sshrl.u32 s20, $0x3;
	s18 =	sshrl.u32 s25, $0x3;
	s19 =	sadd.s32 s12, s22  }
0x1a: {  	s20 =	sadd.s32 $0x4E5C0, s7;
	s25 =	sadd.s32 $0x370, s7;
	[dreg:$0x7] =	wrdreg s17  }
0x1b: {  	s12 =	sshrl.u32 s26, $0x3;
	s26 =	sadd.s32 $0x2D0, s7;
	[dreg:$0x8] =	wrdreg s29  }
0x1c: {  	s17 =	sadd.s32 s24, s22;
	s29 =	sadd.s32 s18, s22;
	[dreg:$0xc] =	wrdreg s19  }
0x1d: {  	s24 =	sshrl.u32 s20, $0x3;
	s18 =	sshrl.u32 s25, $0x3;
	s19 =	sadd.s32 s12, s22  }
0x1e: {  	s20 =	sadd.s32 $0x320, s7;
	s25 =	sadd.s32 $0x4E520, s7;
	[dreg:$0xa] =	wrdreg s17  }
0x1f: {  	s12 =	sshrl.u32 s26, $0x3;
	s26 =	sadd.s32 $0x4E480, s7;
	[dreg:$0xb] =	wrdreg s29  }
0x20: {  	s17 =	sadd.s32 s24, s22;
	s29 =	sadd.s32 s18, s22;
	[dreg:$0xf] =	wrdreg s19  }
0x21: {  	s24 =	sshrl.u32 s20, $0x3;
	s18 =	sshrl.u32 s25, $0x3;
	s19 =	sadd.s32 s12, s22  }
0x22: {  	s20 =	sadd.s32 $0x4E4D0, s7;
	s25 =	sadd.s32 $0x280, s7;
	[dreg:$0xd] =	wrdreg s17  }
0x23: {  	s12 =	sshrl.u32 s26, $0x3;
	s26 =	sadd.s32 $0x1E0, s7;
	[dreg:$0xe] =	wrdreg s29  }
0x24: {  	s17 =	sadd.s32 s24, s22;
	s29 =	sadd.s32 s18, s22;
	[dreg:$0x12] =	wrdreg s19  }
0x25: {  	s24 =	sshrl.u32 s20, $0x3;
	s18 =	sshrl.u32 s25, $0x3;
	s19 =	sadd.s32 s12, s22  }
0x26: {  	s20 =	sadd.s32 $0x230, s7;
	s25 =	sadd.s32 $0x4E430, s7;
	[dreg:$0x10] =	wrdreg s17  }
0x27: {  	s12 =	sshrl.u32 s26, $0x3;
	s26 =	sadd.s32 s16, s10;
	[dreg:$0x11] =	wrdreg s29  }
0x28: {  	s17 =	sadd.s32 s24, s22;
	s29 =	sadd.s32 s18, s22;
	[dreg:$0x15] =	wrdreg s19  }
0x29: {  	s24 =	sshrl.u32 s20, $0x3;
	s18 =	sshrl.u32 s25, $0x3;
	[dreg:$0x13] =	wrdreg s17  }
0x2a: {  	s19 =	sadd.s32 s12, s22;
	s20 =	sadd.s32 $0x4E3E0, s7;
	[dreg:$0x14] =	wrdreg s29  }
0x2b: {  	s25 =	sadd.s32 $0x190, s7;
	s17 =	sadd.s32 s24, s22;
	[dreg:$0x18] =	wrdreg s19  }
0x2c: {  	s29 =	sadd.s32 s18, s22;
	s24 =	sshrl.u32 s20, $0x3;
	[dreg:$0x16] =	wrdreg s17  }
0x2d: {  	s19 =	sshrl.u32 s26, $0x4;
	s26 =	sadd.s32 $0x1200, s5;
	[dreg:$0x17] =	wrdreg s29  }
0x2e: {  	s18 =	sshrl.u32 s25, $0x3;
	s17 =	sadd.s32 s24, s22;
	[smem:$0x7E5] =	sst s26  }
0x2f: {  	s21 =	sshrl.u32 s10, $0x1;
	s29 =	sadd.s32 s18, s22;
	[dreg:$0x19] =	wrdreg s17  }
0x30: {  	s12 =	sadd.s32 s16, s23;
	s19 =	sadd.s32 s6, s19;
	[dreg:$0x1a] =	wrdreg s29  }
0x31: {  	s20 =	sadd.s32 s16, s13;
	s18 =	sshrl.u32 s12, $0x4;
	[smem:$0x7E0] =	sst s19  }
0x32: {  	s17 =	sshrl.u32 s20, $0x4;
	s18 =	sadd.s32 s6, s18;
	s20 =	sadd.s32 $0x4E390, s7  }
0x33: {  	s29 =	sadd.s32 $0x28C00, s5;
	[smem:$0x7E1] =	sst s18;
	s17 =	sadd.s32 s6, s17  }
0x34: {  	s18 =	sadd.s32 $0x11800, s9;
	s20 =	sshrl.u32 s20, $0x3;
	[smem:$0x7E6] =	sst s29  }
0x35: {  	[smem:$0x7E2] =	sst s17;
	s17 =	sadd.s32 $0xF000, s9;
	s25 =	sadd.s32 s20, s22  }
0x36: {  	s9 =	sshrl.u32 s9, $0x1;
	s24 =	sadd.s32 s16, s17;
	[dreg:$0x1b] =	wrdreg s25  }
0x37: {  	s20 =	sadd.s32 s9, s2;
	s25 =	sshrl.u32 s13, $0x1;
	s19 =	sshrl.u32 s24, $0x4  }
0x38: {  	s24 =	sshrl.u32 s23, $0x1;
	s23 =	sadd.s32 s21, s2;
	[smem:$0x7F5] =	sst s20  }
0x39: {  	s26 =	sshrl.u32 s17, $0x1;
	s25 =	sadd.s32 s25, s2;
	[smem:$0x7F8] =	sst s23  }
0x3a: {  	s16 =	sadd.s32 s16, s18;
	s28 =	sadd.s32 s26, s2;
	[smem:$0x7FA] =	sst s25  }
0x3b: {  	s16 =	sshrl.u32 s16, $0x4;
	s19 =	sadd.s32 s6, s19;
	[smem:$0x7FB] =	sst s28  }
0x3c: {  	s12 =	sadd.s32 $0x15000, s5;
	s6 =	sadd.s32 s6, s16;
	[smem:$0x7E3] =	sst s19  }
0x3d: {  	s29 =	sshrl.u32 s18, $0x1;
	s24 =	sadd.s32 s24, s2;
	[smem:$0x7E4] =	sst s6  }
0x3e: {  	s6 =	sadd.s32 s14, s5;
	s5 =	sadd.s32 $0x28A00, s5;
	[smem:$0x7F9] =	sst s24  }
0x3f: {  	s14 =	sshrl.u32 s15, $0x1;
	[smem:$0x7E7] =	sst s5;
	s6 =	sadd.s32 $0x28E00, s6  }
0x40: {  	s19 =	smul.u32 $0x2710, s8;
	s16 =	sadd.s32 s14, s2;
	[smem:$0x7E8] =	sst s6  }
0x41: {  	s15 =	sshrl.u32 s11, $0x1;
	s5 =	sadd.s32 s29, s2;
	[smem:$0x7F6] =	sst s16  }
0x42: {  	s11 =	sadd.s32 s15, s2;
	s15 =	sadd.s32 s0, s3;
	[smem:$0x7FC] =	sst s5  }
0x43: {  	s10 =	smov.u32 s11;
	s11 =	sadd.s32 $0x3C0, s7;
	[smem:$0x7FD] =	sst s15  }
0x44: {  	s2 =	sshrl.u32 s19, $0x3;
	[smem:$0x7EA] =	sst s11  }
0x45: {  	s9 =	sadd.s32 s22, s2;
	[smem:$0x7F7] =	sst s10  }
0x46: {  	s13 =	sadd.s32 $0x9C40, s9;
	[smem:$0x7F3] =	sst s9  }
0x47: {  	s14 =	sadd.s32 $0xA, s9;
	[smem:$0x7EB] =	sst s13  }
0x48: {  	s17 =	sadd.s32 $0x9C4A, s9;
	[smem:$0x7EC] =	sst s14  }
0x49: {  	s18 =	sadd.s32 $0x14, s9;
	[smem:$0x7ED] =	sst s17  }
0x4a: {  	s19 =	sadd.s32 $0x9C54, s9;
	[smem:$0x7EE] =	sst s18  }
0x4b: {  	s21 =	sadd.s32 $0x1E, s9;
	[smem:$0x7EF] =	sst s19  }
0x4c: {  	s26 =	sadd.s32 $0x9C5E, s9;
	[smem:$0x7F0] =	sst s21  }
0x4d: {  	s30 =	simm.s32 $0x50;
	s29 =	sadd.s32 $0x28, s9;
	[smem:$0x7F1] =	sst s26  }
0x4e: {  	s31 =	simm.s32 $0x4;
	s0 =	sadd.s32 $0x9C68, s9;
	[smem:$0x7F2] =	sst s29  }
0x4f: {  	s11 =	simm.s32 $0x3;
	[smem:$0x7F4] =	sst s0;
	s14 =	simm.s32 $0x190  }
0x50: {  	s21 =	simm.s32 $0x2;
	s18 =	simm.s32 $0xF0;
	s0 =	simm.s32 $0x0  }
.LBB2_1:
0x51: {  	s1 =	sld [smem:$0x7E5];
	_ =	sdelay $0x1  }
0x52: {  	[smem:$0x7DF] =	sst s0;
	s13 =	simm.s32 $0xF;
	s9 =	simm.s32 $0x280  }
0x53: {  	[tilespmem:s9], [sflag:$0xF] =	stream.linear.gather [hbm4b:s1+s4], $0x1400, $0x38;
	[tilespmem:$0xE010] =	vst v63  }
0x54: {  	_ =	swait.ge [sflag:s13], $0x1400  }
0x55: {  	[sflag:s13] =	ssyncset.done $0x0  }
0x56: {  	[sflag:s13] =	ssyncadd.s32 $0xFFFFEC00  }
0x57: {  	[spmem:s20] =	stream.linear.scatter [tilespmem:s9], [sflag:$0xF], $0x1400, $0x38;
	[tilespmem:$0xE010] =	vst v63  }
0x58: {  	_ =	swait.ge [sflag:s13], $0x1400  }
0x59: {  	[sflag:s13] =	ssyncset.done $0x0  }
0x5a: {  	[sflag:s13] =	ssyncadd.s32 $0xFFFFEC00  }
0x5b: {  	[spmem:s16] =	stream.linear.scatter [tilespmem:s9], [sflag:$0xF], $0x1400, $0x38;
	[tilespmem:$0xE010] =	vst v63  }
0x5c: {  	_ =	swait.ge [sflag:s13], $0x1400  }
0x5d: {  	[sflag:s13] =	ssyncset.done $0x0  }
0x5e: {  	[sflag:s13] =	ssyncadd.s32 $0xFFFFEC00  }
0x5f: {  	[spmem:s10] =	stream.linear.scatter [tilespmem:s9], [sflag:$0xF], $0x1400, $0x38;
	[tilespmem:$0xE010] =	vst v63  }
0x60: {  	_ =	swait.ge [sflag:s13], $0x1400  }
0x61: {  	[sflag:s13] =	ssyncset.done $0x0  }
0x62: {  	[sflag:s13] =	ssyncadd.s32 $0xFFFFEC00  }
0x63: {  	[spmem:s23] =	stream.linear.scatter [tilespmem:s9], [sflag:$0xF], $0x1400, $0x38;
	[tilespmem:$0xE010] =	vst v63  }
0x64: {  	_ =	swait.ge [sflag:s13], $0x1400  }
0x65: {  	[sflag:s13] =	ssyncset.done $0x0  }
0x66: {  	[sflag:s13] =	ssyncadd.s32 $0xFFFFEC00  }
0x67: {  	[spmem:s24] =	stream.linear.scatter [tilespmem:s9], [sflag:$0xF], $0x1400, $0x38;
	[tilespmem:$0xE010] =	vst v63  }
0x68: {  	_ =	swait.ge [sflag:s13], $0x1400  }
0x69: {  	[sflag:s13] =	ssyncset.done $0x0  }
0x6a: {  	[sflag:s13] =	ssyncadd.s32 $0xFFFFEC00  }
0x6b: {  	[spmem:s25] =	stream.linear.scatter [tilespmem:s9], [sflag:$0xF], $0x1400, $0x38;
	[tilespmem:$0xE010] =	vst v63  }
0x6c: {  	_ =	swait.ge [sflag:s13], $0x1400  }
0x6d: {  	[sflag:s13] =	ssyncset.done $0x0  }
0x6e: {  	[sflag:s13] =	ssyncadd.s32 $0xFFFFEC00  }
0x6f: {  	[spmem:s28] =	stream.linear.scatter [tilespmem:s9], [sflag:$0xF], $0x1400, $0x38;
	[tilespmem:$0xE010] =	vst v63  }
0x70: {  	_ =	swait.ge [sflag:s13], $0x1400  }
0x71: {  	[sflag:s13] =	ssyncset.done $0x0  }
0x72: {  	[sflag:s13] =	ssyncadd.s32 $0xFFFFEC00  }
0x73: {  	[spmem:s5] =	stream.linear.scatter [tilespmem:s9], [sflag:$0xF], $0x1040, $0x38;
	[tilespmem:$0xE010] =	vst v63  }
0x74: {  	_ =	swait.ge [sflag:s13], $0x1040  }
0x75: {  	s10 =	sld [smem:$0x7E6]  }
0x76: {  	[sflag:s13] =	ssyncset.done $0x0  }
0x77: {  	s8 =	simm.s32 $0x3ED0;
	[sflag:s13] =	ssyncadd.s32 $0xFFFFEFC0  }
0x78: {  	[tilespmem:s8], [sflag:$0xF] =	stream.linear.gather [hbm4b:s10+s4], $0x280, $0x38;
	[tilespmem:$0xE010] =	vst v63  }
0x79: {  	_ =	swait.ge [sflag:s13], $0x280  }
0x7a: {  	[sflag:s13] =	ssyncset.done $0x0  }
0x7b: {  	[sflag:s13] =	ssyncadd.s32 $0xFFFFFD80  }
0x7c: {  	[spmem:s15] =	stream.linear.scatter [tilespmem:s8], [sflag:$0xF], $0x280, $0x38;
	[tilespmem:$0xE010] =	vst v63  }
0x7d: {  	_ =	swait.ge [sflag:s13], $0x280  }
0x7e: {  	s16 =	sld [smem:$0x7E7]  }
0x7f: {  	[sflag:s13] =	ssyncset.done $0x0  }
0x80: {  	s10 =	simm.s32 $0x3E80;
	[sflag:s13] =	ssyncadd.s32 $0xFFFFFD80  }
0x81: {  	[tilespmem:s10], [sflag:$0xF] =	stream.linear.gather [hbm4b:s16+s4], $0x50, $0x38;
	[tilespmem:$0xE010] =	vst v63  }
0x82: {  	_ =	swait.ge [sflag:s13], $0x50  }
0x83: {  	[sflag:s13] =	ssyncset.done $0x0  }
0x84: {  	[sflag:s13] =	ssyncadd.s32 $0xFFFFFFB0  }
0x85: {  	[bflag:$0x0] =	sbarrier.arrive $0xFFFF  }
0x86: {  	s17 =	sld [smem:$0x7F3];
	_ =	sdelay $0x1  }
0x87: {  	s19 =	sld [smem:$0x7EB]  }
0x88: {  	[tilespmem:s4], [sflag:$0x1] =	stream.linear.gather [hbm4b:s17+s4], $0x50, $0x38;
	[tilespmem:$0xE010] =	vst v63  }
0x89: {  	s0 =	simm.s32 $0x140;
	s20 =	sld [smem:$0x7EC]  }
0x8a: {  	[tilespmem:s0], [sflag:$0x1] =	stream.linear.gather [hbm4b:s19+s4], $0x50, $0x38;
	[tilespmem:$0xE010] =	vst v63  }
0x8b: {  	s22 =	sld [smem:$0x7ED]  }
0x8c: {  	[tilespmem:s30], [sflag:$0x2] =	stream.linear.gather [hbm4b:s20+s4], $0x50, $0x38;
	[tilespmem:$0xE010] =	vst v63  }
0x8d: {  	s23 =	sld [smem:$0x7EE]  }
0x8e: {  	[tilespmem:s14], [sflag:$0x2] =	stream.linear.gather [hbm4b:s22+s4], $0x50, $0x38;
	[tilespmem:$0xE010] =	vst v63  }
0x8f: {  	s2 =	simm.s32 $0xA0;
	s24 =	sld [smem:$0x7EF]  }
0x90: {  	[tilespmem:s2], [sflag:$0x3] =	stream.linear.gather [hbm4b:s23+s4], $0x50, $0x38;
	[tilespmem:$0xE010] =	vst v63  }
0x91: {  	s6 =	simm.s32 $0x1E0;
	s8 =	simm.s32 $0x1  }
0x92: {  	[tilespmem:s6], [sflag:$0x3] =	stream.linear.gather [hbm4b:s24+s4], $0x50, $0x38;
	[tilespmem:$0xE010] =	vst v63  }
0x93: {  	_ =	swait.ge [sflag:s8], $0x50  }
0x94: {  	[sflag:s8] =	ssyncset.done $0x0  }
0x95: {  	[sflag:s8] =	ssyncadd.s32 $0xFFFFFFB0  }
0x96: {  	_ =	swait.ge [sflag:s8], $0x50  }
0x97: {  	[sflag:s8] =	ssyncset.done $0x0  }
0x98: {  	[sflag:s8] =	ssyncadd.s32 $0xFFFFFFB0  }
0x99: {  	[tilespmem:s9], [sflag:$0x5] =	stream.indirect.gather [hbm4b:s12+s30], $0x40, s4, s30, $0xb8;
	[tilespmem:$0xE010] =	vst v63  }
0x9a: {  	_ =	swait.ge [sflag:s21], $0x50  }
0x9b: {  	[sflag:s21] =	ssyncset.done $0x0  }
0x9c: {  	[sflag:s21] =	ssyncadd.s32 $0xFFFFFFB0  }
0x9d: {  	_ =	swait.ge [sflag:s21], $0x50  }
0x9e: {  	[sflag:s21] =	ssyncset.done $0x0  }
0x9f: {  	s29 =	simm.s32 $0x1680;
	s19 =	simm.s32 $0x5;
	[sflag:s21] =	ssyncadd.s32 $0xFFFFFFB0  }
0xa0: {  	[tilespmem:s29], [sflag:$0x6] =	stream.indirect.gather [hbm4b:s12+s30], $0x40, s30, s30, $0xb8;
	[tilespmem:$0xE010] =	vst v63  }
0xa1: {  	_ =	swait.ge [sflag:s19], $0x1400  }
0xa2: {  	[sflag:s19] =	ssyncset.done $0x0  }
0xa3: {  	[sflag:s19] =	ssyncadd.s32 $0xFFFFEC00  }
0xa4: {  	s3 =	rddreg [dreg:$0x2]  }
0xa5: {  	[spmem:s3] =	stream.indirect.scatter.add.bf16 [tilespmem:s9], [sflag:$0x8], $0x40, s0, s30, $0xb8;
	[tilespmem:$0xE010] =	vst v63  }
0xa6: {  	s17 =	rddreg [dreg:$0x3]  }
0xa7: {  	[spmem:s17] =	stream.indirect.scatter.add.f32 [tilespmem:s10], [sflag:$0xB], $0x1, s0, s30, $0xb8;
	[tilespmem:$0xE010] =	vst v63  }
0xa8: {  	_ =	swait.ge [sflag:s11], $0x50  }
0xa9: {  	[sflag:s11] =	ssyncset.done $0x0  }
0xaa: {  	[sflag:s11] =	ssyncadd.s32 $0xFFFFFFB0  }
0xab: {  	_ =	swait.ge [sflag:s11], $0x50  }
0xac: {  	s25 =	simm.s32 $0x2A80;
	[sflag:s11] =	ssyncset.done $0x0  }
0xad: {  	s13 =	simm.s32 $0xA0;
	s28 =	sld [smem:$0x7F0];
	[sflag:s11] =	ssyncadd.s32 $0xFFFFFFB0  }
0xae: {  	[tilespmem:s25], [sflag:$0x7] =	stream.indirect.gather [hbm4b:s12+s30], $0x40, s13, s30, $0xb8;
	[tilespmem:$0xE010] =	vst v63  }
0xaf: {  	s5 =	sld [smem:$0x7F1]  }
0xb0: {  	[tilespmem:s18], [sflag:$0x4] =	stream.linear.gather [hbm4b:s28+s4], $0x50, $0x38;
	[tilespmem:$0xE010] =	vst v63  }
0xb1: {  	s7 =	simm.s32 $0x230;
	s20 =	simm.s32 $0x6  }
0xb2: {  	[tilespmem:s7], [sflag:$0x4] =	stream.linear.gather [hbm4b:s5+s4], $0x50, $0x38;
	[tilespmem:$0xE010] =	vst v63  }
0xb3: {  	_ =	swait.ge [sflag:s20], $0x1400  }
0xb4: {  	[sflag:s20] =	ssyncset.done $0x0  }
0xb5: {  	[sflag:s20] =	ssyncadd.s32 $0xFFFFEC00  }
0xb6: {  	[spmem:s3] =	stream.indirect.scatter.add.bf16 [tilespmem:s29], [sflag:$0x9], $0x40, s14, s30, $0xb8;
	[tilespmem:$0xE010] =	vst v63  }
0xb7: {  	s23 =	simm.s32 $0x8  }
0xb8: {  	[spmem:s17] =	stream.indirect.scatter.add.f32 [tilespmem:s10], [sflag:$0xC], $0x1, s14, s30, $0xb8;
	[tilespmem:$0xE010] =	vst v63  }
0xb9: {  	_ =	swait.ge [sflag:s23], $0x1400  }
0xba: {  	[sflag:s23] =	ssyncset.done $0x0  }
0xbb: {  	s25 =	simm.s32 $0xB;
	[sflag:s23] =	ssyncadd.s32 $0xFFFFEC00  }
0xbc: {  	_ =	swait.ge [sflag:s25], $0x50  }
0xbd: {  	[sflag:s25] =	ssyncset.done $0x0  }
0xbe: {  	[sflag:s25] =	ssyncadd.s32 $0xFFFFFFB0  }
0xbf: {  	_ =	swait.ge [sflag:s31], $0x50  }
0xc0: {  	[sflag:s31] =	ssyncset.done $0x0  }
0xc1: {  	[sflag:s31] =	ssyncadd.s32 $0xFFFFFFB0  }
0xc2: {  	_ =	swait.ge [sflag:s31], $0x50  }
0xc3: {  	[sflag:s31] =	ssyncset.done $0x0  }
0xc4: {  	s15 =	sld [smem:$0x7F2];
	[sflag:s31] =	ssyncadd.s32 $0xFFFFFFB0  }
0xc5: {  	[tilespmem:s9], [sflag:$0x5] =	stream.indirect.gather [hbm4b:s12+s30], $0x40, s18, s30, $0xb8;
	[tilespmem:$0xE010] =	vst v63  }
0xc6: {  	s16 =	sld [smem:$0x7F4]  }
0xc7: {  	[tilespmem:s4], [sflag:$0x1] =	stream.linear.gather [hbm4b:s15+s4], $0x50, $0x38;
	[tilespmem:$0xE010] =	vst v63  }
0xc8: {  	s24 =	simm.s32 $0x7  }
0xc9: {  	[tilespmem:s0], [sflag:$0x1] =	stream.linear.gather [hbm4b:s16+s4], $0x50, $0x38;
	[tilespmem:$0xE010] =	vst v63  }
0xca: {  	_ =	swait.ge [sflag:s24], $0x1400  }
0xcb: {  	[sflag:s24] =	ssyncset.done $0x0  }
0xcc: {  	s26 =	simm.s32 $0x2A80;
	[sflag:s24] =	ssyncadd.s32 $0xFFFFEC00  }
0xcd: {  	[spmem:s3] =	stream.indirect.scatter.add.bf16 [tilespmem:s26], [sflag:$0xA], $0x40, s6, s30, $0xb8;
	[tilespmem:$0xE010] =	vst v63  }
0xce: {  	s26 =	simm.s32 $0x9  }
0xcf: {  	[spmem:s17] =	stream.indirect.scatter.add.f32 [tilespmem:s10], [sflag:$0xD], $0x1, s6, s30, $0xb8;
	[tilespmem:$0xE010] =	vst v63  }
0xd0: {  	_ =	swait.ge [sflag:s26], $0x1400  }
0xd1: {  	[sflag:s26] =	ssyncset.done $0x0  }
0xd2: {  	s16 =	simm.s32 $0xC;
	[sflag:s26] =	ssyncadd.s32 $0xFFFFEC00  }
0xd3: {  	_ =	swait.ge [sflag:s16], $0x50  }
0xd4: {  	[sflag:s16] =	ssyncset.done $0x0  }
0xd5: {  	[sflag:s16] =	ssyncadd.s32 $0xFFFFFFB0  }
0xd6: {  	_ =	swait.ge [sflag:s8], $0x50  }
0xd7: {  	[sflag:s8] =	ssyncset.done $0x0  }
0xd8: {  	[sflag:s8] =	ssyncadd.s32 $0xFFFFFFB0  }
0xd9: {  	_ =	swait.ge [sflag:s8], $0x50  }
0xda: {  	[sflag:s8] =	ssyncset.done $0x0  }
0xdb: {  	s22 =	rddreg [dreg:$0x1a];
	[sflag:s8] =	ssyncadd.s32 $0xFFFFFFB0  }
0xdc: {  	[tilespmem:s29], [sflag:$0x6] =	stream.indirect.gather [hbm4b:s12+s30], $0x40, s4, s30, $0xb8;
	[tilespmem:$0xE010] =	vst v63  }
0xdd: {  	s28 =	rddreg [dreg:$0x1b];
	s1 =	sadd.s32 $0x0, s22  }
0xde: {  	[tilespmem:s30], [sflag:$0x2] =	stream.linear.gather [hbm4b:s1+s4], $0x50, $0x38;
	[tilespmem:$0xE010] =	vst v63  }
0xdf: {  	s2 =	sadd.s32 $0x0, s28  }
0xe0: {  	[tilespmem:s14], [sflag:$0x2] =	stream.linear.gather [hbm4b:s2+s4], $0x50, $0x38;
	[tilespmem:$0xE010] =	vst v63  }
0xe1: {  	_ =	swait.ge [sflag:s19], $0x1400  }
0xe2: {  	[sflag:s19] =	ssyncset.done $0x0  }
0xe3: {  	[sflag:s19] =	ssyncadd.s32 $0xFFFFEC00  }
0xe4: {  	[spmem:s3] =	stream.indirect.scatter.add.bf16 [tilespmem:s9], [sflag:$0x8], $0x40, s7, s30, $0xb8;
	[tilespmem:$0xE010] =	vst v63  }
0xe5: {  	s28 =	simm.s32 $0xA  }
0xe6: {  	[spmem:s17] =	stream.indirect.scatter.add.f32 [tilespmem:s10], [sflag:$0xE], $0x1, s7, s30, $0xb8;
	[tilespmem:$0xE010] =	vst v63  }
0xe7: {  	_ =	swait.ge [sflag:s28], $0x1400  }
0xe8: {  	[sflag:s28] =	ssyncset.done $0x0  }
0xe9: {  	s2 =	simm.s32 $0xD;
	[sflag:s28] =	ssyncadd.s32 $0xFFFFEC00  }
0xea: {  	_ =	swait.ge [sflag:s2], $0x50  }
0xeb: {  	[sflag:s2] =	ssyncset.done $0x0  }
0xec: {  	[sflag:s2] =	ssyncadd.s32 $0xFFFFFFB0  }
0xed: {  	_ =	swait.ge [sflag:s21], $0x50  }
0xee: {  	[sflag:s21] =	ssyncset.done $0x0  }
0xef: {  	[sflag:s21] =	ssyncadd.s32 $0xFFFFFFB0  }
0xf0: {  	_ =	swait.ge [sflag:s21], $0x50  }
0xf1: {  	[sflag:s21] =	ssyncset.done $0x0  }
0xf2: {  	s15 =	simm.s32 $0x2A80;
	s5 =	rddreg [dreg:$0x18];
	[sflag:s21] =	ssyncadd.s32 $0xFFFFFFB0  }
0xf3: {  	[tilespmem:s15], [sflag:$0x7] =	stream.indirect.gather [hbm4b:s12+s30], $0x40, s30, s30, $0xb8;
	[tilespmem:$0xE010] =	vst v63  }
0xf4: {  	s22 =	rddreg [dreg:$0x19];
	s1 =	sadd.s32 $0x0, s5  }
0xf5: {  	[tilespmem:s13], [sflag:$0x3] =	stream.linear.gather [hbm4b:s1+s4], $0x50, $0x38;
	[tilespmem:$0xE010] =	vst v63  }
0xf6: {  	s22 =	sadd.s32 $0x0, s22  }
0xf7: {  	[tilespmem:s6], [sflag:$0x3] =	stream.linear.gather [hbm4b:s22+s4], $0x50, $0x38;
	[tilespmem:$0xE010] =	vst v63  }
0xf8: {  	_ =	swait.ge [sflag:s20], $0x1400  }
0xf9: {  	[sflag:s20] =	ssyncset.done $0x0  }
0xfa: {  	[sflag:s20] =	ssyncadd.s32 $0xFFFFEC00  }
0xfb: {  	[spmem:s3] =	stream.indirect.scatter.add.bf16 [tilespmem:s29], [sflag:$0x9], $0x40, s0, s30, $0xb8;
	[tilespmem:$0xE010] =	vst v63  }
0xfc: {  	_ = 	snop  }
0xfd: {  	[spmem:s17] =	stream.indirect.scatter.add.f32 [tilespmem:s10], [sflag:$0xB], $0x1, s0, s30, $0xb8;
	[tilespmem:$0xE010] =	vst v63  }
0xfe: {  	_ =	swait.ge [sflag:s23], $0x1400  }
0xff: {  	[sflag:s23] =	ssyncset.done $0x0  }
0x100: {  	s22 =	simm.s32 $0xE;
	[sflag:s23] =	ssyncadd.s32 $0xFFFFEC00  }
0x101: {  	_ =	swait.ge [sflag:s22], $0x50  }
0x102: {  	[sflag:s22] =	ssyncset.done $0x0  }
0x103: {  	[sflag:s22] =	ssyncadd.s32 $0xFFFFFFB0  }
0x104: {  	_ =	swait.ge [sflag:s11], $0x50  }
0x105: {  	[sflag:s11] =	ssyncset.done $0x0  }
0x106: {  	[sflag:s11] =	ssyncadd.s32 $0xFFFFFFB0  }
0x107: {  	_ =	swait.ge [sflag:s11], $0x50  }
0x108: {  	[sflag:s11] =	ssyncset.done $0x0  }
0x109: {  	s1 =	rddreg [dreg:$0x16];
	[sflag:s11] =	ssyncadd.s32 $0xFFFFFFB0  }
0x10a: {  	[tilespmem:s9], [sflag:$0x5] =	stream.indirect.gather [hbm4b:s12+s30], $0x40, s13, s30, $0xb8;
	[tilespmem:$0xE010] =	vst v63  }
0x10b: {  	s5 =	rddreg [dreg:$0x17];
	s1 =	sadd.s32 $0x0, s1  }
0x10c: {  	[tilespmem:s18], [sflag:$0x4] =	stream.linear.gather [hbm4b:s1+s4], $0x50, $0x38;
	[tilespmem:$0xE010] =	vst v63  }
0x10d: {  	s5 =	sadd.s32 $0x0, s5  }
0x10e: {  	[tilespmem:s7], [sflag:$0x4] =	stream.linear.gather [hbm4b:s5+s4], $0x50, $0x38;
	[tilespmem:$0xE010] =	vst v63  }
0x10f: {  	_ =	swait.ge [sflag:s24], $0x1400  }
0x110: {  	[sflag:s24] =	ssyncset.done $0x0  }
0x111: {  	s15 =	simm.s32 $0x2A80;
	[sflag:s24] =	ssyncadd.s32 $0xFFFFEC00  }
0x112: {  	[spmem:s3] =	stream.indirect.scatter.add.bf16 [tilespmem:s15], [sflag:$0xA], $0x40, s14, s30, $0xb8;
	[tilespmem:$0xE010] =	vst v63  }
0x113: {  	_ = 	snop  }
0x114: {  	[spmem:s17] =	stream.indirect.scatter.add.f32 [tilespmem:s10], [sflag:$0xC], $0x1, s14, s30, $0xb8;
	[tilespmem:$0xE010] =	vst v63  }
0x115: {  	_ =	swait.ge [sflag:s26], $0x1400  }
0x116: {  	[sflag:s26] =	ssyncset.done $0x0  }
0x117: {  	[sflag:s26] =	ssyncadd.s32 $0xFFFFEC00  }
0x118: {  	_ =	swait.ge [sflag:s25], $0x50  }
0x119: {  	[sflag:s25] =	ssyncset.done $0x0  }
0x11a: {  	[sflag:s25] =	ssyncadd.s32 $0xFFFFFFB0  }
0x11b: {  	_ =	swait.ge [sflag:s31], $0x50  }
0x11c: {  	[sflag:s31] =	ssyncset.done $0x0  }
0x11d: {  	[sflag:s31] =	ssyncadd.s32 $0xFFFFFFB0  }
0x11e: {  	_ =	swait.ge [sflag:s31], $0x50  }
0x11f: {  	[sflag:s31] =	ssyncset.done $0x0  }
0x120: {  	s1 =	rddreg [dreg:$0x14];
	[sflag:s31] =	ssyncadd.s32 $0xFFFFFFB0  }
0x121: {  	[tilespmem:s29], [sflag:$0x6] =	stream.indirect.gather [hbm4b:s12+s30], $0x40, s18, s30, $0xb8;
	[tilespmem:$0xE010] =	vst v63  }
0x122: {  	s5 =	rddreg [dreg:$0x15];
	s1 =	sadd.s32 $0x0, s1  }
0x123: {  	[tilespmem:s4], [sflag:$0x1] =	stream.linear.gather [hbm4b:s1+s4], $0x50, $0x38;
	[tilespmem:$0xE010] =	vst v63  }
0x124: {  	s5 =	sadd.s32 $0x0, s5  }
0x125: {  	[tilespmem:s0], [sflag:$0x1] =	stream.linear.gather [hbm4b:s5+s4], $0x50, $0x38;
	[tilespmem:$0xE010] =	vst v63  }
0x126: {  	_ =	swait.ge [sflag:s19], $0x1400  }
0x127: {  	[sflag:s19] =	ssyncset.done $0x0  }
0x128: {  	[sflag:s19] =	ssyncadd.s32 $0xFFFFEC00  }
0x129: {  	[spmem:s3] =	stream.indirect.scatter.add.bf16 [tilespmem:s9], [sflag:$0x8], $0x40, s6, s30, $0xb8;
	[tilespmem:$0xE010] =	vst v63  }
0x12a: {  	_ = 	snop  }
0x12b: {  	[spmem:s17] =	stream.indirect.scatter.add.f32 [tilespmem:s10], [sflag:$0xD], $0x1, s6, s30, $0xb8;
	[tilespmem:$0xE010] =	vst v63  }
0x12c: {  	_ =	swait.ge [sflag:s28], $0x1400  }
0x12d: {  	[sflag:s28] =	ssyncset.done $0x0  }
0x12e: {  	[sflag:s28] =	ssyncadd.s32 $0xFFFFEC00  }
0x12f: {  	_ =	swait.ge [sflag:s16], $0x50  }
0x130: {  	[sflag:s16] =	ssyncset.done $0x0  }
0x131: {  	[sflag:s16] =	ssyncadd.s32 $0xFFFFFFB0  }
0x132: {  	_ =	swait.ge [sflag:s8], $0x50  }
0x133: {  	[sflag:s8] =	ssyncset.done $0x0  }
0x134: {  	[sflag:s8] =	ssyncadd.s32 $0xFFFFFFB0  }
0x135: {  	_ =	swait.ge [sflag:s8], $0x50  }
0x136: {  	[sflag:s8] =	ssyncset.done $0x0  }
0x137: {  	s15 =	simm.s32 $0x2A80;
	s1 =	rddreg [dreg:$0x12];
	[sflag:s8] =	ssyncadd.s32 $0xFFFFFFB0  }
0x138: {  	[tilespmem:s15], [sflag:$0x7] =	stream.indirect.gather [hbm4b:s12+s30], $0x40, s4, s30, $0xb8;
	[tilespmem:$0xE010] =	vst v63  }
0x139: {  	s5 =	rddreg [dreg:$0x13];
	s1 =	sadd.s32 $0x0, s1  }
0x13a: {  	[tilespmem:s30], [sflag:$0x2] =	stream.linear.gather [hbm4b:s1+s4], $0x50, $0x38;
	[tilespmem:$0xE010] =	vst v63  }
0x13b: {  	s5 =	sadd.s32 $0x0, s5  }
0x13c: {  	[tilespmem:s14], [sflag:$0x2] =	stream.linear.gather [hbm4b:s5+s4], $0x50, $0x38;
	[tilespmem:$0xE010] =	vst v63  }
0x13d: {  	_ =	swait.ge [sflag:s20], $0x1400  }
0x13e: {  	[sflag:s20] =	ssyncset.done $0x0  }
0x13f: {  	[sflag:s20] =	ssyncadd.s32 $0xFFFFEC00  }
0x140: {  	[spmem:s3] =	stream.indirect.scatter.add.bf16 [tilespmem:s29], [sflag:$0x9], $0x40, s7, s30, $0xb8;
	[tilespmem:$0xE010] =	vst v63  }
0x141: {  	_ = 	snop  }
0x142: {  	[spmem:s17] =	stream.indirect.scatter.add.f32 [tilespmem:s10], [sflag:$0xE], $0x1, s7, s30, $0xb8;
	[tilespmem:$0xE010] =	vst v63  }
0x143: {  	_ =	swait.ge [sflag:s23], $0x1400  }
0x144: {  	[sflag:s23] =	ssyncset.done $0x0  }
0x145: {  	[sflag:s23] =	ssyncadd.s32 $0xFFFFEC00  }
0x146: {  	_ =	swait.ge [sflag:s2], $0x50  }
0x147: {  	[sflag:s2] =	ssyncset.done $0x0  }
0x148: {  	[sflag:s2] =	ssyncadd.s32 $0xFFFFFFB0  }
0x149: {  	_ =	swait.ge [sflag:s21], $0x50  }
0x14a: {  	[sflag:s21] =	ssyncset.done $0x0  }
0x14b: {  	[sflag:s21] =	ssyncadd.s32 $0xFFFFFFB0  }
0x14c: {  	_ =	swait.ge [sflag:s21], $0x50  }
0x14d: {  	[sflag:s21] =	ssyncset.done $0x0  }
0x14e: {  	s1 =	rddreg [dreg:$0x10];
	[sflag:s21] =	ssyncadd.s32 $0xFFFFFFB0  }
0x14f: {  	[tilespmem:s9], [sflag:$0x5] =	stream.indirect.gather [hbm4b:s12+s30], $0x40, s30, s30, $0xb8;
	[tilespmem:$0xE010] =	vst v63  }
0x150: {  	s5 =	rddreg [dreg:$0x11];
	s1 =	sadd.s32 $0x0, s1  }
0x151: {  	[tilespmem:s13], [sflag:$0x3] =	stream.linear.gather [hbm4b:s1+s4], $0x50, $0x38;
	[tilespmem:$0xE010] =	vst v63  }
0x152: {  	s5 =	sadd.s32 $0x0, s5  }
0x153: {  	[tilespmem:s6], [sflag:$0x3] =	stream.linear.gather [hbm4b:s5+s4], $0x50, $0x38;
	[tilespmem:$0xE010] =	vst v63  }
0x154: {  	_ =	swait.ge [sflag:s24], $0x1400  }
0x155: {  	[sflag:s24] =	ssyncset.done $0x0  }
0x156: {  	[sflag:s24] =	ssyncadd.s32 $0xFFFFEC00  }
0x157: {  	[spmem:s3] =	stream.indirect.scatter.add.bf16 [tilespmem:s15], [sflag:$0xA], $0x40, s0, s30, $0xb8;
	[tilespmem:$0xE010] =	vst v63  }
0x158: {  	_ = 	snop  }
0x159: {  	[spmem:s17] =	stream.indirect.scatter.add.f32 [tilespmem:s10], [sflag:$0xB], $0x1, s0, s30, $0xb8;
	[tilespmem:$0xE010] =	vst v63  }
0x15a: {  	_ =	swait.ge [sflag:s26], $0x1400  }
0x15b: {  	[sflag:s26] =	ssyncset.done $0x0  }
0x15c: {  	[sflag:s26] =	ssyncadd.s32 $0xFFFFEC00  }
0x15d: {  	_ =	swait.ge [sflag:s22], $0x50  }
0x15e: {  	[sflag:s22] =	ssyncset.done $0x0  }
0x15f: {  	[sflag:s22] =	ssyncadd.s32 $0xFFFFFFB0  }
0x160: {  	_ =	swait.ge [sflag:s11], $0x50  }
0x161: {  	[sflag:s11] =	ssyncset.done $0x0  }
0x162: {  	[sflag:s11] =	ssyncadd.s32 $0xFFFFFFB0  }
0x163: {  	_ =	swait.ge [sflag:s11], $0x50  }
0x164: {  	[sflag:s11] =	ssyncset.done $0x0  }
0x165: {  	s1 =	rddreg [dreg:$0xe];
	[sflag:s11] =	ssyncadd.s32 $0xFFFFFFB0  }
0x166: {  	[tilespmem:s29], [sflag:$0x6] =	stream.indirect.gather [hbm4b:s12+s30], $0x40, s13, s30, $0xb8;
	[tilespmem:$0xE010] =	vst v63  }
0x167: {  	s5 =	rddreg [dreg:$0xf];
	s1 =	sadd.s32 $0x0, s1  }
0x168: {  	[tilespmem:s18], [sflag:$0x4] =	stream.linear.gather [hbm4b:s1+s4], $0x50, $0x38;
	[tilespmem:$0xE010] =	vst v63  }
0x169: {  	s13 =	sadd.s32 $0x0, s5  }
0x16a: {  	[tilespmem:s7], [sflag:$0x4] =	stream.linear.gather [hbm4b:s13+s4], $0x50, $0x38;
	[tilespmem:$0xE010] =	vst v63  }
0x16b: {  	_ =	swait.ge [sflag:s19], $0x1400  }
0x16c: {  	[sflag:s19] =	ssyncset.done $0x0  }
0x16d: {  	[sflag:s19] =	ssyncadd.s32 $0xFFFFEC00  }
0x16e: {  	[spmem:s3] =	stream.indirect.scatter.add.bf16 [tilespmem:s9], [sflag:$0x8], $0x40, s14, s30, $0xb8;
	[tilespmem:$0xE010] =	vst v63  }
0x16f: {  	_ = 	snop  }
0x170: {  	[spmem:s17] =	stream.indirect.scatter.add.f32 [tilespmem:s10], [sflag:$0xC], $0x1, s14, s30, $0xb8;
	[tilespmem:$0xE010] =	vst v63  }
0x171: {  	_ =	swait.ge [sflag:s28], $0x1400  }
0x172: {  	[sflag:s28] =	ssyncset.done $0x0  }
0x173: {  	[sflag:s28] =	ssyncadd.s32 $0xFFFFEC00  }
0x174: {  	_ =	swait.ge [sflag:s25], $0x50  }
0x175: {  	[sflag:s25] =	ssyncset.done $0x0  }
0x176: {  	[sflag:s25] =	ssyncadd.s32 $0xFFFFFFB0  }
0x177: {  	_ =	swait.ge [sflag:s31], $0x50  }
0x178: {  	[sflag:s31] =	ssyncset.done $0x0  }
0x179: {  	[sflag:s31] =	ssyncadd.s32 $0xFFFFFFB0  }
0x17a: {  	_ =	swait.ge [sflag:s31], $0x50  }
0x17b: {  	[sflag:s31] =	ssyncset.done $0x0;
	s13 =	sld [smem:$0x7EA]  }
0x17c: {  	[sflag:s31] =	ssyncadd.s32 $0xFFFFFFB0  }
0x17d: {  	[tilespmem:s15], [sflag:$0x7] =	stream.indirect.gather [hbm4b:s12+s30], $0x40, s18, s30, $0xb8;
	[tilespmem:$0xE010] =	vst v63  }
0x17e: {  	s15 =	rddreg [dreg:$0x1c];
	s1 =	sshrl.u32 s13, $0x3  }
0x17f: {  	s5 =	rddreg [dreg:$0xd];
	s1 =	sadd.s32 s15, s1  }
0x180: {  	[tilespmem:s4], [sflag:$0x1] =	stream.linear.gather [hbm4b:s1+s4], $0x50, $0x38;
	[tilespmem:$0xE010] =	vst v63  }
0x181: {  	s15 =	sadd.s32 $0x0, s5  }
0x182: {  	[tilespmem:s0], [sflag:$0x1] =	stream.linear.gather [hbm4b:s15+s4], $0x50, $0x38;
	[tilespmem:$0xE010] =	vst v63  }
0x183: {  	_ =	swait.ge [sflag:s20], $0x1400  }
0x184: {  	[sflag:s20] =	ssyncset.done $0x0  }
0x185: {  	[sflag:s20] =	ssyncadd.s32 $0xFFFFEC00  }
0x186: {  	[spmem:s3] =	stream.indirect.scatter.add.bf16 [tilespmem:s29], [sflag:$0x9], $0x40, s6, s30, $0xb8;
	[tilespmem:$0xE010] =	vst v63  }
0x187: {  	_ = 	snop  }
0x188: {  	[spmem:s17] =	stream.indirect.scatter.add.f32 [tilespmem:s10], [sflag:$0xD], $0x1, s6, s30, $0xb8;
	[tilespmem:$0xE010] =	vst v63  }
0x189: {  	_ =	swait.ge [sflag:s23], $0x1400  }
0x18a: {  	[sflag:s23] =	ssyncset.done $0x0  }
0x18b: {  	[sflag:s23] =	ssyncadd.s32 $0xFFFFEC00  }
0x18c: {  	_ =	swait.ge [sflag:s16], $0x50  }
0x18d: {  	[sflag:s16] =	ssyncset.done $0x0  }
0x18e: {  	[sflag:s16] =	ssyncadd.s32 $0xFFFFFFB0  }
0x18f: {  	_ =	swait.ge [sflag:s8], $0x50  }
0x190: {  	[sflag:s8] =	ssyncset.done $0x0  }
0x191: {  	[sflag:s8] =	ssyncadd.s32 $0xFFFFFFB0  }
0x192: {  	_ =	swait.ge [sflag:s8], $0x50  }
0x193: {  	[sflag:s8] =	ssyncset.done $0x0  }
0x194: {  	s5 =	rddreg [dreg:$0xb];
	[sflag:s8] =	ssyncadd.s32 $0xFFFFFFB0  }
0x195: {  	[tilespmem:s9], [sflag:$0x5] =	stream.indirect.gather [hbm4b:s12+s30], $0x40, s4, s30, $0xb8;
	[tilespmem:$0xE010] =	vst v63  }
0x196: {  	s15 =	rddreg [dreg:$0xc];
	s1 =	sadd.s32 $0x0, s5  }
0x197: {  	[tilespmem:s30], [sflag:$0x2] =	stream.linear.gather [hbm4b:s1+s4], $0x50, $0x38;
	[tilespmem:$0xE010] =	vst v63  }
0x198: {  	s16 =	sadd.s32 $0x0, s15  }
0x199: {  	[tilespmem:s14], [sflag:$0x2] =	stream.linear.gather [hbm4b:s16+s4], $0x50, $0x38;
	[tilespmem:$0xE010] =	vst v63  }
0x19a: {  	_ =	swait.ge [sflag:s24], $0x1400  }
0x19b: {  	[sflag:s24] =	ssyncset.done $0x0  }
0x19c: {  	s8 =	simm.s32 $0x2A80;
	[sflag:s24] =	ssyncadd.s32 $0xFFFFEC00  }
0x19d: {  	[spmem:s3] =	stream.indirect.scatter.add.bf16 [tilespmem:s8], [sflag:$0xA], $0x40, s7, s30, $0xb8;
	[tilespmem:$0xE010] =	vst v63  }
0x19e: {  	_ = 	snop  }
0x19f: {  	[spmem:s17] =	stream.indirect.scatter.add.f32 [tilespmem:s10], [sflag:$0xE], $0x1, s7, s30, $0xb8;
	[tilespmem:$0xE010] =	vst v63  }
0x1a0: {  	_ =	swait.ge [sflag:s26], $0x1400  }
0x1a1: {  	[sflag:s26] =	ssyncset.done $0x0  }
0x1a2: {  	[sflag:s26] =	ssyncadd.s32 $0xFFFFEC00  }
0x1a3: {  	_ =	swait.ge [sflag:s2], $0x50  }
0x1a4: {  	[sflag:s2] =	ssyncset.done $0x0  }
0x1a5: {  	[sflag:s2] =	ssyncadd.s32 $0xFFFFFFB0  }
0x1a6: {  	_ =	swait.ge [sflag:s21], $0x50  }
0x1a7: {  	[sflag:s21] =	ssyncset.done $0x0  }
0x1a8: {  	[sflag:s21] =	ssyncadd.s32 $0xFFFFFFB0  }
0x1a9: {  	_ =	swait.ge [sflag:s21], $0x50  }
0x1aa: {  	[sflag:s21] =	ssyncset.done $0x0  }
0x1ab: {  	s26 =	rddreg [dreg:$0x9];
	[sflag:s21] =	ssyncadd.s32 $0xFFFFFFB0  }
0x1ac: {  	[tilespmem:s29], [sflag:$0x6] =	stream.indirect.gather [hbm4b:s12+s30], $0x40, s30, s30, $0xb8;
	[tilespmem:$0xE010] =	vst v63  }
0x1ad: {  	s15 =	simm.s32 $0xA0;
	s2 =	rddreg [dreg:$0xa];
	s1 =	sadd.s32 $0x0, s26  }
0x1ae: {  	[tilespmem:s15], [sflag:$0x3] =	stream.linear.gather [hbm4b:s1+s4], $0x50, $0x38;
	[tilespmem:$0xE010] =	vst v63  }
0x1af: {  	s16 =	sadd.s32 $0x0, s2  }
0x1b0: {  	[tilespmem:s6], [sflag:$0x3] =	stream.linear.gather [hbm4b:s16+s4], $0x50, $0x38;
	[tilespmem:$0xE010] =	vst v63  }
0x1b1: {  	_ =	swait.ge [sflag:s19], $0x1400  }
0x1b2: {  	[sflag:s19] =	ssyncset.done $0x0  }
0x1b3: {  	[sflag:s19] =	ssyncadd.s32 $0xFFFFEC00  }
0x1b4: {  	[spmem:s3] =	stream.indirect.scatter.add.bf16 [tilespmem:s9], [sflag:$0x8], $0x40, s0, s30, $0xb8;
	[tilespmem:$0xE010] =	vst v63  }
0x1b5: {  	_ = 	snop  }
0x1b6: {  	[spmem:s17] =	stream.indirect.scatter.add.f32 [tilespmem:s10], [sflag:$0xB], $0x1, s0, s30, $0xb8;
	[tilespmem:$0xE010] =	vst v63  }
0x1b7: {  	_ =	swait.ge [sflag:s28], $0x1400  }
0x1b8: {  	[sflag:s28] =	ssyncset.done $0x0  }
0x1b9: {  	[sflag:s28] =	ssyncadd.s32 $0xFFFFEC00  }
0x1ba: {  	_ =	swait.ge [sflag:s22], $0x50  }
0x1bb: {  	[sflag:s22] =	ssyncset.done $0x0  }
0x1bc: {  	[sflag:s22] =	ssyncadd.s32 $0xFFFFFFB0  }
0x1bd: {  	_ =	swait.ge [sflag:s11], $0x50  }
0x1be: {  	[sflag:s11] =	ssyncset.done $0x0  }
0x1bf: {  	[sflag:s11] =	ssyncadd.s32 $0xFFFFFFB0  }
0x1c0: {  	_ =	swait.ge [sflag:s11], $0x50  }
0x1c1: {  	[sflag:s11] =	ssyncset.done $0x0  }
0x1c2: {  	s24 =	rddreg [dreg:$0x7];
	[sflag:s11] =	ssyncadd.s32 $0xFFFFFFB0  }
0x1c3: {  	[tilespmem:s8], [sflag:$0x7] =	stream.indirect.gather [hbm4b:s12+s30], $0x40, s15, s30, $0xb8;
	[tilespmem:$0xE010] =	vst v63  }
0x1c4: {  	s26 =	rddreg [dreg:$0x8];
	s1 =	sadd.s32 $0x0, s24  }
0x1c5: {  	[tilespmem:s18], [sflag:$0x4] =	stream.linear.gather [hbm4b:s1+s4], $0x50, $0x38;
	[tilespmem:$0xE010] =	vst v63  }
0x1c6: {  	s28 =	sadd.s32 $0x0, s26  }
0x1c7: {  	[tilespmem:s7], [sflag:$0x4] =	stream.linear.gather [hbm4b:s28+s4], $0x50, $0x38;
	[tilespmem:$0xE010] =	vst v63  }
0x1c8: {  	_ =	swait.ge [sflag:s20], $0x1400  }
0x1c9: {  	[sflag:s20] =	ssyncset.done $0x0  }
0x1ca: {  	[sflag:s20] =	ssyncadd.s32 $0xFFFFEC00  }
0x1cb: {  	[spmem:s3] =	stream.indirect.scatter.add.bf16 [tilespmem:s29], [sflag:$0x9], $0x40, s14, s30, $0xb8;
	[tilespmem:$0xE010] =	vst v63  }
0x1cc: {  	_ = 	snop  }
0x1cd: {  	[spmem:s17] =	stream.indirect.scatter.add.f32 [tilespmem:s10], [sflag:$0xC], $0x1, s14, s30, $0xb8;
	[tilespmem:$0xE010] =	vst v63  }
0x1ce: {  	_ =	swait.ge [sflag:s23], $0x1400  }
0x1cf: {  	[sflag:s23] =	ssyncset.done $0x0  }
0x1d0: {  	[sflag:s23] =	ssyncadd.s32 $0xFFFFEC00  }
0x1d1: {  	_ =	swait.ge [sflag:s25], $0x50  }
0x1d2: {  	[sflag:s25] =	ssyncset.done $0x0  }
0x1d3: {  	[sflag:s25] =	ssyncadd.s32 $0xFFFFFFB0  }
0x1d4: {  	_ =	swait.ge [sflag:s31], $0x50  }
0x1d5: {  	[sflag:s31] =	ssyncset.done $0x0  }
0x1d6: {  	[sflag:s31] =	ssyncadd.s32 $0xFFFFFFB0  }
0x1d7: {  	_ =	swait.ge [sflag:s31], $0x50  }
0x1d8: {  	[sflag:s31] =	ssyncset.done $0x0  }
0x1d9: {  	s29 =	rddreg [dreg:$0x5];
	[sflag:s31] =	ssyncadd.s32 $0xFFFFFFB0  }
0x1da: {  	[tilespmem:s9], [sflag:$0x5] =	stream.indirect.gather [hbm4b:s12+s30], $0x40, s18, s30, $0xb8;
	[tilespmem:$0xE010] =	vst v63  }
0x1db: {  	s31 =	rddreg [dreg:$0x6];
	s1 =	sadd.s32 $0x0, s29  }
0x1dc: {  	[tilespmem:s4], [sflag:$0x1] =	stream.linear.gather [hbm4b:s1+s4], $0x50, $0x38;
	[tilespmem:$0xE010] =	vst v63  }
0x1dd: {  	s5 =	sadd.s32 $0x3C0, s13;
	s15 =	simm.s32 $0x78;
	s1 =	sadd.s32 $0x0, s31  }
.LBB2_2:
0x1de: {  	s6 =	simm.s32 $0x140;
	s24 =	simm.s32 $0x7  }
0x1df: {  	[tilespmem:s6], [sflag:$0x1] =	stream.linear.gather [hbm4b:s1+s4], $0x50, $0x38;
	[tilespmem:$0xE010] =	vst v63  }
0x1e0: {  	_ =	swait.ge [sflag:s24], $0x1400  }
0x1e1: {  	[sflag:s24] =	ssyncset.done $0x0  }
0x1e2: {  	[sflag:s24] =	ssyncadd.s32 $0xFFFFEC00  }
0x1e3: {  	s0 =	simm.s32 $0x2A80;
	s18 =	simm.s32 $0x1E0;
	s3 =	rddreg [dreg:$0x2]  }
0x1e4: {  	[spmem:s3] =	stream.indirect.scatter.add.bf16 [tilespmem:s0], [sflag:$0xA], $0x40, s18, s30, $0xb8;
	[tilespmem:$0xE010] =	vst v63  }
0x1e5: {  	s10 =	simm.s32 $0x3E80;
	s26 =	simm.s32 $0x9;
	s17 =	rddreg [dreg:$0x3]  }
0x1e6: {  	[spmem:s17] =	stream.indirect.scatter.add.f32 [tilespmem:s10], [sflag:$0xD], $0x1, s18, s30, $0xb8;
	[tilespmem:$0xE010] =	vst v63  }
0x1e7: {  	_ =	swait.ge [sflag:s26], $0x1400  }
0x1e8: {  	[sflag:s26] =	ssyncset.done $0x0  }
0x1e9: {  	s16 =	simm.s32 $0xC;
	[sflag:s26] =	ssyncadd.s32 $0xFFFFEC00  }
0x1ea: {  	_ =	swait.ge [sflag:s16], $0x50  }
0x1eb: {  	[sflag:s16] =	ssyncset.done $0x0  }
0x1ec: {  	s8 =	simm.s32 $0x1;
	[sflag:s16] =	ssyncadd.s32 $0xFFFFFFB0  }
0x1ed: {  	_ =	swait.ge [sflag:s8], $0x50  }
0x1ee: {  	[sflag:s8] =	ssyncset.done $0x0  }
0x1ef: {  	[sflag:s8] =	ssyncadd.s32 $0xFFFFFFB0  }
0x1f0: {  	_ =	swait.ge [sflag:s8], $0x50  }
0x1f1: {  	s25 =	simm.s32 $0x1680;
	[sflag:s8] =	ssyncset.done $0x0  }
0x1f2: {  	s1 =	smov.u32 s15;
	s28 =	rddreg [dreg:$0x1a];
	[sflag:s8] =	ssyncadd.s32 $0xFFFFFFB0  }
0x1f3: {  	[tilespmem:s25], [sflag:$0x6] =	stream.indirect.gather [hbm4b:s12+s30], $0x40, s4, s30, $0xb8;
	[tilespmem:$0xE010] =	vst v63  }
0x1f4: {  	s13 =	rddreg [dreg:$0x1b];
	s28 =	sadd.s32 s1, s28  }
0x1f5: {  	[tilespmem:s30], [sflag:$0x2] =	stream.linear.gather [hbm4b:s28+s4], $0x50, $0x38;
	[tilespmem:$0xE010] =	vst v63  }
0x1f6: {  	s19 =	simm.s32 $0x5;
	s13 =	sadd.s32 s1, s13;
	s28 =	simm.s32 $0x190  }
0x1f7: {  	[tilespmem:s28], [sflag:$0x2] =	stream.linear.gather [hbm4b:s13+s4], $0x50, $0x38;
	[tilespmem:$0xE010] =	vst v63  }
0x1f8: {  	_ =	swait.ge [sflag:s19], $0x1400  }
0x1f9: {  	[sflag:s19] =	ssyncset.done $0x0  }
0x1fa: {  	s29 =	simm.s32 $0x280;
	s25 =	simm.s32 $0x230;
	[sflag:s19] =	ssyncadd.s32 $0xFFFFEC00  }
0x1fb: {  	[spmem:s3] =	stream.indirect.scatter.add.bf16 [tilespmem:s29], [sflag:$0x8], $0x40, s25, s30, $0xb8;
	[tilespmem:$0xE010] =	vst v63  }
0x1fc: {  	s7 =	simm.s32 $0xA  }
0x1fd: {  	[spmem:s17] =	stream.indirect.scatter.add.f32 [tilespmem:s10], [sflag:$0xE], $0x1, s25, s30, $0xb8;
	[tilespmem:$0xE010] =	vst v63  }
0x1fe: {  	_ =	swait.ge [sflag:s7], $0x1400  }
0x1ff: {  	[sflag:s7] =	ssyncset.done $0x0  }
0x200: {  	s2 =	simm.s32 $0xD;
	[sflag:s7] =	ssyncadd.s32 $0xFFFFEC00  }
0x201: {  	_ =	swait.ge [sflag:s2], $0x50  }
0x202: {  	[sflag:s2] =	ssyncset.done $0x0  }
0x203: {  	[sflag:s2] =	ssyncadd.s32 $0xFFFFFFB0  }
0x204: {  	_ =	swait.ge [sflag:s21], $0x50  }
0x205: {  	[sflag:s21] =	ssyncset.done $0x0  }
0x206: {  	[sflag:s21] =	ssyncadd.s32 $0xFFFFFFB0  }
0x207: {  	_ =	swait.ge [sflag:s21], $0x50  }
0x208: {  	[sflag:s21] =	ssyncset.done $0x0  }
0x209: {  	s14 =	simm.s32 $0x2A80;
	s0 =	rddreg [dreg:$0x18];
	[sflag:s21] =	ssyncadd.s32 $0xFFFFFFB0  }
0x20a: {  	[tilespmem:s14], [sflag:$0x7] =	stream.indirect.gather [hbm4b:s12+s30], $0x40, s30, s30, $0xb8;
	[tilespmem:$0xE010] =	vst v63  }
0x20b: {  	s20 =	simm.s32 $0xA0;
	s9 =	rddreg [dreg:$0x19];
	s13 =	sadd.s32 s1, s0  }
0x20c: {  	[tilespmem:s20], [sflag:$0x3] =	stream.linear.gather [hbm4b:s13+s4], $0x50, $0x38;
	[tilespmem:$0xE010] =	vst v63  }
0x20d: {  	s29 =	sadd.s32 s1, s9;
	s20 =	simm.s32 $0x6  }
0x20e: {  	[tilespmem:s18], [sflag:$0x3] =	stream.linear.gather [hbm4b:s29+s4], $0x50, $0x38;
	[tilespmem:$0xE010] =	vst v63  }
0x20f: {  	_ =	swait.ge [sflag:s20], $0x1400  }
0x210: {  	[sflag:s20] =	ssyncset.done $0x0  }
0x211: {  	s22 =	simm.s32 $0x1680;
	[sflag:s20] =	ssyncadd.s32 $0xFFFFEC00  }
0x212: {  	[spmem:s3] =	stream.indirect.scatter.add.bf16 [tilespmem:s22], [sflag:$0x9], $0x40, s6, s30, $0xb8;
	[tilespmem:$0xE010] =	vst v63  }
0x213: {  	s23 =	simm.s32 $0x8  }
0x214: {  	[spmem:s17] =	stream.indirect.scatter.add.f32 [tilespmem:s10], [sflag:$0xB], $0x1, s6, s30, $0xb8;
	[tilespmem:$0xE010] =	vst v63  }
0x215: {  	_ =	swait.ge [sflag:s23], $0x1400  }
0x216: {  	[sflag:s23] =	ssyncset.done $0x0  }
0x217: {  	s22 =	simm.s32 $0xE;
	[sflag:s23] =	ssyncadd.s32 $0xFFFFEC00  }
0x218: {  	_ =	swait.ge [sflag:s22], $0x50  }
0x219: {  	[sflag:s22] =	ssyncset.done $0x0  }
0x21a: {  	[sflag:s22] =	ssyncadd.s32 $0xFFFFFFB0  }
0x21b: {  	_ =	swait.ge [sflag:s11], $0x50  }
0x21c: {  	[sflag:s11] =	ssyncset.done $0x0  }
0x21d: {  	[sflag:s11] =	ssyncadd.s32 $0xFFFFFFB0  }
0x21e: {  	_ =	swait.ge [sflag:s11], $0x50  }
0x21f: {  	s31 =	simm.s32 $0x280;
	[sflag:s11] =	ssyncset.done $0x0  }
0x220: {  	s21 =	simm.s32 $0xA0;
	s9 =	rddreg [dreg:$0x16];
	[sflag:s11] =	ssyncadd.s32 $0xFFFFFFB0  }
0x221: {  	[tilespmem:s31], [sflag:$0x5] =	stream.indirect.gather [hbm4b:s12+s30], $0x40, s21, s30, $0xb8;
	[tilespmem:$0xE010] =	vst v63  }
0x222: {  	s11 =	rddreg [dreg:$0x17];
	s13 =	sadd.s32 s1, s9;
	s31 =	simm.s32 $0xF0  }
0x223: {  	[tilespmem:s31], [sflag:$0x4] =	stream.linear.gather [hbm4b:s13+s4], $0x50, $0x38;
	[tilespmem:$0xE010] =	vst v63  }
0x224: {  	s21 =	sadd.s32 s1, s11  }
0x225: {  	[tilespmem:s25], [sflag:$0x4] =	stream.linear.gather [hbm4b:s21+s4], $0x50, $0x38;
	[tilespmem:$0xE010] =	vst v63  }
0x226: {  	_ =	swait.ge [sflag:s24], $0x1400  }
0x227: {  	[sflag:s24] =	ssyncset.done $0x0  }
0x228: {  	s9 =	simm.s32 $0x190;
	[sflag:s24] =	ssyncadd.s32 $0xFFFFEC00  }
0x229: {  	[spmem:s3] =	stream.indirect.scatter.add.bf16 [tilespmem:s14], [sflag:$0xA], $0x40, s9, s30, $0xb8;
	[tilespmem:$0xE010] =	vst v63  }
0x22a: {  	s28 =	simm.s32 $0x190  }
0x22b: {  	[spmem:s17] =	stream.indirect.scatter.add.f32 [tilespmem:s10], [sflag:$0xC], $0x1, s28, s30, $0xb8;
	[tilespmem:$0xE010] =	vst v63  }
0x22c: {  	_ =	swait.ge [sflag:s26], $0x1400  }
0x22d: {  	[sflag:s26] =	ssyncset.done $0x0  }
0x22e: {  	s31 =	simm.s32 $0xB;
	[sflag:s26] =	ssyncadd.s32 $0xFFFFEC00  }
0x22f: {  	_ =	swait.ge [sflag:s31], $0x50  }
0x230: {  	[sflag:s31] =	ssyncset.done $0x0  }
0x231: {  	s0 =	simm.s32 $0x4;
	[sflag:s31] =	ssyncadd.s32 $0xFFFFFFB0  }
0x232: {  	_ =	swait.ge [sflag:s0], $0x50  }
0x233: {  	[sflag:s0] =	ssyncset.done $0x0  }
0x234: {  	[sflag:s0] =	ssyncadd.s32 $0xFFFFFFB0  }
0x235: {  	_ =	swait.ge [sflag:s0], $0x50  }
0x236: {  	s9 =	simm.s32 $0xF0;
	[sflag:s0] =	ssyncset.done $0x0  }
0x237: {  	s14 =	simm.s32 $0x1680;
	s13 =	rddreg [dreg:$0x14];
	[sflag:s0] =	ssyncadd.s32 $0xFFFFFFB0  }
0x238: {  	[tilespmem:s14], [sflag:$0x6] =	stream.indirect.gather [hbm4b:s12+s30], $0x40, s9, s30, $0xb8;
	[tilespmem:$0xE010] =	vst v63  }
0x239: {  	s28 =	rddreg [dreg:$0x15];
	s13 =	sadd.s32 s1, s13  }
0x23a: {  	[tilespmem:s4], [sflag:$0x1] =	stream.linear.gather [hbm4b:s13+s4], $0x50, $0x38;
	[tilespmem:$0xE010] =	vst v63  }
0x23b: {  	s28 =	sadd.s32 s1, s28  }
0x23c: {  	[tilespmem:s6], [sflag:$0x1] =	stream.linear.gather [hbm4b:s28+s4], $0x50, $0x38;
	[tilespmem:$0xE010] =	vst v63  }
0x23d: {  	_ =	swait.ge [sflag:s19], $0x1400  }
0x23e: {  	[sflag:s19] =	ssyncset.done $0x0  }
0x23f: {  	s21 =	simm.s32 $0x280;
	[sflag:s19] =	ssyncadd.s32 $0xFFFFEC00  }
0x240: {  	[spmem:s3] =	stream.indirect.scatter.add.bf16 [tilespmem:s21], [sflag:$0x8], $0x40, s18, s30, $0xb8;
	[tilespmem:$0xE010] =	vst v63  }
0x241: {  	_ = 	snop  }
0x242: {  	[spmem:s17] =	stream.indirect.scatter.add.f32 [tilespmem:s10], [sflag:$0xD], $0x1, s18, s30, $0xb8;
	[tilespmem:$0xE010] =	vst v63  }
0x243: {  	_ =	swait.ge [sflag:s7], $0x1400  }
0x244: {  	[sflag:s7] =	ssyncset.done $0x0  }
0x245: {  	[sflag:s7] =	ssyncadd.s32 $0xFFFFEC00  }
0x246: {  	_ =	swait.ge [sflag:s16], $0x50  }
0x247: {  	[sflag:s16] =	ssyncset.done $0x0  }
0x248: {  	[sflag:s16] =	ssyncadd.s32 $0xFFFFFFB0  }
0x249: {  	_ =	swait.ge [sflag:s8], $0x50  }
0x24a: {  	[sflag:s8] =	ssyncset.done $0x0  }
0x24b: {  	[sflag:s8] =	ssyncadd.s32 $0xFFFFFFB0  }
0x24c: {  	_ =	swait.ge [sflag:s8], $0x50  }
0x24d: {  	[sflag:s8] =	ssyncset.done $0x0  }
0x24e: {  	s29 =	simm.s32 $0x2A80;
	s13 =	rddreg [dreg:$0x12];
	[sflag:s8] =	ssyncadd.s32 $0xFFFFFFB0  }
0x24f: {  	[tilespmem:s29], [sflag:$0x7] =	stream.indirect.gather [hbm4b:s12+s30], $0x40, s4, s30, $0xb8;
	[tilespmem:$0xE010] =	vst v63  }
0x250: {  	s9 =	rddreg [dreg:$0x13];
	s13 =	sadd.s32 s1, s13  }
0x251: {  	[tilespmem:s30], [sflag:$0x2] =	stream.linear.gather [hbm4b:s13+s4], $0x50, $0x38;
	[tilespmem:$0xE010] =	vst v63  }
0x252: {  	s28 =	simm.s32 $0x190;
	s9 =	sadd.s32 s1, s9  }
0x253: {  	[tilespmem:s28], [sflag:$0x2] =	stream.linear.gather [hbm4b:s9+s4], $0x50, $0x38;
	[tilespmem:$0xE010] =	vst v63  }
0x254: {  	_ =	swait.ge [sflag:s20], $0x1400  }
0x255: {  	[sflag:s20] =	ssyncset.done $0x0  }
0x256: {  	[sflag:s20] =	ssyncadd.s32 $0xFFFFEC00  }
0x257: {  	[spmem:s3] =	stream.indirect.scatter.add.bf16 [tilespmem:s14], [sflag:$0x9], $0x40, s25, s30, $0xb8;
	[tilespmem:$0xE010] =	vst v63  }
0x258: {  	_ = 	snop  }
0x259: {  	[spmem:s17] =	stream.indirect.scatter.add.f32 [tilespmem:s10], [sflag:$0xE], $0x1, s25, s30, $0xb8;
	[tilespmem:$0xE010] =	vst v63  }
0x25a: {  	_ =	swait.ge [sflag:s23], $0x1400  }
0x25b: {  	[sflag:s23] =	ssyncset.done $0x0  }
0x25c: {  	[sflag:s23] =	ssyncadd.s32 $0xFFFFEC00  }
0x25d: {  	_ =	swait.ge [sflag:s2], $0x50  }
0x25e: {  	[sflag:s2] =	ssyncset.done $0x0  }
0x25f: {  	s11 =	simm.s32 $0x2;
	[sflag:s2] =	ssyncadd.s32 $0xFFFFFFB0  }
0x260: {  	_ =	swait.ge [sflag:s11], $0x50  }
0x261: {  	[sflag:s11] =	ssyncset.done $0x0  }
0x262: {  	[sflag:s11] =	ssyncadd.s32 $0xFFFFFFB0  }
0x263: {  	_ =	swait.ge [sflag:s11], $0x50  }
0x264: {  	[sflag:s11] =	ssyncset.done $0x0  }
0x265: {  	s13 =	rddreg [dreg:$0x10];
	[sflag:s11] =	ssyncadd.s32 $0xFFFFFFB0  }
0x266: {  	[tilespmem:s21], [sflag:$0x5] =	stream.indirect.gather [hbm4b:s12+s30], $0x40, s30, s30, $0xb8;
	[tilespmem:$0xE010] =	vst v63  }
0x267: {  	s9 =	rddreg [dreg:$0x11];
	s13 =	sadd.s32 s1, s13;
	s21 =	simm.s32 $0xA0  }
0x268: {  	[tilespmem:s21], [sflag:$0x3] =	stream.linear.gather [hbm4b:s13+s4], $0x50, $0x38;
	[tilespmem:$0xE010] =	vst v63  }
0x269: {  	s9 =	sadd.s32 s1, s9  }
0x26a: {  	[tilespmem:s18], [sflag:$0x3] =	stream.linear.gather [hbm4b:s9+s4], $0x50, $0x38;
	[tilespmem:$0xE010] =	vst v63  }
0x26b: {  	_ =	swait.ge [sflag:s24], $0x1400  }
0x26c: {  	[sflag:s24] =	ssyncset.done $0x0  }
0x26d: {  	s29 =	simm.s32 $0x2A80;
	[sflag:s24] =	ssyncadd.s32 $0xFFFFEC00  }
0x26e: {  	[spmem:s3] =	stream.indirect.scatter.add.bf16 [tilespmem:s29], [sflag:$0xA], $0x40, s6, s30, $0xb8;
	[tilespmem:$0xE010] =	vst v63  }
0x26f: {  	_ = 	snop  }
0x270: {  	[spmem:s17] =	stream.indirect.scatter.add.f32 [tilespmem:s10], [sflag:$0xB], $0x1, s6, s30, $0xb8;
	[tilespmem:$0xE010] =	vst v63  }
0x271: {  	_ =	swait.ge [sflag:s26], $0x1400  }
0x272: {  	[sflag:s26] =	ssyncset.done $0x0  }
0x273: {  	[sflag:s26] =	ssyncadd.s32 $0xFFFFEC00  }
0x274: {  	_ =	swait.ge [sflag:s22], $0x50  }
0x275: {  	[sflag:s22] =	ssyncset.done $0x0  }
0x276: {  	s11 =	simm.s32 $0x3;
	[sflag:s22] =	ssyncadd.s32 $0xFFFFFFB0  }
0x277: {  	_ =	swait.ge [sflag:s11], $0x50  }
0x278: {  	[sflag:s11] =	ssyncset.done $0x0  }
0x279: {  	[sflag:s11] =	ssyncadd.s32 $0xFFFFFFB0  }
0x27a: {  	_ =	swait.ge [sflag:s11], $0x50  }
0x27b: {  	[sflag:s11] =	ssyncset.done $0x0  }
0x27c: {  	s29 =	simm.s32 $0x1680;
	s13 =	rddreg [dreg:$0xe];
	[sflag:s11] =	ssyncadd.s32 $0xFFFFFFB0  }
0x27d: {  	[tilespmem:s29], [sflag:$0x6] =	stream.indirect.gather [hbm4b:s12+s30], $0x40, s21, s30, $0xb8;
	[tilespmem:$0xE010] =	vst v63  }
0x27e: {  	s28 =	rddreg [dreg:$0xf];
	s13 =	sadd.s32 s1, s13;
	s21 =	simm.s32 $0xF0  }
0x27f: {  	[tilespmem:s21], [sflag:$0x4] =	stream.linear.gather [hbm4b:s13+s4], $0x50, $0x38;
	[tilespmem:$0xE010] =	vst v63  }
0x280: {  	s28 =	sadd.s32 s1, s28  }
0x281: {  	[tilespmem:s25], [sflag:$0x4] =	stream.linear.gather [hbm4b:s28+s4], $0x50, $0x38;
	[tilespmem:$0xE010] =	vst v63  }
0x282: {  	_ =	swait.ge [sflag:s19], $0x1400  }
0x283: {  	[sflag:s19] =	ssyncset.done $0x0  }
0x284: {  	s14 =	simm.s32 $0x280;
	s21 =	simm.s32 $0x190;
	[sflag:s19] =	ssyncadd.s32 $0xFFFFEC00  }
0x285: {  	[spmem:s3] =	stream.indirect.scatter.add.bf16 [tilespmem:s14], [sflag:$0x8], $0x40, s21, s30, $0xb8;
	[tilespmem:$0xE010] =	vst v63  }
0x286: {  	s28 =	simm.s32 $0x190  }
0x287: {  	[spmem:s17] =	stream.indirect.scatter.add.f32 [tilespmem:s10], [sflag:$0xC], $0x1, s28, s30, $0xb8;
	[tilespmem:$0xE010] =	vst v63  }
0x288: {  	_ =	swait.ge [sflag:s7], $0x1400  }
0x289: {  	[sflag:s7] =	ssyncset.done $0x0  }
0x28a: {  	[sflag:s7] =	ssyncadd.s32 $0xFFFFEC00  }
0x28b: {  	_ =	swait.ge [sflag:s31], $0x50  }
0x28c: {  	[sflag:s31] =	ssyncset.done $0x0  }
0x28d: {  	[sflag:s31] =	ssyncadd.s32 $0xFFFFFFB0  }
0x28e: {  	_ =	swait.ge [sflag:s0], $0x50  }
0x28f: {  	[sflag:s0] =	ssyncset.done $0x0  }
0x290: {  	[sflag:s0] =	ssyncadd.s32 $0xFFFFFFB0  }
0x291: {  	_ =	swait.ge [sflag:s0], $0x50  }
0x292: {  	[sflag:s0] =	ssyncset.done $0x0  }
0x293: {  	s9 =	simm.s32 $0x2A80;
	[sflag:s0] =	ssyncadd.s32 $0xFFFFFFB0;
	s0 =	simm.s32 $0xF0  }
0x294: {  	[tilespmem:s9], [sflag:$0x7] =	stream.indirect.gather [hbm4b:s12+s30], $0x40, s0, s30, $0xb8;
	[tilespmem:$0xE010] =	vst v63  }
0x295: {  	s13 =	sshrl.u32 s5, $0x3;
	s9 =	rddreg [dreg:$0x1c]  }
0x296: {  	s28 =	rddreg [dreg:$0xd];
	s13 =	sadd.s32 s9, s13  }
0x297: {  	[tilespmem:s4], [sflag:$0x1] =	stream.linear.gather [hbm4b:s13+s4], $0x50, $0x38;
	[tilespmem:$0xE010] =	vst v63  }
0x298: {  	s9 =	sadd.s32 s1, s28  }
0x299: {  	[tilespmem:s6], [sflag:$0x1] =	stream.linear.gather [hbm4b:s9+s4], $0x50, $0x38;
	[tilespmem:$0xE010] =	vst v63  }
0x29a: {  	_ =	swait.ge [sflag:s20], $0x1400  }
0x29b: {  	[sflag:s20] =	ssyncset.done $0x0  }
0x29c: {  	[sflag:s20] =	ssyncadd.s32 $0xFFFFEC00  }
0x29d: {  	[spmem:s3] =	stream.indirect.scatter.add.bf16 [tilespmem:s29], [sflag:$0x9], $0x40, s18, s30, $0xb8;
	[tilespmem:$0xE010] =	vst v63  }
0x29e: {  	_ = 	snop  }
0x29f: {  	[spmem:s17] =	stream.indirect.scatter.add.f32 [tilespmem:s10], [sflag:$0xD], $0x1, s18, s30, $0xb8;
	[tilespmem:$0xE010] =	vst v63  }
0x2a0: {  	_ =	swait.ge [sflag:s23], $0x1400  }
0x2a1: {  	[sflag:s23] =	ssyncset.done $0x0  }
0x2a2: {  	[sflag:s23] =	ssyncadd.s32 $0xFFFFEC00  }
0x2a3: {  	_ =	swait.ge [sflag:s16], $0x50  }
0x2a4: {  	[sflag:s16] =	ssyncset.done $0x0  }
0x2a5: {  	[sflag:s16] =	ssyncadd.s32 $0xFFFFFFB0  }
0x2a6: {  	_ =	swait.ge [sflag:s8], $0x50  }
0x2a7: {  	[sflag:s8] =	ssyncset.done $0x0  }
0x2a8: {  	[sflag:s8] =	ssyncadd.s32 $0xFFFFFFB0  }
0x2a9: {  	_ =	swait.ge [sflag:s8], $0x50  }
0x2aa: {  	[sflag:s8] =	ssyncset.done $0x0  }
0x2ab: {  	s0 =	simm.s32 $0x280;
	s16 =	rddreg [dreg:$0xb];
	[sflag:s8] =	ssyncadd.s32 $0xFFFFFFB0  }
0x2ac: {  	[tilespmem:s0], [sflag:$0x5] =	stream.indirect.gather [hbm4b:s12+s30], $0x40, s4, s30, $0xb8;
	[tilespmem:$0xE010] =	vst v63  }
0x2ad: {  	s8 =	rddreg [dreg:$0xc];
	s13 =	sadd.s32 s1, s16  }
0x2ae: {  	[tilespmem:s30], [sflag:$0x2] =	stream.linear.gather [hbm4b:s13+s4], $0x50, $0x38;
	[tilespmem:$0xE010] =	vst v63  }
0x2af: {  	s16 =	simm.s32 $0x190;
	s9 =	sadd.s32 s1, s8  }
0x2b0: {  	[tilespmem:s16], [sflag:$0x2] =	stream.linear.gather [hbm4b:s9+s4], $0x50, $0x38;
	[tilespmem:$0xE010] =	vst v63  }
0x2b1: {  	_ =	swait.ge [sflag:s24], $0x1400  }
0x2b2: {  	[sflag:s24] =	ssyncset.done $0x0  }
0x2b3: {  	s14 =	simm.s32 $0x2A80;
	[sflag:s24] =	ssyncadd.s32 $0xFFFFEC00  }
0x2b4: {  	[spmem:s3] =	stream.indirect.scatter.add.bf16 [tilespmem:s14], [sflag:$0xA], $0x40, s25, s30, $0xb8;
	[tilespmem:$0xE010] =	vst v63  }
0x2b5: {  	_ = 	snop  }
0x2b6: {  	[spmem:s17] =	stream.indirect.scatter.add.f32 [tilespmem:s10], [sflag:$0xE], $0x1, s25, s30, $0xb8;
	[tilespmem:$0xE010] =	vst v63  }
0x2b7: {  	_ =	swait.ge [sflag:s26], $0x1400  }
0x2b8: {  	[sflag:s26] =	ssyncset.done $0x0  }
0x2b9: {  	[sflag:s26] =	ssyncadd.s32 $0xFFFFEC00  }
0x2ba: {  	_ =	swait.ge [sflag:s2], $0x50  }
0x2bb: {  	[sflag:s2] =	ssyncset.done $0x0  }
0x2bc: {  	s21 =	simm.s32 $0x2;
	[sflag:s2] =	ssyncadd.s32 $0xFFFFFFB0  }
0x2bd: {  	_ =	swait.ge [sflag:s21], $0x50  }
0x2be: {  	[sflag:s21] =	ssyncset.done $0x0  }
0x2bf: {  	[sflag:s21] =	ssyncadd.s32 $0xFFFFFFB0  }
0x2c0: {  	_ =	swait.ge [sflag:s21], $0x50  }
0x2c1: {  	[sflag:s21] =	ssyncset.done $0x0  }
0x2c2: {  	s29 =	simm.s32 $0x1680;
	s24 =	rddreg [dreg:$0x9];
	[sflag:s21] =	ssyncadd.s32 $0xFFFFFFB0  }
0x2c3: {  	[tilespmem:s29], [sflag:$0x6] =	stream.indirect.gather [hbm4b:s12+s30], $0x40, s30, s30, $0xb8;
	[tilespmem:$0xE010] =	vst v63  }
0x2c4: {  	s2 =	simm.s32 $0xA0;
	s26 =	rddreg [dreg:$0xa];
	s13 =	sadd.s32 s1, s24  }
0x2c5: {  	[tilespmem:s2], [sflag:$0x3] =	stream.linear.gather [hbm4b:s13+s4], $0x50, $0x38;
	[tilespmem:$0xE010] =	vst v63  }
0x2c6: {  	s9 =	sadd.s32 s1, s26  }
0x2c7: {  	[tilespmem:s18], [sflag:$0x3] =	stream.linear.gather [hbm4b:s9+s4], $0x50, $0x38;
	[tilespmem:$0xE010] =	vst v63  }
0x2c8: {  	_ =	swait.ge [sflag:s19], $0x1400  }
0x2c9: {  	[sflag:s19] =	ssyncset.done $0x0  }
0x2ca: {  	[sflag:s19] =	ssyncadd.s32 $0xFFFFEC00  }
0x2cb: {  	[spmem:s3] =	stream.indirect.scatter.add.bf16 [tilespmem:s0], [sflag:$0x8], $0x40, s6, s30, $0xb8;
	[tilespmem:$0xE010] =	vst v63  }
0x2cc: {  	_ = 	snop  }
0x2cd: {  	[spmem:s17] =	stream.indirect.scatter.add.f32 [tilespmem:s10], [sflag:$0xB], $0x1, s6, s30, $0xb8;
	[tilespmem:$0xE010] =	vst v63  }
0x2ce: {  	_ =	swait.ge [sflag:s7], $0x1400  }
0x2cf: {  	[sflag:s7] =	ssyncset.done $0x0  }
0x2d0: {  	[sflag:s7] =	ssyncadd.s32 $0xFFFFEC00  }
0x2d1: {  	_ =	swait.ge [sflag:s22], $0x50  }
0x2d2: {  	[sflag:s22] =	ssyncset.done $0x0  }
0x2d3: {  	[sflag:s22] =	ssyncadd.s32 $0xFFFFFFB0  }
0x2d4: {  	_ =	swait.ge [sflag:s11], $0x50  }
0x2d5: {  	[sflag:s11] =	ssyncset.done $0x0  }
0x2d6: {  	[sflag:s11] =	ssyncadd.s32 $0xFFFFFFB0  }
0x2d7: {  	_ =	swait.ge [sflag:s11], $0x50  }
0x2d8: {  	[sflag:s11] =	ssyncset.done $0x0  }
0x2d9: {  	s19 =	rddreg [dreg:$0x7];
	[sflag:s11] =	ssyncadd.s32 $0xFFFFFFB0  }
0x2da: {  	[tilespmem:s14], [sflag:$0x7] =	stream.indirect.gather [hbm4b:s12+s30], $0x40, s2, s30, $0xb8;
	[tilespmem:$0xE010] =	vst v63  }
0x2db: {  	s18 =	simm.s32 $0xF0;
	s22 =	rddreg [dreg:$0x8];
	s13 =	sadd.s32 s1, s19  }
0x2dc: {  	[tilespmem:s18], [sflag:$0x4] =	stream.linear.gather [hbm4b:s13+s4], $0x50, $0x38;
	[tilespmem:$0xE010] =	vst v63  }
0x2dd: {  	s24 =	sadd.s32 s1, s22  }
0x2de: {  	[tilespmem:s25], [sflag:$0x4] =	stream.linear.gather [hbm4b:s24+s4], $0x50, $0x38;
	[tilespmem:$0xE010] =	vst v63  }
0x2df: {  	_ =	swait.ge [sflag:s20], $0x1400  }
0x2e0: {  	[sflag:s20] =	ssyncset.done $0x0  }
0x2e1: {  	s14 =	simm.s32 $0x190;
	[sflag:s20] =	ssyncadd.s32 $0xFFFFEC00  }
0x2e2: {  	[spmem:s3] =	stream.indirect.scatter.add.bf16 [tilespmem:s29], [sflag:$0x9], $0x40, s14, s30, $0xb8;
	[tilespmem:$0xE010] =	vst v63  }
0x2e3: {  	_ = 	snop  }
0x2e4: {  	[spmem:s17] =	stream.indirect.scatter.add.f32 [tilespmem:s10], [sflag:$0xC], $0x1, s14, s30, $0xb8;
	[tilespmem:$0xE010] =	vst v63  }
0x2e5: {  	_ =	swait.ge [sflag:s23], $0x1400  }
0x2e6: {  	[sflag:s23] =	ssyncset.done $0x0  }
0x2e7: {  	[sflag:s23] =	ssyncadd.s32 $0xFFFFEC00  }
0x2e8: {  	_ =	swait.ge [sflag:s31], $0x50  }
0x2e9: {  	[sflag:s31] =	ssyncset.done $0x0  }
0x2ea: {  	[sflag:s31] =	ssyncadd.s32 $0xFFFFFFB0;
	s31 =	simm.s32 $0x4  }
0x2eb: {  	_ =	swait.ge [sflag:s31], $0x50  }
0x2ec: {  	[sflag:s31] =	ssyncset.done $0x0  }
0x2ed: {  	p0 =	sne.s32 s15, $0x438;
	[sflag:s31] =	ssyncadd.s32 $0xFFFFFFB0  }
0x2ee: {  	s15 =	sadd.s32 $0x78, s15;
	s5 =	sadd.s32 $0x3C0, s5;
	_ =	swait.ge [sflag:s31], $0x50  }
.Ltmp0:
0x2ef: {  	[sflag:s31] =	ssyncset.done $0x0;
	s26 =	rddreg [dreg:$0x5];
	(pc) =	sbr.rel @p0 .LBB2_2-.Ltmp0, $4  }
0x2f0: {  	s16 =	simm.s32 $0x280;
	s29 =	rddreg [dreg:$0x6];
	[sflag:s31] =	ssyncadd.s32 $0xFFFFFFB0  }
0x2f1: {  	[tilespmem:s16], [sflag:$0x5] =	stream.indirect.gather [hbm4b:s12+s30], $0x40, s18, s30, $0xb8;
	[tilespmem:$0xE010] =	vst v63  }
0x2f2: {  	s0 =	simm.s32 $0x2A80;
	s13 =	sadd.s32 s1, s26;
	s1 =	sadd.s32 s1, s29  }
0x2f3: {  	[tilespmem:s4], [sflag:$0x1] =	stream.linear.gather [hbm4b:s13+s4], $0x50, $0x38;
	[tilespmem:$0xE010] =	vst v63  }
0x2f4: {  	s5 =	simm.s32 $0x140;
	s13 =	simm.s32 $0x1  }
0x2f5: {  	[tilespmem:s5], [sflag:$0x1] =	stream.linear.gather [hbm4b:s1+s4], $0x50, $0x38;
	[tilespmem:$0xE010] =	vst v63  }
0x2f6: {  	_ =	swait.ge [sflag:s13], $0x50  }
0x2f7: {  	[sflag:s13] =	ssyncset.done $0x0  }
0x2f8: {  	[sflag:s13] =	ssyncadd.s32 $0xFFFFFFB0  }
0x2f9: {  	_ =	swait.ge [sflag:s13], $0x50  }
0x2fa: {  	[sflag:s13] =	ssyncset.done $0x0  }
0x2fb: {  	s15 =	simm.s32 $0x1680;
	s2 =	simm.s32 $0x7;
	[sflag:s13] =	ssyncadd.s32 $0xFFFFFFB0  }
0x2fc: {  	[tilespmem:s15], [sflag:$0x6] =	stream.indirect.gather [hbm4b:s12+s30], $0x40, s4, s30, $0xb8;
	[tilespmem:$0xE010] =	vst v63  }
0x2fd: {  	_ =	swait.ge [sflag:s2], $0x1400  }
0x2fe: {  	[sflag:s2] =	ssyncset.done $0x0  }
0x2ff: {  	[sflag:s2] =	ssyncadd.s32 $0xFFFFEC00  }
0x300: {  	s6 =	simm.s32 $0x1E0;
	s2 =	rddreg [dreg:$0x2]  }
0x301: {  	[spmem:s2] =	stream.indirect.scatter.add.bf16 [tilespmem:s0], [sflag:$0xA], $0x40, s6, s30, $0xb8;
	[tilespmem:$0xE010] =	vst v63  }
0x302: {  	s10 =	simm.s32 $0x3E80;
	s16 =	simm.s32 $0x9;
	s3 =	rddreg [dreg:$0x3]  }
0x303: {  	[spmem:s3] =	stream.indirect.scatter.add.f32 [tilespmem:s10], [sflag:$0xD], $0x1, s6, s30, $0xb8;
	[tilespmem:$0xE010] =	vst v63  }
0x304: {  	_ =	swait.ge [sflag:s16], $0x1400  }
0x305: {  	[sflag:s16] =	ssyncset.done $0x0  }
0x306: {  	s17 =	simm.s32 $0xC;
	[sflag:s16] =	ssyncadd.s32 $0xFFFFEC00  }
0x307: {  	_ =	swait.ge [sflag:s17], $0x50  }
0x308: {  	[sflag:s17] =	ssyncset.done $0x0  }
0x309: {  	s19 =	simm.s32 $0x5;
	[sflag:s17] =	ssyncadd.s32 $0xFFFFFFB0  }
0x30a: {  	_ =	swait.ge [sflag:s19], $0x1400  }
0x30b: {  	[sflag:s19] =	ssyncset.done $0x0  }
0x30c: {  	s9 =	simm.s32 $0x280;
	s20 =	simm.s32 $0x230;
	[sflag:s19] =	ssyncadd.s32 $0xFFFFEC00  }
0x30d: {  	[spmem:s2] =	stream.indirect.scatter.add.bf16 [tilespmem:s9], [sflag:$0x8], $0x40, s20, s30, $0xb8;
	[tilespmem:$0xE010] =	vst v63  }
0x30e: {  	s22 =	simm.s32 $0xA  }
0x30f: {  	[spmem:s3] =	stream.indirect.scatter.add.f32 [tilespmem:s10], [sflag:$0xE], $0x1, s20, s30, $0xb8;
	[tilespmem:$0xE010] =	vst v63  }
0x310: {  	_ =	swait.ge [sflag:s22], $0x1400  }
0x311: {  	[sflag:s22] =	ssyncset.done $0x0  }
0x312: {  	s23 =	simm.s32 $0xD;
	[sflag:s22] =	ssyncadd.s32 $0xFFFFEC00  }
0x313: {  	_ =	swait.ge [sflag:s23], $0x50  }
0x314: {  	[sflag:s23] =	ssyncset.done $0x0  }
0x315: {  	s24 =	simm.s32 $0x6;
	[sflag:s23] =	ssyncadd.s32 $0xFFFFFFB0  }
0x316: {  	_ =	swait.ge [sflag:s24], $0x1400  }
0x317: {  	[sflag:s24] =	ssyncset.done $0x0  }
0x318: {  	[sflag:s24] =	ssyncadd.s32 $0xFFFFEC00  }
0x319: {  	[spmem:s2] =	stream.indirect.scatter.add.bf16 [tilespmem:s15], [sflag:$0x9], $0x40, s5, s30, $0xb8;
	[tilespmem:$0xE010] =	vst v63  }
0x31a: {  	s25 =	simm.s32 $0x8  }
0x31b: {  	[spmem:s3] =	stream.indirect.scatter.add.f32 [tilespmem:s10], [sflag:$0xB], $0x1, s5, s30, $0xb8;
	[tilespmem:$0xE010] =	vst v63  }
0x31c: {  	_ =	swait.ge [sflag:s25], $0x1400  }
0x31d: {  	[sflag:s25] =	ssyncset.done $0x0  }
0x31e: {  	s26 =	simm.s32 $0xE;
	[sflag:s25] =	ssyncadd.s32 $0xFFFFEC00  }
0x31f: {  	_ =	swait.ge [sflag:s26], $0x50  }
0x320: {  	[sflag:s26] =	ssyncset.done $0x0  }
0x321: {  	[sflag:s26] =	ssyncadd.s32 $0xFFFFFFB0  }
0x322: {  	_ =	swait.ge [sflag:s16], $0x1400  }
0x323: {  	[sflag:s16] =	ssyncset.done $0x0  }
0x324: {  	s29 =	simm.s32 $0xB;
	[sflag:s16] =	ssyncadd.s32 $0xFFFFEC00  }
0x325: {  	_ =	swait.ge [sflag:s29], $0x50  }
0x326: {  	[sflag:s29] =	ssyncset.done $0x0  }
0x327: {  	[sflag:s29] =	ssyncadd.s32 $0xFFFFFFB0  }
0x328: {  	[bflag:$0x0] =	sbarrier.arrive $0xFFFF  }
0x329: {  	s20 =	sld [smem:$0x7F5];
	_ =	sdelay $0x1  }
0x32a: {  	s13 =	simm.s32 $0xF  }
0x32b: {  	[tilespmem:s9], [sflag:$0xF] =	stream.linear.gather [spmem:s20], $0x1400, $0x38;
	[tilespmem:$0xE010] =	vst v63  }
0x32c: {  	_ =	swait.ge [sflag:s13], $0x1400  }
0x32d: {  	[sflag:s13] =	ssyncset.done $0x0  }
0x32e: {  	s0 =	rddreg [dreg:$0x1d];
	[sflag:s13] =	ssyncadd.s32 $0xFFFFEC00  }
0x32f: {  	[hbm4b:s0+s4] =	stream.linear.scatter [tilespmem:s9], [sflag:$0xF], $0x1400, $0x38;
	[tilespmem:$0xE010] =	vst v63  }
0x330: {  	_ =	swait.ge [sflag:s13], $0x1400  }
0x331: {  	s16 =	sld [smem:$0x7F6]  }
0x332: {  	[sflag:s13] =	ssyncset.done $0x0  }
0x333: {  	[sflag:s13] =	ssyncadd.s32 $0xFFFFEC00  }
0x334: {  	[tilespmem:s9], [sflag:$0xF] =	stream.linear.gather [spmem:s16], $0x1400, $0x38;
	[tilespmem:$0xE010] =	vst v63  }
0x335: {  	_ =	swait.ge [sflag:s13], $0x1400  }
0x336: {  	[sflag:s13] =	ssyncset.done $0x0  }
0x337: {  	s2 =	rddreg [dreg:$0x1e];
	[sflag:s13] =	ssyncadd.s32 $0xFFFFEC00  }
0x338: {  	[hbm4b:s2+s4] =	stream.linear.scatter [tilespmem:s9], [sflag:$0xF], $0x1400, $0x38;
	[tilespmem:$0xE010] =	vst v63  }
0x339: {  	_ =	swait.ge [sflag:s13], $0x1400  }
0x33a: {  	s10 =	sld [smem:$0x7F7]  }
0x33b: {  	[sflag:s13] =	ssyncset.done $0x0  }
0x33c: {  	[sflag:s13] =	ssyncadd.s32 $0xFFFFEC00  }
0x33d: {  	[tilespmem:s9], [sflag:$0xF] =	stream.linear.gather [spmem:s10], $0x1400, $0x38;
	[tilespmem:$0xE010] =	vst v63  }
0x33e: {  	_ =	swait.ge [sflag:s13], $0x1400  }
0x33f: {  	[sflag:s13] =	ssyncset.done $0x0  }
0x340: {  	s3 =	rddreg [dreg:$0x1f];
	[sflag:s13] =	ssyncadd.s32 $0xFFFFEC00  }
0x341: {  	[hbm4b:s3+s4] =	stream.linear.scatter [tilespmem:s9], [sflag:$0xF], $0x1400, $0x38;
	[tilespmem:$0xE010] =	vst v63  }
0x342: {  	_ =	swait.ge [sflag:s13], $0x1400  }
0x343: {  	s23 =	sld [smem:$0x7F8]  }
0x344: {  	[sflag:s13] =	ssyncset.done $0x0  }
0x345: {  	[sflag:s13] =	ssyncadd.s32 $0xFFFFEC00  }
0x346: {  	[tilespmem:s9], [sflag:$0xF] =	stream.linear.gather [spmem:s23], $0x1400, $0x38;
	[tilespmem:$0xE010] =	vst v63  }
0x347: {  	_ =	swait.ge [sflag:s13], $0x1400  }
0x348: {  	s5 =	sld [smem:$0x7E0]  }
0x349: {  	[sflag:s13] =	ssyncset.done $0x0  }
0x34a: {  	[sflag:s13] =	ssyncadd.s32 $0xFFFFEC00  }
0x34b: {  	[hbm4b:s5+s4] =	stream.linear.scatter [tilespmem:s9], [sflag:$0xF], $0x1400, $0x38;
	[tilespmem:$0xE010] =	vst v63  }
0x34c: {  	_ =	swait.ge [sflag:s13], $0x1400  }
0x34d: {  	s24 =	sld [smem:$0x7F9]  }
0x34e: {  	[sflag:s13] =	ssyncset.done $0x0  }
0x34f: {  	[sflag:s13] =	ssyncadd.s32 $0xFFFFEC00  }
0x350: {  	[tilespmem:s9], [sflag:$0xF] =	stream.linear.gather [spmem:s24], $0x1400, $0x38;
	[tilespmem:$0xE010] =	vst v63  }
0x351: {  	_ =	swait.ge [sflag:s13], $0x1400  }
0x352: {  	s6 =	sld [smem:$0x7E1]  }
0x353: {  	[sflag:s13] =	ssyncset.done $0x0  }
0x354: {  	[sflag:s13] =	ssyncadd.s32 $0xFFFFEC00  }
0x355: {  	[hbm4b:s6+s4] =	stream.linear.scatter [tilespmem:s9], [sflag:$0xF], $0x1400, $0x38;
	[tilespmem:$0xE010] =	vst v63  }
0x356: {  	_ =	swait.ge [sflag:s13], $0x1400  }
0x357: {  	s25 =	sld [smem:$0x7FA]  }
0x358: {  	[sflag:s13] =	ssyncset.done $0x0  }
0x359: {  	[sflag:s13] =	ssyncadd.s32 $0xFFFFEC00  }
0x35a: {  	[tilespmem:s9], [sflag:$0xF] =	stream.linear.gather [spmem:s25], $0x1400, $0x38;
	[tilespmem:$0xE010] =	vst v63  }
0x35b: {  	_ =	swait.ge [sflag:s13], $0x1400  }
0x35c: {  	s7 =	sld [smem:$0x7E2]  }
0x35d: {  	[sflag:s13] =	ssyncset.done $0x0  }
0x35e: {  	[sflag:s13] =	ssyncadd.s32 $0xFFFFEC00  }
0x35f: {  	[hbm4b:s7+s4] =	stream.linear.scatter [tilespmem:s9], [sflag:$0xF], $0x1400, $0x38;
	[tilespmem:$0xE010] =	vst v63  }
0x360: {  	_ =	swait.ge [sflag:s13], $0x1400  }
0x361: {  	s28 =	sld [smem:$0x7FB]  }
0x362: {  	[sflag:s13] =	ssyncset.done $0x0  }
0x363: {  	[sflag:s13] =	ssyncadd.s32 $0xFFFFEC00  }
0x364: {  	[tilespmem:s9], [sflag:$0xF] =	stream.linear.gather [spmem:s28], $0x1400, $0x38;
	[tilespmem:$0xE010] =	vst v63  }
0x365: {  	_ =	swait.ge [sflag:s13], $0x1400  }
0x366: {  	s8 =	sld [smem:$0x7E3]  }
0x367: {  	[sflag:s13] =	ssyncset.done $0x0  }
0x368: {  	[sflag:s13] =	ssyncadd.s32 $0xFFFFEC00  }
0x369: {  	[hbm4b:s8+s4] =	stream.linear.scatter [tilespmem:s9], [sflag:$0xF], $0x1400, $0x38;
	[tilespmem:$0xE010] =	vst v63  }
0x36a: {  	_ =	swait.ge [sflag:s13], $0x1400  }
0x36b: {  	s5 =	sld [smem:$0x7FC]  }
0x36c: {  	[sflag:s13] =	ssyncset.done $0x0  }
0x36d: {  	[sflag:s13] =	ssyncadd.s32 $0xFFFFEC00  }
0x36e: {  	[tilespmem:s9], [sflag:$0xF] =	stream.linear.gather [spmem:s5], $0x1040, $0x38;
	[tilespmem:$0xE010] =	vst v63  }
0x36f: {  	_ =	swait.ge [sflag:s13], $0x1040  }
0x370: {  	s15 =	sld [smem:$0x7E4]  }
0x371: {  	[sflag:s13] =	ssyncset.done $0x0  }
0x372: {  	[sflag:s13] =	ssyncadd.s32 $0xFFFFEFC0  }
0x373: {  	[hbm4b:s15+s4] =	stream.linear.scatter [tilespmem:s9], [sflag:$0xF], $0x1040, $0x38;
	[tilespmem:$0xE010] =	vst v63  }
0x374: {  	_ =	swait.ge [sflag:s13], $0x1040  }
0x375: {  	s15 =	sld [smem:$0x7FD]  }
0x376: {  	[sflag:s13] =	ssyncset.done $0x0  }
0x377: {  	s17 =	simm.s32 $0x3ED0;
	[sflag:s13] =	ssyncadd.s32 $0xFFFFEFC0  }
0x378: {  	[tilespmem:s17], [sflag:$0xF] =	stream.linear.gather [spmem:s15], $0x280, $0x38;
	[tilespmem:$0xE010] =	vst v63  }
0x379: {  	_ =	swait.ge [sflag:s13], $0x280  }
0x37a: {  	s19 =	sld [smem:$0x7E8]  }
0x37b: {  	[sflag:s13] =	ssyncset.done $0x0  }
0x37c: {  	[sflag:s13] =	ssyncadd.s32 $0xFFFFFD80  }
0x37d: {  	[hbm4b:s19+s4] =	stream.linear.scatter [tilespmem:s17], [sflag:$0xF], $0x280, $0x38;
	[tilespmem:$0xE010] =	vst v63  }
0x37e: {  	_ =	swait.ge [sflag:s13], $0x280  }
0x37f: {  	s22 =	sld [smem:$0x7DF]  }
0x380: {  	s26 =	sld [smem:$0x7E9];
	_ =	sdelay $0x1  }
0x381: {  	s0 =	sadd.s32 $0x1, s22  }
0x382: {  	p0 =	sne.s32 s0, s26  }
.Ltmp1:
0x383: {  	_ = 	snop;
	(pc) =	sbr.rel @p0 .LBB2_1-.Ltmp1, $3  }
0x384: {  	_ =	sdelay $0x1  }
0x385: {  	s29 =	simm.s32 $0xF;
	[sflag:s13] =	ssyncset.done $0x0  }
0x386: {  	[sflag:s29] =	ssyncadd.s32 $0xFFFFFD80  }
0x387: {  	_ =	sfence.sel $0x180000  }
0x388: {  	[bflag:$0x0] =	sbarrier.arrive $0xFFFF  }
0x389: {  	_ =	strace $0x90000047  }
0x38a: {  	s0 =	stileid.u32;
	[bflag:$0x2] =	sbarrier.arrive $0xFFFF  }
0x38b: {  	p0 =	sne.s32 s0, $0x0;
	s0 =	rddreg [dreg:$0x4]  }
0x38c: {  	s0 =	sadd.s32 @!p0 $0x100000, s0  }
0x38d: {  	[sflag:s0] =	ssyncadd.tile.s32 @!p0 $0x1;
	_ =	shalt  }
.Lfunc_end2:
_tile_overlayer_lowered:
.L_overlay_start_2:
0x38e: {  	(tag) =	ssettag $0x2  }
0x38f: {  	s0 =	rddreg [dreg:$0x0];
	s2 =	stileid.u32  }
0x390: {  	s1 =	rddreg [dreg:$0x1];
	p0 =	sne.s32 s2, $0x0  }
0x391: {  	s3 =	rddreg [dreg:$0x2];
	[bflag:$0x3] =	sbarrier.arrive $0xFFFF;
	s2 =	simm.s32 @!p0 $0x1C0F  }
0x392: {  	[timem:s3], [sflag:s2] =	dma.local @!p0 [hbm:s0], s1  }
0x393: {  	s0 =	simm.s32 @!p0 $0xF  }
0x394: {  	_ =	swait.ge @!p0 [sflag:s0], s1  }
0x395: {  	s1 =	ssub.s32 @!p0 $0x0, s1;
	[sflag:s0] =	ssyncset.done @!p0 $0x0  }
0x396: {  	[sflag:s0] =	ssyncadd.s32 @!p0 s1  }
0x397: {  	[bflag:$0x3] =	sbarrier.arrive $0xFFFF  }
0x398: {  	_ =	shalt  }

</sc_bundles>
